<compile_context>
chip_gen: v7x
topology: tpu7x:2x2x1
jax: 0.10.2.dev20260603
libtpu: 0.0.44.dev20260713+nightly
codegen_flags: <defaults>
</compile_context>

<pallas_src>
import functools

import jax
import jax.numpy as jnp
from jax import lax
from jax.experimental import pallas as pl
from jax.experimental.pallas import tpu as pltpu
from jax.experimental.pallas import tpu_sc as plsc

NC = 2
NS = 16
NW = NC * NS
LANES = 16


@functools.lru_cache(maxsize=None)
def _make_pool(B, L, V, E, interpret=False):
    assert B % NW == 0
    bpw = B // NW
    ecols = E // LANES

    mesh = plsc.VectorSubcoreMesh(
        core_axis_name="c", subcore_axis_name="s", num_cores=NC, num_subcores=NS)

    IBLK = 32
    NBUF = 4
    assert bpw % NBUF == 0 and bpw % IBLK == 0

    @functools.partial(
        pl.kernel,
        out_type=jax.ShapeDtypeStruct((B, E), jnp.float32),
        mesh=mesh,
        scratch_types=[
            pltpu.VMEM((2, IBLK, L), jnp.int32),
            pltpu.VMEM((NBUF, L, E), jnp.float32),
            pltpu.VMEM((bpw, E), jnp.float32),
            pltpu.SemaphoreType.DMA,
            pltpu.SemaphoreType.DMA,
            pltpu.SemaphoreType.DMA,
            pltpu.SemaphoreType.DMA,
        ],
        compiler_params=pltpu.CompilerParams(use_tc_tiling_on_sc=False),
        interpret=interpret,
    )
    def pool(x_hbm, emb_hbm, out_hbm, idxblk, rows_v, outbuf, *sems):
        wid = lax.axis_index("s") * NC + lax.axis_index("c")
        base = wid * bpw

        def load_iblk(r):
            blk = r // IBLK
            pltpu.sync_copy(
                x_hbm.at[pl.ds(base + blk * IBLK, IBLK)], idxblk.at[blk % 2])

        def idx_view(r):
            return idxblk.at[(r // IBLK) % 2, r % IBLK]

        def start_row(r, b):
            pltpu.async_copy(emb_hbm.at[idx_view(r)], rows_v.at[b], sems[b])

        def wait_row(r, b):
            pltpu.make_async_copy(
                emb_hbm.at[idx_view(r)], rows_v.at[b], sems[b]).wait()

        load_iblk(0)
        for j in range(NBUF - 1):
            start_row(j, j)

        @pl.loop(0, bpw, step=NBUF)
        def _rows(r):
            for j in range(NBUF):
                rr = r + j
                nxt = rr + (NBUF - 1)

                @pl.when(jnp.logical_and(nxt % IBLK == 0, nxt < bpw))
                def _():
                    load_iblk(nxt)

                @pl.when(nxt < bpw)
                def _():
                    start_row(nxt, (j + NBUF - 1) % NBUF)

                wait_row(rr, j)

                zeros = tuple(jnp.zeros((LANES,), jnp.float32) for _ in range(ecols))

                @pl.loop(0, L, init_carry=zeros, unroll=8)
                def _red(k, carry):
                    return tuple(
                        carry[c] + rows_v[j, k, pl.ds(c * LANES, LANES)]
                        for c in range(ecols))

                acc = _red
                for c in range(ecols):
                    outbuf[rr, pl.ds(c * LANES, LANES)] = acc[c]

        pltpu.sync_copy(outbuf, out_hbm.at[pl.ds(base, bpw)])

    return pool


@functools.lru_cache(maxsize=None)
def _make_mlp(B, E, H2, H, N, inv_l, interpret=False):
    BM = min(B, 2048)
    assert B % BM == 0

    def body(s_ref, w1_ref, b1_ref, w2_ref, b2_ref, w3_ref, b3_ref, o_ref):
        p = s_ref[...] * inv_l
        h = jnp.dot(p, w1_ref[...], preferred_element_type=jnp.float32)
        h = jnp.maximum(h + b1_ref[...], 0.0)
        h = jnp.dot(h, w2_ref[...], preferred_element_type=jnp.float32)
        h = jnp.maximum(h + b2_ref[...], 0.0)
        o = jnp.dot(h, w3_ref[...], preferred_element_type=jnp.float32)
        o_ref[...] = o + b3_ref[...]

    zero = lambda i: (0, 0)
    return pl.pallas_call(
        body,
        grid=(B // BM,),
        in_specs=[
            pl.BlockSpec((BM, E), lambda i: (i, 0)),
            pl.BlockSpec((E, H2), zero),
            pl.BlockSpec((1, H2), zero),
            pl.BlockSpec((H2, H), zero),
            pl.BlockSpec((1, H), zero),
            pl.BlockSpec((H, N), zero),
            pl.BlockSpec((1, N), zero),
        ],
        out_specs=pl.BlockSpec((BM, N), lambda i: (i, 0)),
        out_shape=jax.ShapeDtypeStruct((B, N), jnp.float32),
        interpret=interpret,
    )


def _run(x, emb, W1, b1, W2, b2, W3, b3, interpret=False):
    B, L = x.shape
    V, E = emb.shape
    H2 = W1.shape[1]
    H = W2.shape[1]
    N = W3.shape[1]
    sums = _make_pool(B, L, V, E, interpret)(x.astype(jnp.int32), emb)
    mlp = _make_mlp(B, E, H2, H, N, 1.0 / L, interpret)
    return mlp(sums, W1, b1.reshape(1, -1), W2, b2.reshape(1, -1),
               W3, b3.reshape(1, -1))


def kernel(x, emb, W1, b1, W2, b2, W3, b3):
    return _run(x, emb, W1, b1, W2, b2, W3, b3)

# --- scband reference (transcript-rebuilt; emitter-appended) ---
"""Pipeline reference for scband-net-1735166788037 (READ-ONLY COPY).

The authoritative reference and input builder live on the scoring server;
editing this copy changes nothing except your own understanding.
"""

import jax, jax.numpy as jnp
import numpy as np

VOCAB = 1000000
EMB = 64
HID = 128
NCLS = 10
B = 16384
L = 200

def setup_inputs(seed: int = 0) -> dict:
    key = jax.random.key(seed)
    ks = [jax.random.fold_in(key, i) for i in range(8)]
    x = jax.random.randint(ks[0], (B, L), 0, VOCAB, dtype=jnp.int64 if jax.config.jax_enable_x64 else jnp.int32)
    emb = jax.random.normal(ks[1], (VOCAB, EMB), dtype=jnp.float32) * 0.02
    W1 = jax.random.normal(ks[2], (EMB, HID * 2), dtype=jnp.float32) * (1.0 / np.sqrt(EMB))
    b1 = jnp.zeros((HID * 2,), dtype=jnp.float32)
    W2 = jax.random.normal(ks[3], (HID * 2, HID), dtype=jnp.float32) * (1.0 / np.sqrt(HID * 2))
    b2 = jnp.zeros((HID,), dtype=jnp.float32)
    W3 = jax.random.normal(ks[4], (HID, NCLS), dtype=jnp.float32) * (1.0 / np.sqrt(HID))
    b3 = jnp.zeros((NCLS,), dtype=jnp.float32)
    return {"x": x, "emb": emb, "W1": W1, "b1": b1, "W2": W2, "b2": b2, "W3": W3, "b3": b3}

def reference(x, emb, W1, b1, W2, b2, W3, b3):
    # embedding lookup (gather)
    e = jnp.take(emb, x, axis=0)            # [B, L, EMB]
    pooled = jnp.mean(e, axis=1)            # [B, EMB] (mask is None path)
    h = jax.nn.relu(pooled @ W1 + b1)
    h = jax.nn.relu(h @ W2 + b2)
    out = h @ W3 + b3                       # [B, NCLS]
    return out

if __name__ == "__main__":
    import jax
    _d = setup_inputs()
    print(jax.jit(kernel)(*tuple(_d.values())))

</pallas_src>

<mosaic_0001>
#map = affine_map<(d0, d1) -> (0, 0)>
module attributes {stable_mosaic.version = 14 : i64} {
  func.func @pool(%arg0: i32, %arg1: i32, %arg2: memref<16384x200xi32, #tpu.memory_space<hbm>>, %arg3: memref<1000000x64xf32, #tpu.memory_space<hbm>>, %arg4: memref<16384x64xf32, #tpu.memory_space<hbm>>, %arg5: memref<2x32x200xi32, #tpu.memory_space<vmem>>, %arg6: memref<4x200x64xf32, #tpu.memory_space<vmem>>, %arg7: memref<512x64xf32, #tpu.memory_space<vmem>>, %arg8: memref<!tpu.dma_semaphore, #tpu.memory_space<semaphore_mem>>, %arg9: memref<!tpu.dma_semaphore, #tpu.memory_space<semaphore_mem>>, %arg10: memref<!tpu.dma_semaphore, #tpu.memory_space<semaphore_mem>>, %arg11: memref<!tpu.dma_semaphore, #tpu.memory_space<semaphore_mem>>) attributes {dimension_semantics = [#tpu.dimension_semantics<core_parallel>, #tpu.dimension_semantics<subcore_parallel>], iteration_bounds = array<i64: 2, 16>, scalar_prefetch = 0 : i64, scratch_operands = 7 : i64, tpu.core_type = #tpu.core_type<sc_vector_subcore>, window_params = [{transform_indices = #map}, {transform_indices = #map}, {transform_indices = #map}]} {
    %mul3A = arith.constant 2 : i32
    %mul3A_0 = arith.muli %arg1, %mul3A : i32
    %add3A = arith.addi %mul3A_0, %arg0 : i32
    %mul3A_1 = arith.constant 512 : i32
    %mul3A_2 = arith.muli %add3A, %mul3A_1 : i32
    %add3A_3 = arith.constant 0 : i32
    %add3A_4 = arith.addi %mul3A_2, %add3A_3 : i32
    %run_scoped3A = arith.constant 0 : i32
    "tpu.region"() ({
      %run_scoped3A_47 = tpu.sem_alloc : memref<!tpu.dma_semaphore, #tpu.memory_space<semaphore_mem>>
      %dma_start3A_48 = arith.constant 0 : i32
      %dma_start3A_49 = arith.constant 0 : i32
      %dma_start3A_50 = tpu.memref_slice %arg5[%run_scoped3A, %dma_start3A_48, %dma_start3A_49] : memref<2x32x200xi32, #tpu.memory_space<vmem>> -> memref<1x32x200xi32, #tpu.memory_space<vmem>>
      %dma_start3A_51 = tpu.memref_squeeze %dma_start3A_50 : memref<1x32x200xi32, #tpu.memory_space<vmem>> -> memref<32x200xi32, #tpu.memory_space<vmem>>
      %dma_start3A_52 = arith.constant 0 : i32
      %dma_start3A_53 = tpu.memref_slice %arg2[%add3A_4, %dma_start3A_52] : memref<16384x200xi32, #tpu.memory_space<hbm>> -> memref<32x200xi32, #tpu.memory_space<hbm>>
      %dma_start3A_54 = arith.constant 0 : i32
      %dma_start3A_55 = arith.constant 0 : i32
      %dma_start3A_56 = tpu.memref_slice %arg5[%run_scoped3A, %dma_start3A_54, %dma_start3A_55] : memref<2x32x200xi32, #tpu.memory_space<vmem>> -> memref<1x32x200xi32, #tpu.memory_space<vmem>>
      %dma_start3A_57 = tpu.memref_squeeze %dma_start3A_56 : memref<1x32x200xi32, #tpu.memory_space<vmem>> -> memref<32x200xi32, #tpu.memory_space<vmem>>
      %dma_start3A_58 = arith.constant 0 : i32
      %dma_start3A_59 = tpu.memref_slice %arg2[%add3A_4, %dma_start3A_58] : memref<16384x200xi32, #tpu.memory_space<hbm>> -> memref<32x200xi32, #tpu.memory_space<hbm>>
      tpu.enqueue_dma source(%dma_start3A_59 : memref<32x200xi32, #tpu.memory_space<hbm>>) target(%dma_start3A_57 : memref<32x200xi32, #tpu.memory_space<vmem>>) target_semaphore(%run_scoped3A_47 : memref<!tpu.dma_semaphore, #tpu.memory_space<semaphore_mem>>)
      %dma_wait3A = arith.constant 0 : i32
      %dma_wait3A_60 = arith.constant 0 : i32
      %dma_wait3A_61 = tpu.memref_slice %arg5[%run_scoped3A, %dma_wait3A, %dma_wait3A_60] : memref<2x32x200xi32, #tpu.memory_space<vmem>> -> memref<1x32x200xi32, #tpu.memory_space<vmem>>
      %dma_wait3A_62 = tpu.memref_squeeze %dma_wait3A_61 : memref<1x32x200xi32, #tpu.memory_space<vmem>> -> memref<32x200xi32, #tpu.memory_space<vmem>>
      %dma_wait3A_63 = arith.constant 0 : i32
      %dma_wait3A_64 = tpu.memref_slice %arg2[%add3A_4, %dma_wait3A_63] : memref<16384x200xi32, #tpu.memory_space<hbm>> -> memref<32x200xi32, #tpu.memory_space<hbm>>
      %dma_wait3A_65 = arith.constant 0 : i32
      %dma_wait3A_66 = arith.constant 0 : i32
      %dma_wait3A_67 = tpu.memref_slice %arg5[%run_scoped3A, %dma_wait3A_65, %dma_wait3A_66] : memref<2x32x200xi32, #tpu.memory_space<vmem>> -> memref<1x32x200xi32, #tpu.memory_space<vmem>>
      %dma_wait3A_68 = tpu.memref_squeeze %dma_wait3A_67 : memref<1x32x200xi32, #tpu.memory_space<vmem>> -> memref<32x200xi32, #tpu.memory_space<vmem>>
      %dma_wait3A_69 = arith.constant 0 : i32
      %dma_wait3A_70 = tpu.memref_slice %arg2[%add3A_4, %dma_wait3A_69] : memref<16384x200xi32, #tpu.memory_space<hbm>> -> memref<32x200xi32, #tpu.memory_space<hbm>>
      tpu.wait_dma2 semaphore(%run_scoped3A_47 : memref<!tpu.dma_semaphore, #tpu.memory_space<semaphore_mem>>) src(%dma_wait3A_70 : memref<32x200xi32, #tpu.memory_space<hbm>>) dst(%dma_wait3A_68 : memref<32x200xi32, #tpu.memory_space<vmem>>)
      tpu.yield
    }) : () -> ()
    %dma_start3A = arith.constant 0 : i32
    %dma_start3A_5 = arith.constant 0 : i32
    %dma_start3A_6 = arith.constant 0 : i32
    %dma_start3A_7 = arith.constant 0 : i32
    %dma_start3A_8 = arith.constant 0 : i32
    %dma_start3A_9 = tpu.memref_slice %arg6[%dma_start3A_6, %dma_start3A_7, %dma_start3A_8] : memref<4x200x64xf32, #tpu.memory_space<vmem>> -> memref<1x200x64xf32, #tpu.memory_space<vmem>>
    %dma_start3A_10 = tpu.memref_squeeze %dma_start3A_9 : memref<1x200x64xf32, #tpu.memory_space<vmem>> -> memref<200x64xf32, #tpu.memory_space<vmem>>
    %dma_start3A_11 = arith.constant 0 : i32
    %dma_start3A_12 = tpu.memref_slice %arg5[%dma_start3A, %dma_start3A_5, %dma_start3A_11] : memref<2x32x200xi32, #tpu.memory_space<vmem>> -> memref<1x1x200xi32, #tpu.memory_space<vmem>>
    %dma_start3A_13 = tpu.memref_squeeze %dma_start3A_12 : memref<1x1x200xi32, #tpu.memory_space<vmem>> -> memref<200xi32, #tpu.memory_space<vmem>>
    %dma_start3A_14 = arith.constant 0 : i32
    %dma_start3A_15 = arith.constant 0 : i32
    %dma_start3A_16 = tpu.memref_slice %arg3[%dma_start3A_14, %dma_start3A_15] : memref<1000000x64xf32, #tpu.memory_space<hbm>> -> memref<1000000x64xf32, #tpu.memory_space<hbm>>
    tpu.enqueue_indirect_dma source(%dma_start3A_16 : memref<1000000x64xf32, #tpu.memory_space<hbm>>) target(%dma_start3A_10 : memref<200x64xf32, #tpu.memory_space<vmem>>) offsets(%dma_start3A_13 : memref<200xi32, #tpu.memory_space<vmem>>) semaphore(%arg8 : memref<!tpu.dma_semaphore, #tpu.memory_space<semaphore_mem>>)
    %dma_start3A_17 = arith.constant 0 : i32
    %dma_start3A_18 = arith.constant 1 : i32
    %dma_start3A_19 = arith.constant 1 : i32
    %dma_start3A_20 = arith.constant 0 : i32
    %dma_start3A_21 = arith.constant 0 : i32
    %dma_start3A_22 = tpu.memref_slice %arg6[%dma_start3A_19, %dma_start3A_20, %dma_start3A_21] : memref<4x200x64xf32, #tpu.memory_space<vmem>> -> memref<1x200x64xf32, #tpu.memory_space<vmem>>
    %dma_start3A_23 = tpu.memref_squeeze %dma_start3A_22 : memref<1x200x64xf32, #tpu.memory_space<vmem>> -> memref<200x64xf32, #tpu.memory_space<vmem>>
    %dma_start3A_24 = arith.constant 0 : i32
    %dma_start3A_25 = tpu.memref_slice %arg5[%dma_start3A_17, %dma_start3A_18, %dma_start3A_24] : memref<2x32x200xi32, #tpu.memory_space<vmem>> -> memref<1x1x200xi32, #tpu.memory_space<vmem>>
    %dma_start3A_26 = tpu.memref_squeeze %dma_start3A_25 : memref<1x1x200xi32, #tpu.memory_space<vmem>> -> memref<200xi32, #tpu.memory_space<vmem>>
    %dma_start3A_27 = arith.constant 0 : i32
    %dma_start3A_28 = arith.constant 0 : i32
    %dma_start3A_29 = tpu.memref_slice %arg3[%dma_start3A_27, %dma_start3A_28] : memref<1000000x64xf32, #tpu.memory_space<hbm>> -> memref<1000000x64xf32, #tpu.memory_space<hbm>>
    tpu.enqueue_indirect_dma source(%dma_start3A_29 : memref<1000000x64xf32, #tpu.memory_space<hbm>>) target(%dma_start3A_23 : memref<200x64xf32, #tpu.memory_space<vmem>>) offsets(%dma_start3A_26 : memref<200xi32, #tpu.memory_space<vmem>>) semaphore(%arg9 : memref<!tpu.dma_semaphore, #tpu.memory_space<semaphore_mem>>)
    %dma_start3A_30 = arith.constant 0 : i32
    %dma_start3A_31 = arith.constant 2 : i32
    %dma_start3A_32 = arith.constant 2 : i32
    %dma_start3A_33 = arith.constant 0 : i32
    %dma_start3A_34 = arith.constant 0 : i32
    %dma_start3A_35 = tpu.memref_slice %arg6[%dma_start3A_32, %dma_start3A_33, %dma_start3A_34] : memref<4x200x64xf32, #tpu.memory_space<vmem>> -> memref<1x200x64xf32, #tpu.memory_space<vmem>>
    %dma_start3A_36 = tpu.memref_squeeze %dma_start3A_35 : memref<1x200x64xf32, #tpu.memory_space<vmem>> -> memref<200x64xf32, #tpu.memory_space<vmem>>
    %dma_start3A_37 = arith.constant 0 : i32
    %dma_start3A_38 = tpu.memref_slice %arg5[%dma_start3A_30, %dma_start3A_31, %dma_start3A_37] : memref<2x32x200xi32, #tpu.memory_space<vmem>> -> memref<1x1x200xi32, #tpu.memory_space<vmem>>
    %dma_start3A_39 = tpu.memref_squeeze %dma_start3A_38 : memref<1x1x200xi32, #tpu.memory_space<vmem>> -> memref<200xi32, #tpu.memory_space<vmem>>
    %dma_start3A_40 = arith.constant 0 : i32
    %dma_start3A_41 = arith.constant 0 : i32
    %dma_start3A_42 = tpu.memref_slice %arg3[%dma_start3A_40, %dma_start3A_41] : memref<1000000x64xf32, #tpu.memory_space<hbm>> -> memref<1000000x64xf32, #tpu.memory_space<hbm>>
    tpu.enqueue_indirect_dma source(%dma_start3A_42 : memref<1000000x64xf32, #tpu.memory_space<hbm>>) target(%dma_start3A_36 : memref<200x64xf32, #tpu.memory_space<vmem>>) offsets(%dma_start3A_39 : memref<200xi32, #tpu.memory_space<vmem>>) semaphore(%arg10 : memref<!tpu.dma_semaphore, #tpu.memory_space<semaphore_mem>>)
    %scan3A = arith.constant 0 : i32
    %scan3A_43 = arith.constant 128 : i32
    %scan3A_44 = arith.addi %scan3A, %scan3A_43 : i32
    %scan3A_45 = arith.constant 1 : i32
    scf.for %scan3A_47 = %scan3A to %scan3A_44 step %scan3A_45  : i32 {
      %mul3A_48 = arith.constant 4 : i32
      %mul3A_49 = arith.muli %scan3A_47, %mul3A_48 : i32
      %add3A_50 = arith.constant 0 : i32
      %add3A_51 = arith.addi %add3A_50, %mul3A_49 : i32
      %add3A_52 = arith.constant 0 : i32
      %add3A_53 = arith.addi %add3A_51, %add3A_52 : i32
      %add3A_54 = arith.constant 3 : i32
      %add3A_55 = arith.addi %add3A_53, %add3A_54 : i32
      %jit3A = arith.constant 32 : i32
      %eq3A = arith.constant 0 : i32
      %eq3A_56 = arith.cmpi eq, %jit3A, %eq3A : i32
      %jit3A_57 = arith.constant 1 : i32
      %select_n3A = arith.select %eq3A_56, %jit3A_57, %jit3A : i32
      %rem3A = arith.remsi %add3A_55, %select_n3A : i32
      %ne3A = arith.constant 0 : i32
      %ne3A_58 = arith.cmpi ne, %rem3A, %ne3A : i32
      %lt3A = arith.constant 0 : i32
      %lt3A_59 = arith.cmpi slt, %rem3A, %lt3A : i32
      %lt3A_60 = arith.constant 0 : i32
      %lt3A_61 = arith.cmpi slt, %select_n3A, %lt3A_60 : i32
      %ne3A_62 = arith.xori %lt3A_59, %lt3A_61 : i1
      %and3A = arith.andi %ne3A_62, %ne3A_58 : i1
      %add3A_63 = arith.addi %rem3A, %select_n3A : i32
      %select_n3A_64 = arith.select %and3A, %add3A_63, %rem3A : i32
      %eq3A_65 = arith.constant 0 : i32
      %eq3A_66 = arith.cmpi eq, %select_n3A_64, %eq3A_65 : i32
      %lt3A_67 = arith.constant 512 : i32
      %lt3A_68 = arith.cmpi slt, %add3A_55, %lt3A_67 : i32
      %and3A_69 = arith.andi %eq3A_66, %lt3A_68 : i1
      %convert_element_type3A = arith.extui %and3A_69 : i1 to i32
      %cond3A = arith.constant 0 : i32
      %cond3A_70 = arith.cmpi ne, %convert_element_type3A, %cond3A : i32
      scf.if %cond3A_70 {
        %jit3A_573 = arith.constant 32 : i32
        %div3A_574 = arith.divsi %add3A_55, %jit3A_573 : i32
        %sign3A_575 = arith.constant 0 : i32
        %sign3A_576 = arith.cmpi sgt, %add3A_55, %sign3A_575 : i32
        %sign3A_577 = arith.extui %sign3A_576 : i1 to i32
        %sign3A_578 = arith.constant 0 : i32
        %sign3A_579 = arith.cmpi slt, %add3A_55, %sign3A_578 : i32
        %sign3A_580 = arith.extui %sign3A_579 : i1 to i32
        %sign3A_581 = arith.subi %sign3A_577, %sign3A_580 : i32
        %sign3A_582 = arith.constant 0 : i32
        %sign3A_583 = arith.cmpi sgt, %jit3A_573, %sign3A_582 : i32
        %sign3A_584 = arith.extui %sign3A_583 : i1 to i32
        %sign3A_585 = arith.constant 0 : i32
        %sign3A_586 = arith.cmpi slt, %jit3A_573, %sign3A_585 : i32
        %sign3A_587 = arith.extui %sign3A_586 : i1 to i32
        %sign3A_588 = arith.subi %sign3A_584, %sign3A_587 : i32
        %ne3A_589 = arith.cmpi ne, %sign3A_581, %sign3A_588 : i32
        %rem3A_590 = arith.remsi %add3A_55, %jit3A_573 : i32
        %ne3A_591 = arith.constant 0 : i32
        %ne3A_592 = arith.cmpi ne, %rem3A_590, %ne3A_591 : i32
        %and3A_593 = arith.andi %ne3A_589, %ne3A_592 : i1
        %sub3A_594 = arith.constant 1 : i32
        %sub3A_595 = arith.subi %div3A_574, %sub3A_594 : i32
        %select_n3A_596 = arith.select %and3A_593, %sub3A_595, %div3A_574 : i32
        %mul3A_597 = arith.constant 32 : i32
        %mul3A_598 = arith.muli %select_n3A_596, %mul3A_597 : i32
        %add3A_599 = arith.addi %mul3A_2, %mul3A_598 : i32
        %jit3A_600 = arith.constant 2 : i32
        %eq3A_601 = arith.constant 0 : i32
        %eq3A_602 = arith.cmpi eq, %jit3A_600, %eq3A_601 : i32
        %jit3A_603 = arith.constant 1 : i32
        %select_n3A_604 = arith.select %eq3A_602, %jit3A_603, %jit3A_600 : i32
        %rem3A_605 = arith.remsi %select_n3A_596, %select_n3A_604 : i32
        %ne3A_606 = arith.constant 0 : i32
        %ne3A_607 = arith.cmpi ne, %rem3A_605, %ne3A_606 : i32
        %lt3A_608 = arith.constant 0 : i32
        %lt3A_609 = arith.cmpi slt, %rem3A_605, %lt3A_608 : i32
        %lt3A_610 = arith.constant 0 : i32
        %lt3A_611 = arith.cmpi slt, %select_n3A_604, %lt3A_610 : i32
        %ne3A_612 = arith.xori %lt3A_609, %lt3A_611 : i1
        %and3A_613 = arith.andi %ne3A_612, %ne3A_607 : i1
        %add3A_614 = arith.addi %rem3A_605, %select_n3A_604 : i32
        %select_n3A_615 = arith.select %and3A_613, %add3A_614, %rem3A_605 : i32
        "tpu.region"() ({
          %run_scoped3A_616 = tpu.sem_alloc : memref<!tpu.dma_semaphore, #tpu.memory_space<semaphore_mem>>
          %dma_start3A_617 = arith.constant 0 : i32
          %dma_start3A_618 = arith.constant 0 : i32
          %dma_start3A_619 = tpu.memref_slice %arg5[%select_n3A_615, %dma_start3A_617, %dma_start3A_618] : memref<2x32x200xi32, #tpu.memory_space<vmem>> -> memref<1x32x200xi32, #tpu.memory_space<vmem>>
          %dma_start3A_620 = tpu.memref_squeeze %dma_start3A_619 : memref<1x32x200xi32, #tpu.memory_space<vmem>> -> memref<32x200xi32, #tpu.memory_space<vmem>>
          %dma_start3A_621 = arith.constant 0 : i32
          %dma_start3A_622 = tpu.memref_slice %arg2[%add3A_599, %dma_start3A_621] : memref<16384x200xi32, #tpu.memory_space<hbm>> -> memref<32x200xi32, #tpu.memory_space<hbm>>
          %dma_start3A_623 = arith.constant 0 : i32
          %dma_start3A_624 = arith.constant 0 : i32
          %dma_start3A_625 = tpu.memref_slice %arg5[%select_n3A_615, %dma_start3A_623, %dma_start3A_624] : memref<2x32x200xi32, #tpu.memory_space<vmem>> -> memref<1x32x200xi32, #tpu.memory_space<vmem>>
          %dma_start3A_626 = tpu.memref_squeeze %dma_start3A_625 : memref<1x32x200xi32, #tpu.memory_space<vmem>> -> memref<32x200xi32, #tpu.memory_space<vmem>>
          %dma_start3A_627 = arith.constant 0 : i32
          %dma_start3A_628 = tpu.memref_slice %arg2[%add3A_599, %dma_start3A_627] : memref<16384x200xi32, #tpu.memory_space<hbm>> -> memref<32x200xi32, #tpu.memory_space<hbm>>
          tpu.enqueue_dma source(%dma_start3A_628 : memref<32x200xi32, #tpu.memory_space<hbm>>) target(%dma_start3A_626 : memref<32x200xi32, #tpu.memory_space<vmem>>) target_semaphore(%run_scoped3A_616 : memref<!tpu.dma_semaphore, #tpu.memory_space<semaphore_mem>>)
          %dma_wait3A_629 = arith.constant 0 : i32
          %dma_wait3A_630 = arith.constant 0 : i32
          %dma_wait3A_631 = tpu.memref_slice %arg5[%select_n3A_615, %dma_wait3A_629, %dma_wait3A_630] : memref<2x32x200xi32, #tpu.memory_space<vmem>> -> memref<1x32x200xi32, #tpu.memory_space<vmem>>
          %dma_wait3A_632 = tpu.memref_squeeze %dma_wait3A_631 : memref<1x32x200xi32, #tpu.memory_space<vmem>> -> memref<32x200xi32, #tpu.memory_space<vmem>>
          %dma_wait3A_633 = arith.constant 0 : i32
          %dma_wait3A_634 = tpu.memref_slice %arg2[%add3A_599, %dma_wait3A_633] : memref<16384x200xi32, #tpu.memory_space<hbm>> -> memref<32x200xi32, #tpu.memory_space<hbm>>
          %dma_wait3A_635 = arith.constant 0 : i32
          %dma_wait3A_636 = arith.constant 0 : i32
          %dma_wait3A_637 = tpu.memref_slice %arg5[%select_n3A_615, %dma_wait3A_635, %dma_wait3A_636] : memref<2x32x200xi32, #tpu.memory_space<vmem>> -> memref<1x32x200xi32, #tpu.memory_space<vmem>>
          %dma_wait3A_638 = tpu.memref_squeeze %dma_wait3A_637 : memref<1x32x200xi32, #tpu.memory_space<vmem>> -> memref<32x200xi32, #tpu.memory_space<vmem>>
          %dma_wait3A_639 = arith.constant 0 : i32
          %dma_wait3A_640 = tpu.memref_slice %arg2[%add3A_599, %dma_wait3A_639] : memref<16384x200xi32, #tpu.memory_space<hbm>> -> memref<32x200xi32, #tpu.memory_space<hbm>>
          tpu.wait_dma2 semaphore(%run_scoped3A_616 : memref<!tpu.dma_semaphore, #tpu.memory_space<semaphore_mem>>) src(%dma_wait3A_640 : memref<32x200xi32, #tpu.memory_space<hbm>>) dst(%dma_wait3A_638 : memref<32x200xi32, #tpu.memory_space<vmem>>)
          tpu.yield
        }) : () -> ()
      } else {
      }
      %lt3A_71 = arith.constant 512 : i32
      %lt3A_72 = arith.cmpi slt, %add3A_55, %lt3A_71 : i32
      %convert_element_type3A_73 = arith.extui %lt3A_72 : i1 to i32
      %cond3A_74 = arith.constant 0 : i32
      %cond3A_75 = arith.cmpi ne, %convert_element_type3A_73, %cond3A_74 : i32
      scf.if %cond3A_75 {
        %jit3A_573 = arith.constant 32 : i32
        %div3A_574 = arith.divsi %add3A_55, %jit3A_573 : i32
        %sign3A_575 = arith.constant 0 : i32
        %sign3A_576 = arith.cmpi sgt, %add3A_55, %sign3A_575 : i32
        %sign3A_577 = arith.extui %sign3A_576 : i1 to i32
        %sign3A_578 = arith.constant 0 : i32
        %sign3A_579 = arith.cmpi slt, %add3A_55, %sign3A_578 : i32
        %sign3A_580 = arith.extui %sign3A_579 : i1 to i32
        %sign3A_581 = arith.subi %sign3A_577, %sign3A_580 : i32
        %sign3A_582 = arith.constant 0 : i32
        %sign3A_583 = arith.cmpi sgt, %jit3A_573, %sign3A_582 : i32
        %sign3A_584 = arith.extui %sign3A_583 : i1 to i32
        %sign3A_585 = arith.constant 0 : i32
        %sign3A_586 = arith.cmpi slt, %jit3A_573, %sign3A_585 : i32
        %sign3A_587 = arith.extui %sign3A_586 : i1 to i32
        %sign3A_588 = arith.subi %sign3A_584, %sign3A_587 : i32
        %ne3A_589 = arith.cmpi ne, %sign3A_581, %sign3A_588 : i32
        %rem3A_590 = arith.remsi %add3A_55, %jit3A_573 : i32
        %ne3A_591 = arith.constant 0 : i32
        %ne3A_592 = arith.cmpi ne, %rem3A_590, %ne3A_591 : i32
        %and3A_593 = arith.andi %ne3A_589, %ne3A_592 : i1
        %sub3A_594 = arith.constant 1 : i32
        %sub3A_595 = arith.subi %div3A_574, %sub3A_594 : i32
        %select_n3A_596 = arith.select %and3A_593, %sub3A_595, %div3A_574 : i32
        %jit3A_597 = arith.constant 2 : i32
        %eq3A_598 = arith.constant 0 : i32
        %eq3A_599 = arith.cmpi eq, %jit3A_597, %eq3A_598 : i32
        %jit3A_600 = arith.constant 1 : i32
        %select_n3A_601 = arith.select %eq3A_599, %jit3A_600, %jit3A_597 : i32
        %rem3A_602 = arith.remsi %select_n3A_596, %select_n3A_601 : i32
        %ne3A_603 = arith.constant 0 : i32
        %ne3A_604 = arith.cmpi ne, %rem3A_602, %ne3A_603 : i32
        %lt3A_605 = arith.constant 0 : i32
        %lt3A_606 = arith.cmpi slt, %rem3A_602, %lt3A_605 : i32
        %lt3A_607 = arith.constant 0 : i32
        %lt3A_608 = arith.cmpi slt, %select_n3A_601, %lt3A_607 : i32
        %ne3A_609 = arith.xori %lt3A_606, %lt3A_608 : i1
        %and3A_610 = arith.andi %ne3A_609, %ne3A_604 : i1
        %add3A_611 = arith.addi %rem3A_602, %select_n3A_601 : i32
        %select_n3A_612 = arith.select %and3A_610, %add3A_611, %rem3A_602 : i32
        %jit3A_613 = arith.constant 32 : i32
        %eq3A_614 = arith.constant 0 : i32
        %eq3A_615 = arith.cmpi eq, %jit3A_613, %eq3A_614 : i32
        %jit3A_616 = arith.constant 1 : i32
        %select_n3A_617 = arith.select %eq3A_615, %jit3A_616, %jit3A_613 : i32
        %rem3A_618 = arith.remsi %add3A_55, %select_n3A_617 : i32
        %ne3A_619 = arith.constant 0 : i32
        %ne3A_620 = arith.cmpi ne, %rem3A_618, %ne3A_619 : i32
        %lt3A_621 = arith.constant 0 : i32
        %lt3A_622 = arith.cmpi slt, %rem3A_618, %lt3A_621 : i32
        %lt3A_623 = arith.constant 0 : i32
        %lt3A_624 = arith.cmpi slt, %select_n3A_617, %lt3A_623 : i32
        %ne3A_625 = arith.xori %lt3A_622, %lt3A_624 : i1
        %and3A_626 = arith.andi %ne3A_625, %ne3A_620 : i1
        %add3A_627 = arith.addi %rem3A_618, %select_n3A_617 : i32
        %select_n3A_628 = arith.select %and3A_626, %add3A_627, %rem3A_618 : i32
        %dma_start3A_629 = arith.constant 3 : i32
        %dma_start3A_630 = arith.constant 0 : i32
        %dma_start3A_631 = arith.constant 0 : i32
        %dma_start3A_632 = tpu.memref_slice %arg6[%dma_start3A_629, %dma_start3A_630, %dma_start3A_631] : memref<4x200x64xf32, #tpu.memory_space<vmem>> -> memref<1x200x64xf32, #tpu.memory_space<vmem>>
        %dma_start3A_633 = tpu.memref_squeeze %dma_start3A_632 : memref<1x200x64xf32, #tpu.memory_space<vmem>> -> memref<200x64xf32, #tpu.memory_space<vmem>>
        %dma_start3A_634 = arith.constant 0 : i32
        %dma_start3A_635 = tpu.memref_slice %arg5[%select_n3A_612, %select_n3A_628, %dma_start3A_634] : memref<2x32x200xi32, #tpu.memory_space<vmem>> -> memref<1x1x200xi32, #tpu.memory_space<vmem>>
        %dma_start3A_636 = tpu.memref_squeeze %dma_start3A_635 : memref<1x1x200xi32, #tpu.memory_space<vmem>> -> memref<200xi32, #tpu.memory_space<vmem>>
        %dma_start3A_637 = arith.constant 0 : i32
        %dma_start3A_638 = arith.constant 0 : i32
        %dma_start3A_639 = tpu.memref_slice %arg3[%dma_start3A_637, %dma_start3A_638] : memref<1000000x64xf32, #tpu.memory_space<hbm>> -> memref<1000000x64xf32, #tpu.memory_space<hbm>>
        tpu.enqueue_indirect_dma source(%dma_start3A_639 : memref<1000000x64xf32, #tpu.memory_space<hbm>>) target(%dma_start3A_633 : memref<200x64xf32, #tpu.memory_space<vmem>>) offsets(%dma_start3A_636 : memref<200xi32, #tpu.memory_space<vmem>>) semaphore(%arg11 : memref<!tpu.dma_semaphore, #tpu.memory_space<semaphore_mem>>)
      } else {
      }
      %jit3A_76 = arith.constant 32 : i32
      %div3A = arith.divsi %add3A_53, %jit3A_76 : i32
      %sign3A = arith.constant 0 : i32
      %sign3A_77 = arith.cmpi sgt, %add3A_53, %sign3A : i32
      %sign3A_78 = arith.extui %sign3A_77 : i1 to i32
      %sign3A_79 = arith.constant 0 : i32
      %sign3A_80 = arith.cmpi slt, %add3A_53, %sign3A_79 : i32
      %sign3A_81 = arith.extui %sign3A_80 : i1 to i32
      %sign3A_82 = arith.subi %sign3A_78, %sign3A_81 : i32
      %sign3A_83 = arith.constant 0 : i32
      %sign3A_84 = arith.cmpi sgt, %jit3A_76, %sign3A_83 : i32
      %sign3A_85 = arith.extui %sign3A_84 : i1 to i32
      %sign3A_86 = arith.constant 0 : i32
      %sign3A_87 = arith.cmpi slt, %jit3A_76, %sign3A_86 : i32
      %sign3A_88 = arith.extui %sign3A_87 : i1 to i32
      %sign3A_89 = arith.subi %sign3A_85, %sign3A_88 : i32
      %ne3A_90 = arith.cmpi ne, %sign3A_82, %sign3A_89 : i32
      %rem3A_91 = arith.remsi %add3A_53, %jit3A_76 : i32
      %ne3A_92 = arith.constant 0 : i32
      %ne3A_93 = arith.cmpi ne, %rem3A_91, %ne3A_92 : i32
      %and3A_94 = arith.andi %ne3A_90, %ne3A_93 : i1
      %sub3A = arith.constant 1 : i32
      %sub3A_95 = arith.subi %div3A, %sub3A : i32
      %select_n3A_96 = arith.select %and3A_94, %sub3A_95, %div3A : i32
      %jit3A_97 = arith.constant 2 : i32
      %eq3A_98 = arith.constant 0 : i32
      %eq3A_99 = arith.cmpi eq, %jit3A_97, %eq3A_98 : i32
      %jit3A_100 = arith.constant 1 : i32
      %select_n3A_101 = arith.select %eq3A_99, %jit3A_100, %jit3A_97 : i32
      %rem3A_102 = arith.remsi %select_n3A_96, %select_n3A_101 : i32
      %ne3A_103 = arith.constant 0 : i32
      %ne3A_104 = arith.cmpi ne, %rem3A_102, %ne3A_103 : i32
      %lt3A_105 = arith.constant 0 : i32
      %lt3A_106 = arith.cmpi slt, %rem3A_102, %lt3A_105 : i32
      %lt3A_107 = arith.constant 0 : i32
      %lt3A_108 = arith.cmpi slt, %select_n3A_101, %lt3A_107 : i32
      %ne3A_109 = arith.xori %lt3A_106, %lt3A_108 : i1
      %and3A_110 = arith.andi %ne3A_109, %ne3A_104 : i1
      %add3A_111 = arith.addi %rem3A_102, %select_n3A_101 : i32
      %select_n3A_112 = arith.select %and3A_110, %add3A_111, %rem3A_102 : i32
      %jit3A_113 = arith.constant 32 : i32
      %eq3A_114 = arith.constant 0 : i32
      %eq3A_115 = arith.cmpi eq, %jit3A_113, %eq3A_114 : i32
      %jit3A_116 = arith.constant 1 : i32
      %select_n3A_117 = arith.select %eq3A_115, %jit3A_116, %jit3A_113 : i32
      %rem3A_118 = arith.remsi %add3A_53, %select_n3A_117 : i32
      %ne3A_119 = arith.constant 0 : i32
      %ne3A_120 = arith.cmpi ne, %rem3A_118, %ne3A_119 : i32
      %lt3A_121 = arith.constant 0 : i32
      %lt3A_122 = arith.cmpi slt, %rem3A_118, %lt3A_121 : i32
      %lt3A_123 = arith.constant 0 : i32
      %lt3A_124 = arith.cmpi slt, %select_n3A_117, %lt3A_123 : i32
      %ne3A_125 = arith.xori %lt3A_122, %lt3A_124 : i1
      %and3A_126 = arith.andi %ne3A_125, %ne3A_120 : i1
      %add3A_127 = arith.addi %rem3A_118, %select_n3A_117 : i32
      %select_n3A_128 = arith.select %and3A_126, %add3A_127, %rem3A_118 : i32
      %dma_wait3A = arith.constant 0 : i32
      %dma_wait3A_129 = arith.constant 0 : i32
      %dma_wait3A_130 = arith.constant 0 : i32
      %dma_wait3A_131 = tpu.memref_slice %arg6[%dma_wait3A, %dma_wait3A_129, %dma_wait3A_130] : memref<4x200x64xf32, #tpu.memory_space<vmem>> -> memref<1x200x64xf32, #tpu.memory_space<vmem>>
      %dma_wait3A_132 = tpu.memref_squeeze %dma_wait3A_131 : memref<1x200x64xf32, #tpu.memory_space<vmem>> -> memref<200x64xf32, #tpu.memory_space<vmem>>
      %dma_wait3A_133 = arith.constant 0 : i32
      %dma_wait3A_134 = tpu.memref_slice %arg5[%select_n3A_112, %select_n3A_128, %dma_wait3A_133] : memref<2x32x200xi32, #tpu.memory_space<vmem>> -> memref<1x1x200xi32, #tpu.memory_space<vmem>>
      %dma_wait3A_135 = tpu.memref_squeeze %dma_wait3A_134 : memref<1x1x200xi32, #tpu.memory_space<vmem>> -> memref<200xi32, #tpu.memory_space<vmem>>
      %dma_wait3A_136 = arith.constant 0 : i32
      %dma_wait3A_137 = arith.constant 0 : i32
      %dma_wait3A_138 = tpu.memref_slice %arg3[%dma_wait3A_136, %dma_wait3A_137] : memref<1000000x64xf32, #tpu.memory_space<hbm>> -> memref<1000000x64xf32, #tpu.memory_space<hbm>>
      tpu.wait_indirect_dma semaphore(%arg8 : memref<!tpu.dma_semaphore, #tpu.memory_space<semaphore_mem>>) src(%dma_wait3A_138 : memref<1000000x64xf32, #tpu.memory_space<hbm>>) dst(%dma_wait3A_132 : memref<200x64xf32, #tpu.memory_space<vmem>>)
      %broadcast_in_dim3A = arith.constant 0.000000e+00 : f32
      %broadcast_in_dim3A_139 = vector.broadcast %broadcast_in_dim3A : f32 to vector<16xf32>
      %broadcast_in_dim3A_140 = arith.constant 0.000000e+00 : f32
      %broadcast_in_dim3A_141 = vector.broadcast %broadcast_in_dim3A_140 : f32 to vector<16xf32>
      %broadcast_in_dim3A_142 = arith.constant 0.000000e+00 : f32
      %broadcast_in_dim3A_143 = vector.broadcast %broadcast_in_dim3A_142 : f32 to vector<16xf32>
      %broadcast_in_dim3A_144 = arith.constant 0.000000e+00 : f32
      %broadcast_in_dim3A_145 = vector.broadcast %broadcast_in_dim3A_144 : f32 to vector<16xf32>
      %scan3A_146 = arith.constant 0 : i32
      %scan3A_147 = arith.constant 200 : i32
      %scan3A_148 = arith.addi %scan3A_146, %scan3A_147 : i32
      %scan3A_149 = arith.constant 8 : i32
      %scan3A_150:4 = scf.for %scan3A_573 = %scan3A_146 to %scan3A_148 step %scan3A_149 iter_args(%scan3A_574 = %broadcast_in_dim3A_139, %scan3A_575 = %broadcast_in_dim3A_141, %scan3A_576 = %broadcast_in_dim3A_143, %scan3A_577 = %broadcast_in_dim3A_145) -> (vector<16xf32>, vector<16xf32>, vector<16xf32>, vector<16xf32>)  : i32 {
        %mul3A_578 = arith.constant 1 : i32
        %mul3A_579 = arith.muli %scan3A_573, %mul3A_578 : i32
        %add3A_580 = arith.constant 0 : i32
        %add3A_581 = arith.addi %add3A_580, %mul3A_579 : i32
        %get3A = arith.constant 0 : i32
        %get3A_582 = arith.index_cast %get3A : i32 to index
        %get3A_583 = arith.index_cast %add3A_581 : i32 to index
        %get3A_584 = arith.constant 0 : index
        %get3A_585 = tpu.vector_load %arg6[%get3A_582, %get3A_583, %get3A_584] {strides = array<i32>} : memref<4x200x64xf32, #tpu.memory_space<vmem>>, vector<1x1x16xf32>,
        %get3A_586 = vector.shape_cast %get3A_585 : vector<1x1x16xf32> to vector<16xf32>
        %add3A_587 = arith.addf %scan3A_574, %get3A_586 : vector<16xf32>
        %get3A_588 = arith.constant 0 : i32
        %get3A_589 = arith.index_cast %get3A_588 : i32 to index
        %get3A_590 = arith.index_cast %add3A_581 : i32 to index
        %get3A_591 = arith.constant 16 : index
        %get3A_592 = tpu.vector_load %arg6[%get3A_589, %get3A_590, %get3A_591] {strides = array<i32>} : memref<4x200x64xf32, #tpu.memory_space<vmem>>, vector<1x1x16xf32>,
        %get3A_593 = vector.shape_cast %get3A_592 : vector<1x1x16xf32> to vector<16xf32>
        %add3A_594 = arith.addf %scan3A_575, %get3A_593 : vector<16xf32>
        %get3A_595 = arith.constant 0 : i32
        %get3A_596 = arith.index_cast %get3A_595 : i32 to index
        %get3A_597 = arith.index_cast %add3A_581 : i32 to index
        %get3A_598 = arith.constant 32 : index
        %get3A_599 = tpu.vector_load %arg6[%get3A_596, %get3A_597, %get3A_598] {strides = array<i32>} : memref<4x200x64xf32, #tpu.memory_space<vmem>>, vector<1x1x16xf32>,
        %get3A_600 = vector.shape_cast %get3A_599 : vector<1x1x16xf32> to vector<16xf32>
        %add3A_601 = arith.addf %scan3A_576, %get3A_600 : vector<16xf32>
        %get3A_602 = arith.constant 0 : i32
        %get3A_603 = arith.index_cast %get3A_602 : i32 to index
        %get3A_604 = arith.index_cast %add3A_581 : i32 to index
        %get3A_605 = arith.constant 48 : index
        %get3A_606 = tpu.vector_load %arg6[%get3A_603, %get3A_604, %get3A_605] {strides = array<i32>} : memref<4x200x64xf32, #tpu.memory_space<vmem>>, vector<1x1x16xf32>,
        %get3A_607 = vector.shape_cast %get3A_606 : vector<1x1x16xf32> to vector<16xf32>
        %add3A_608 = arith.addf %scan3A_577, %get3A_607 : vector<16xf32>
        %scan3A_609 = arith.constant 1 : i32
        %scan3A_610 = arith.addi %scan3A_573, %scan3A_609 : i32
        %mul3A_611 = arith.constant 1 : i32
        %mul3A_612 = arith.muli %scan3A_610, %mul3A_611 : i32
        %add3A_613 = arith.constant 0 : i32
        %add3A_614 = arith.addi %add3A_613, %mul3A_612 : i32
        %get3A_615 = arith.constant 0 : i32
        %get3A_616 = arith.index_cast %get3A_615 : i32 to index
        %get3A_617 = arith.index_cast %add3A_614 : i32 to index
        %get3A_618 = arith.constant 0 : index
        %get3A_619 = tpu.vector_load %arg6[%get3A_616, %get3A_617, %get3A_618] {strides = array<i32>} : memref<4x200x64xf32, #tpu.memory_space<vmem>>, vector<1x1x16xf32>,
        %get3A_620 = vector.shape_cast %get3A_619 : vector<1x1x16xf32> to vector<16xf32>
        %add3A_621 = arith.addf %add3A_587, %get3A_620 : vector<16xf32>
        %get3A_622 = arith.constant 0 : i32
        %get3A_623 = arith.index_cast %get3A_622 : i32 to index
        %get3A_624 = arith.index_cast %add3A_614 : i32 to index
        %get3A_625 = arith.constant 16 : index
        %get3A_626 = tpu.vector_load %arg6[%get3A_623, %get3A_624, %get3A_625] {strides = array<i32>} : memref<4x200x64xf32, #tpu.memory_space<vmem>>, vector<1x1x16xf32>,
        %get3A_627 = vector.shape_cast %get3A_626 : vector<1x1x16xf32> to vector<16xf32>
        %add3A_628 = arith.addf %add3A_594, %get3A_627 : vector<16xf32>
        %get3A_629 = arith.constant 0 : i32
        %get3A_630 = arith.index_cast %get3A_629 : i32 to index
        %get3A_631 = arith.index_cast %add3A_614 : i32 to index
        %get3A_632 = arith.constant 32 : index
        %get3A_633 = tpu.vector_load %arg6[%get3A_630, %get3A_631, %get3A_632] {strides = array<i32>} : memref<4x200x64xf32, #tpu.memory_space<vmem>>, vector<1x1x16xf32>,
        %get3A_634 = vector.shape_cast %get3A_633 : vector<1x1x16xf32> to vector<16xf32>
        %add3A_635 = arith.addf %add3A_601, %get3A_634 : vector<16xf32>
        %get3A_636 = arith.constant 0 : i32
        %get3A_637 = arith.index_cast %get3A_636 : i32 to index
        %get3A_638 = arith.index_cast %add3A_614 : i32 to index
        %get3A_639 = arith.constant 48 : index
        %get3A_640 = tpu.vector_load %arg6[%get3A_637, %get3A_638, %get3A_639] {strides = array<i32>} : memref<4x200x64xf32, #tpu.memory_space<vmem>>, vector<1x1x16xf32>,
        %get3A_641 = vector.shape_cast %get3A_640 : vector<1x1x16xf32> to vector<16xf32>
        %add3A_642 = arith.addf %add3A_608, %get3A_641 : vector<16xf32>
        %scan3A_643 = arith.constant 2 : i32
        %scan3A_644 = arith.addi %scan3A_573, %scan3A_643 : i32
        %mul3A_645 = arith.constant 1 : i32
        %mul3A_646 = arith.muli %scan3A_644, %mul3A_645 : i32
        %add3A_647 = arith.constant 0 : i32
        %add3A_648 = arith.addi %add3A_647, %mul3A_646 : i32
        %get3A_649 = arith.constant 0 : i32
        %get3A_650 = arith.index_cast %get3A_649 : i32 to index
        %get3A_651 = arith.index_cast %add3A_648 : i32 to index
        %get3A_652 = arith.constant 0 : index
        %get3A_653 = tpu.vector_load %arg6[%get3A_650, %get3A_651, %get3A_652] {strides = array<i32>} : memref<4x200x64xf32, #tpu.memory_space<vmem>>, vector<1x1x16xf32>,
        %get3A_654 = vector.shape_cast %get3A_653 : vector<1x1x16xf32> to vector<16xf32>
        %add3A_655 = arith.addf %add3A_621, %get3A_654 : vector<16xf32>
        %get3A_656 = arith.constant 0 : i32
        %get3A_657 = arith.index_cast %get3A_656 : i32 to index
        %get3A_658 = arith.index_cast %add3A_648 : i32 to index
        %get3A_659 = arith.constant 16 : index
        %get3A_660 = tpu.vector_load %arg6[%get3A_657, %get3A_658, %get3A_659] {strides = array<i32>} : memref<4x200x64xf32, #tpu.memory_space<vmem>>, vector<1x1x16xf32>,
        %get3A_661 = vector.shape_cast %get3A_660 : vector<1x1x16xf32> to vector<16xf32>
        %add3A_662 = arith.addf %add3A_628, %get3A_661 : vector<16xf32>
        %get3A_663 = arith.constant 0 : i32
        %get3A_664 = arith.index_cast %get3A_663 : i32 to index
        %get3A_665 = arith.index_cast %add3A_648 : i32 to index
        %get3A_666 = arith.constant 32 : index
        %get3A_667 = tpu.vector_load %arg6[%get3A_664, %get3A_665, %get3A_666] {strides = array<i32>} : memref<4x200x64xf32, #tpu.memory_space<vmem>>, vector<1x1x16xf32>,
        %get3A_668 = vector.shape_cast %get3A_667 : vector<1x1x16xf32> to vector<16xf32>
        %add3A_669 = arith.addf %add3A_635, %get3A_668 : vector<16xf32>
        %get3A_670 = arith.constant 0 : i32
        %get3A_671 = arith.index_cast %get3A_670 : i32 to index
        %get3A_672 = arith.index_cast %add3A_648 : i32 to index
        %get3A_673 = arith.constant 48 : index
        %get3A_674 = tpu.vector_load %arg6[%get3A_671, %get3A_672, %get3A_673] {strides = array<i32>} : memref<4x200x64xf32, #tpu.memory_space<vmem>>, vector<1x1x16xf32>,
        %get3A_675 = vector.shape_cast %get3A_674 : vector<1x1x16xf32> to vector<16xf32>
        %add3A_676 = arith.addf %add3A_642, %get3A_675 : vector<16xf32>
        %scan3A_677 = arith.constant 3 : i32
        %scan3A_678 = arith.addi %scan3A_573, %scan3A_677 : i32
        %mul3A_679 = arith.constant 1 : i32
        %mul3A_680 = arith.muli %scan3A_678, %mul3A_679 : i32
        %add3A_681 = arith.constant 0 : i32
        %add3A_682 = arith.addi %add3A_681, %mul3A_680 : i32
        %get3A_683 = arith.constant 0 : i32
        %get3A_684 = arith.index_cast %get3A_683 : i32 to index
        %get3A_685 = arith.index_cast %add3A_682 : i32 to index
        %get3A_686 = arith.constant 0 : index
        %get3A_687 = tpu.vector_load %arg6[%get3A_684, %get3A_685, %get3A_686] {strides = array<i32>} : memref<4x200x64xf32, #tpu.memory_space<vmem>>, vector<1x1x16xf32>,
        %get3A_688 = vector.shape_cast %get3A_687 : vector<1x1x16xf32> to vector<16xf32>
        %add3A_689 = arith.addf %add3A_655, %get3A_688 : vector<16xf32>
        %get3A_690 = arith.constant 0 : i32
        %get3A_691 = arith.index_cast %get3A_690 : i32 to index
        %get3A_692 = arith.index_cast %add3A_682 : i32 to index
        %get3A_693 = arith.constant 16 : index
        %get3A_694 = tpu.vector_load %arg6[%get3A_691, %get3A_692, %get3A_693] {strides = array<i32>} : memref<4x200x64xf32, #tpu.memory_space<vmem>>, vector<1x1x16xf32>,
        %get3A_695 = vector.shape_cast %get3A_694 : vector<1x1x16xf32> to vector<16xf32>
        %add3A_696 = arith.addf %add3A_662, %get3A_695 : vector<16xf32>
        %get3A_697 = arith.constant 0 : i32
        %get3A_698 = arith.index_cast %get3A_697 : i32 to index
        %get3A_699 = arith.index_cast %add3A_682 : i32 to index
        %get3A_700 = arith.constant 32 : index
        %get3A_701 = tpu.vector_load %arg6[%get3A_698, %get3A_699, %get3A_700] {strides = array<i32>} : memref<4x200x64xf32, #tpu.memory_space<vmem>>, vector<1x1x16xf32>,
        %get3A_702 = vector.shape_cast %get3A_701 : vector<1x1x16xf32> to vector<16xf32>
        %add3A_703 = arith.addf %add3A_669, %get3A_702 : vector<16xf32>
        %get3A_704 = arith.constant 0 : i32
        %get3A_705 = arith.index_cast %get3A_704 : i32 to index
        %get3A_706 = arith.index_cast %add3A_682 : i32 to index
        %get3A_707 = arith.constant 48 : index
        %get3A_708 = tpu.vector_load %arg6[%get3A_705, %get3A_706, %get3A_707] {strides = array<i32>} : memref<4x200x64xf32, #tpu.memory_space<vmem>>, vector<1x1x16xf32>,
        %get3A_709 = vector.shape_cast %get3A_708 : vector<1x1x16xf32> to vector<16xf32>
        %add3A_710 = arith.addf %add3A_676, %get3A_709 : vector<16xf32>
        %scan3A_711 = arith.constant 4 : i32
        %scan3A_712 = arith.addi %scan3A_573, %scan3A_711 : i32
        %mul3A_713 = arith.constant 1 : i32
        %mul3A_714 = arith.muli %scan3A_712, %mul3A_713 : i32
        %add3A_715 = arith.constant 0 : i32
        %add3A_716 = arith.addi %add3A_715, %mul3A_714 : i32
        %get3A_717 = arith.constant 0 : i32
        %get3A_718 = arith.index_cast %get3A_717 : i32 to index
        %get3A_719 = arith.index_cast %add3A_716 : i32 to index
        %get3A_720 = arith.constant 0 : index
        %get3A_721 = tpu.vector_load %arg6[%get3A_718, %get3A_719, %get3A_720] {strides = array<i32>} : memref<4x200x64xf32, #tpu.memory_space<vmem>>, vector<1x1x16xf32>,
        %get3A_722 = vector.shape_cast %get3A_721 : vector<1x1x16xf32> to vector<16xf32>
        %add3A_723 = arith.addf %add3A_689, %get3A_722 : vector<16xf32>
        %get3A_724 = arith.constant 0 : i32
        %get3A_725 = arith.index_cast %get3A_724 : i32 to index
        %get3A_726 = arith.index_cast %add3A_716 : i32 to index
        %get3A_727 = arith.constant 16 : index
        %get3A_728 = tpu.vector_load %arg6[%get3A_725, %get3A_726, %get3A_727] {strides = array<i32>} : memref<4x200x64xf32, #tpu.memory_space<vmem>>, vector<1x1x16xf32>,
        %get3A_729 = vector.shape_cast %get3A_728 : vector<1x1x16xf32> to vector<16xf32>
        %add3A_730 = arith.addf %add3A_696, %get3A_729 : vector<16xf32>
        %get3A_731 = arith.constant 0 : i32
        %get3A_732 = arith.index_cast %get3A_731 : i32 to index
        %get3A_733 = arith.index_cast %add3A_716 : i32 to index
        %get3A_734 = arith.constant 32 : index
        %get3A_735 = tpu.vector_load %arg6[%get3A_732, %get3A_733, %get3A_734] {strides = array<i32>} : memref<4x200x64xf32, #tpu.memory_space<vmem>>, vector<1x1x16xf32>,
        %get3A_736 = vector.shape_cast %get3A_735 : vector<1x1x16xf32> to vector<16xf32>
        %add3A_737 = arith.addf %add3A_703, %get3A_736 : vector<16xf32>
        %get3A_738 = arith.constant 0 : i32
        %get3A_739 = arith.index_cast %get3A_738 : i32 to index
        %get3A_740 = arith.index_cast %add3A_716 : i32 to index
        %get3A_741 = arith.constant 48 : index
        %get3A_742 = tpu.vector_load %arg6[%get3A_739, %get3A_740, %get3A_741] {strides = array<i32>} : memref<4x200x64xf32, #tpu.memory_space<vmem>>, vector<1x1x16xf32>,
        %get3A_743 = vector.shape_cast %get3A_742 : vector<1x1x16xf32> to vector<16xf32>
        %add3A_744 = arith.addf %add3A_710, %get3A_743 : vector<16xf32>
        %scan3A_745 = arith.constant 5 : i32
        %scan3A_746 = arith.addi %scan3A_573, %scan3A_745 : i32
        %mul3A_747 = arith.constant 1 : i32
        %mul3A_748 = arith.muli %scan3A_746, %mul3A_747 : i32
        %add3A_749 = arith.constant 0 : i32
        %add3A_750 = arith.addi %add3A_749, %mul3A_748 : i32
        %get3A_751 = arith.constant 0 : i32
        %get3A_752 = arith.index_cast %get3A_751 : i32 to index
        %get3A_753 = arith.index_cast %add3A_750 : i32 to index
        %get3A_754 = arith.constant 0 : index
        %get3A_755 = tpu.vector_load %arg6[%get3A_752, %get3A_753, %get3A_754] {strides = array<i32>} : memref<4x200x64xf32, #tpu.memory_space<vmem>>, vector<1x1x16xf32>,
        %get3A_756 = vector.shape_cast %get3A_755 : vector<1x1x16xf32> to vector<16xf32>
        %add3A_757 = arith.addf %add3A_723, %get3A_756 : vector<16xf32>
        %get3A_758 = arith.constant 0 : i32
        %get3A_759 = arith.index_cast %get3A_758 : i32 to index
        %get3A_760 = arith.index_cast %add3A_750 : i32 to index
        %get3A_761 = arith.constant 16 : index
        %get3A_762 = tpu.vector_load %arg6[%get3A_759, %get3A_760, %get3A_761] {strides = array<i32>} : memref<4x200x64xf32, #tpu.memory_space<vmem>>, vector<1x1x16xf32>,
        %get3A_763 = vector.shape_cast %get3A_762 : vector<1x1x16xf32> to vector<16xf32>
        %add3A_764 = arith.addf %add3A_730, %get3A_763 : vector<16xf32>
        %get3A_765 = arith.constant 0 : i32
        %get3A_766 = arith.index_cast %get3A_765 : i32 to index
        %get3A_767 = arith.index_cast %add3A_750 : i32 to index
        %get3A_768 = arith.constant 32 : index
        %get3A_769 = tpu.vector_load %arg6[%get3A_766, %get3A_767, %get3A_768] {strides = array<i32>} : memref<4x200x64xf32, #tpu.memory_space<vmem>>, vector<1x1x16xf32>,
        %get3A_770 = vector.shape_cast %get3A_769 : vector<1x1x16xf32> to vector<16xf32>
        %add3A_771 = arith.addf %add3A_737, %get3A_770 : vector<16xf32>
        %get3A_772 = arith.constant 0 : i32
        %get3A_773 = arith.index_cast %get3A_772 : i32 to index
        %get3A_774 = arith.index_cast %add3A_750 : i32 to index
        %get3A_775 = arith.constant 48 : index
        %get3A_776 = tpu.vector_load %arg6[%get3A_773, %get3A_774, %get3A_775] {strides = array<i32>} : memref<4x200x64xf32, #tpu.memory_space<vmem>>, vector<1x1x16xf32>,
        %get3A_777 = vector.shape_cast %get3A_776 : vector<1x1x16xf32> to vector<16xf32>
        %add3A_778 = arith.addf %add3A_744, %get3A_777 : vector<16xf32>
        %scan3A_779 = arith.constant 6 : i32
        %scan3A_780 = arith.addi %scan3A_573, %scan3A_779 : i32
        %mul3A_781 = arith.constant 1 : i32
        %mul3A_782 = arith.muli %scan3A_780, %mul3A_781 : i32
        %add3A_783 = arith.constant 0 : i32
        %add3A_784 = arith.addi %add3A_783, %mul3A_782 : i32
        %get3A_785 = arith.constant 0 : i32
        %get3A_786 = arith.index_cast %get3A_785 : i32 to index
        %get3A_787 = arith.index_cast %add3A_784 : i32 to index
        %get3A_788 = arith.constant 0 : index
        %get3A_789 = tpu.vector_load %arg6[%get3A_786, %get3A_787, %get3A_788] {strides = array<i32>} : memref<4x200x64xf32, #tpu.memory_space<vmem>>, vector<1x1x16xf32>,
        %get3A_790 = vector.shape_cast %get3A_789 : vector<1x1x16xf32> to vector<16xf32>
        %add3A_791 = arith.addf %add3A_757, %get3A_790 : vector<16xf32>
        %get3A_792 = arith.constant 0 : i32
        %get3A_793 = arith.index_cast %get3A_792 : i32 to index
        %get3A_794 = arith.index_cast %add3A_784 : i32 to index
        %get3A_795 = arith.constant 16 : index
        %get3A_796 = tpu.vector_load %arg6[%get3A_793, %get3A_794, %get3A_795] {strides = array<i32>} : memref<4x200x64xf32, #tpu.memory_space<vmem>>, vector<1x1x16xf32>,
        %get3A_797 = vector.shape_cast %get3A_796 : vector<1x1x16xf32> to vector<16xf32>
        %add3A_798 = arith.addf %add3A_764, %get3A_797 : vector<16xf32>
        %get3A_799 = arith.constant 0 : i32
        %get3A_800 = arith.index_cast %get3A_799 : i32 to index
        %get3A_801 = arith.index_cast %add3A_784 : i32 to index
        %get3A_802 = arith.constant 32 : index
        %get3A_803 = tpu.vector_load %arg6[%get3A_800, %get3A_801, %get3A_802] {strides = array<i32>} : memref<4x200x64xf32, #tpu.memory_space<vmem>>, vector<1x1x16xf32>,
        %get3A_804 = vector.shape_cast %get3A_803 : vector<1x1x16xf32> to vector<16xf32>
        %add3A_805 = arith.addf %add3A_771, %get3A_804 : vector<16xf32>
        %get3A_806 = arith.constant 0 : i32
        %get3A_807 = arith.index_cast %get3A_806 : i32 to index
        %get3A_808 = arith.index_cast %add3A_784 : i32 to index
        %get3A_809 = arith.constant 48 : index
        %get3A_810 = tpu.vector_load %arg6[%get3A_807, %get3A_808, %get3A_809] {strides = array<i32>} : memref<4x200x64xf32, #tpu.memory_space<vmem>>, vector<1x1x16xf32>,
        %get3A_811 = vector.shape_cast %get3A_810 : vector<1x1x16xf32> to vector<16xf32>
        %add3A_812 = arith.addf %add3A_778, %get3A_811 : vector<16xf32>
        %scan3A_813 = arith.constant 7 : i32
        %scan3A_814 = arith.addi %scan3A_573, %scan3A_813 : i32
        %mul3A_815 = arith.constant 1 : i32
        %mul3A_816 = arith.muli %scan3A_814, %mul3A_815 : i32
        %add3A_817 = arith.constant 0 : i32
        %add3A_818 = arith.addi %add3A_817, %mul3A_816 : i32
        %get3A_819 = arith.constant 0 : i32
        %get3A_820 = arith.index_cast %get3A_819 : i32 to index
        %get3A_821 = arith.index_cast %add3A_818 : i32 to index
        %get3A_822 = arith.constant 0 : index
        %get3A_823 = tpu.vector_load %arg6[%get3A_820, %get3A_821, %get3A_822] {strides = array<i32>} : memref<4x200x64xf32, #tpu.memory_space<vmem>>, vector<1x1x16xf32>,
        %get3A_824 = vector.shape_cast %get3A_823 : vector<1x1x16xf32> to vector<16xf32>
        %add3A_825 = arith.addf %add3A_791, %get3A_824 : vector<16xf32>
        %get3A_826 = arith.constant 0 : i32
        %get3A_827 = arith.index_cast %get3A_826 : i32 to index
        %get3A_828 = arith.index_cast %add3A_818 : i32 to index
        %get3A_829 = arith.constant 16 : index
        %get3A_830 = tpu.vector_load %arg6[%get3A_827, %get3A_828, %get3A_829] {strides = array<i32>} : memref<4x200x64xf32, #tpu.memory_space<vmem>>, vector<1x1x16xf32>,
        %get3A_831 = vector.shape_cast %get3A_830 : vector<1x1x16xf32> to vector<16xf32>
        %add3A_832 = arith.addf %add3A_798, %get3A_831 : vector<16xf32>
        %get3A_833 = arith.constant 0 : i32
        %get3A_834 = arith.index_cast %get3A_833 : i32 to index
        %get3A_835 = arith.index_cast %add3A_818 : i32 to index
        %get3A_836 = arith.constant 32 : index
        %get3A_837 = tpu.vector_load %arg6[%get3A_834, %get3A_835, %get3A_836] {strides = array<i32>} : memref<4x200x64xf32, #tpu.memory_space<vmem>>, vector<1x1x16xf32>,
        %get3A_838 = vector.shape_cast %get3A_837 : vector<1x1x16xf32> to vector<16xf32>
        %add3A_839 = arith.addf %add3A_805, %get3A_838 : vector<16xf32>
        %get3A_840 = arith.constant 0 : i32
        %get3A_841 = arith.index_cast %get3A_840 : i32 to index
        %get3A_842 = arith.index_cast %add3A_818 : i32 to index
        %get3A_843 = arith.constant 48 : index
        %get3A_844 = tpu.vector_load %arg6[%get3A_841, %get3A_842, %get3A_843] {strides = array<i32>} : memref<4x200x64xf32, #tpu.memory_space<vmem>>, vector<1x1x16xf32>,
        %get3A_845 = vector.shape_cast %get3A_844 : vector<1x1x16xf32> to vector<16xf32>
        %add3A_846 = arith.addf %add3A_812, %get3A_845 : vector<16xf32>
        scf.yield %add3A_825, %add3A_832, %add3A_839, %add3A_846 : vector<16xf32>, vector<16xf32>, vector<16xf32>, vector<16xf32>
      }
      %scan3A_151 = arith.constant 200 : i32
      %swap3A = arith.index_cast %add3A_53 : i32 to index
      %swap3A_152 = arith.constant 0 : index
      %swap3A_153 = tpu.vector_load %arg7[%swap3A, %swap3A_152] {strides = array<i32>} : memref<512x64xf32, #tpu.memory_space<vmem>>, vector<1x16xf32>,
      %swap3A_154 = vector.shape_cast %swap3A_153 : vector<1x16xf32> to vector<16xf32>
      %swap3A_155 = vector.shape_cast %scan3A_150#0 : vector<16xf32> to vector<1x16xf32>
      tpu.vector_store %arg7[%swap3A, %swap3A_152], %swap3A_155 {strides = array<i32>} : memref<512x64xf32, #tpu.memory_space<vmem>>, vector<1x16xf32>,
      %swap3A_156 = arith.index_cast %add3A_53 : i32 to index
      %swap3A_157 = arith.constant 16 : index
      %swap3A_158 = tpu.vector_load %arg7[%swap3A_156, %swap3A_157] {strides = array<i32>} : memref<512x64xf32, #tpu.memory_space<vmem>>, vector<1x16xf32>,
      %swap3A_159 = vector.shape_cast %swap3A_158 : vector<1x16xf32> to vector<16xf32>
      %swap3A_160 = vector.shape_cast %scan3A_150#1 : vector<16xf32> to vector<1x16xf32>
      tpu.vector_store %arg7[%swap3A_156, %swap3A_157], %swap3A_160 {strides = array<i32>} : memref<512x64xf32, #tpu.memory_space<vmem>>, vector<1x16xf32>,
      %swap3A_161 = arith.index_cast %add3A_53 : i32 to index
      %swap3A_162 = arith.constant 32 : index
      %swap3A_163 = tpu.vector_load %arg7[%swap3A_161, %swap3A_162] {strides = array<i32>} : memref<512x64xf32, #tpu.memory_space<vmem>>, vector<1x16xf32>,
      %swap3A_164 = vector.shape_cast %swap3A_163 : vector<1x16xf32> to vector<16xf32>
      %swap3A_165 = vector.shape_cast %scan3A_150#2 : vector<16xf32> to vector<1x16xf32>
      tpu.vector_store %arg7[%swap3A_161, %swap3A_162], %swap3A_165 {strides = array<i32>} : memref<512x64xf32, #tpu.memory_space<vmem>>, vector<1x16xf32>,
      %swap3A_166 = arith.index_cast %add3A_53 : i32 to index
      %swap3A_167 = arith.constant 48 : index
      %swap3A_168 = tpu.vector_load %arg7[%swap3A_166, %swap3A_167] {strides = array<i32>} : memref<512x64xf32, #tpu.memory_space<vmem>>, vector<1x16xf32>,
      %swap3A_169 = vector.shape_cast %swap3A_168 : vector<1x16xf32> to vector<16xf32>
      %swap3A_170 = vector.shape_cast %scan3A_150#3 : vector<16xf32> to vector<1x16xf32>
      tpu.vector_store %arg7[%swap3A_166, %swap3A_167], %swap3A_170 {strides = array<i32>} : memref<512x64xf32, #tpu.memory_space<vmem>>, vector<1x16xf32>,
      %add3A_171 = arith.constant 1 : i32
      %add3A_172 = arith.addi %add3A_51, %add3A_171 : i32
      %add3A_173 = arith.constant 3 : i32
      %add3A_174 = arith.addi %add3A_172, %add3A_173 : i32
      %jit3A_175 = arith.constant 32 : i32
      %eq3A_176 = arith.constant 0 : i32
      %eq3A_177 = arith.cmpi eq, %jit3A_175, %eq3A_176 : i32
      %jit3A_178 = arith.constant 1 : i32
      %select_n3A_179 = arith.select %eq3A_177, %jit3A_178, %jit3A_175 : i32
      %rem3A_180 = arith.remsi %add3A_174, %select_n3A_179 : i32
      %ne3A_181 = arith.constant 0 : i32
      %ne3A_182 = arith.cmpi ne, %rem3A_180, %ne3A_181 : i32
      %lt3A_183 = arith.constant 0 : i32
      %lt3A_184 = arith.cmpi slt, %rem3A_180, %lt3A_183 : i32
      %lt3A_185 = arith.constant 0 : i32
      %lt3A_186 = arith.cmpi slt, %select_n3A_179, %lt3A_185 : i32
      %ne3A_187 = arith.xori %lt3A_184, %lt3A_186 : i1
      %and3A_188 = arith.andi %ne3A_187, %ne3A_182 : i1
      %add3A_189 = arith.addi %rem3A_180, %select_n3A_179 : i32
      %select_n3A_190 = arith.select %and3A_188, %add3A_189, %rem3A_180 : i32
      %eq3A_191 = arith.constant 0 : i32
      %eq3A_192 = arith.cmpi eq, %select_n3A_190, %eq3A_191 : i32
      %lt3A_193 = arith.constant 512 : i32
      %lt3A_194 = arith.cmpi slt, %add3A_174, %lt3A_193 : i32
      %and3A_195 = arith.andi %eq3A_192, %lt3A_194 : i1
      %convert_element_type3A_196 = arith.extui %and3A_195 : i1 to i32
      %cond3A_197 = arith.constant 0 : i32
      %cond3A_198 = arith.cmpi ne, %convert_element_type3A_196, %cond3A_197 : i32
      scf.if %cond3A_198 {
        %jit3A_573 = arith.constant 32 : i32
        %div3A_574 = arith.divsi %add3A_174, %jit3A_573 : i32
        %sign3A_575 = arith.constant 0 : i32
        %sign3A_576 = arith.cmpi sgt, %add3A_174, %sign3A_575 : i32
        %sign3A_577 = arith.extui %sign3A_576 : i1 to i32
        %sign3A_578 = arith.constant 0 : i32
        %sign3A_579 = arith.cmpi slt, %add3A_174, %sign3A_578 : i32
        %sign3A_580 = arith.extui %sign3A_579 : i1 to i32
        %sign3A_581 = arith.subi %sign3A_577, %sign3A_580 : i32
        %sign3A_582 = arith.constant 0 : i32
        %sign3A_583 = arith.cmpi sgt, %jit3A_573, %sign3A_582 : i32
        %sign3A_584 = arith.extui %sign3A_583 : i1 to i32
        %sign3A_585 = arith.constant 0 : i32
        %sign3A_586 = arith.cmpi slt, %jit3A_573, %sign3A_585 : i32
        %sign3A_587 = arith.extui %sign3A_586 : i1 to i32
        %sign3A_588 = arith.subi %sign3A_584, %sign3A_587 : i32
        %ne3A_589 = arith.cmpi ne, %sign3A_581, %sign3A_588 : i32
        %rem3A_590 = arith.remsi %add3A_174, %jit3A_573 : i32
        %ne3A_591 = arith.constant 0 : i32
        %ne3A_592 = arith.cmpi ne, %rem3A_590, %ne3A_591 : i32
        %and3A_593 = arith.andi %ne3A_589, %ne3A_592 : i1
        %sub3A_594 = arith.constant 1 : i32
        %sub3A_595 = arith.subi %div3A_574, %sub3A_594 : i32
        %select_n3A_596 = arith.select %and3A_593, %sub3A_595, %div3A_574 : i32
        %mul3A_597 = arith.constant 32 : i32
        %mul3A_598 = arith.muli %select_n3A_596, %mul3A_597 : i32
        %add3A_599 = arith.addi %mul3A_2, %mul3A_598 : i32
        %jit3A_600 = arith.constant 2 : i32
        %eq3A_601 = arith.constant 0 : i32
        %eq3A_602 = arith.cmpi eq, %jit3A_600, %eq3A_601 : i32
        %jit3A_603 = arith.constant 1 : i32
        %select_n3A_604 = arith.select %eq3A_602, %jit3A_603, %jit3A_600 : i32
        %rem3A_605 = arith.remsi %select_n3A_596, %select_n3A_604 : i32
        %ne3A_606 = arith.constant 0 : i32
        %ne3A_607 = arith.cmpi ne, %rem3A_605, %ne3A_606 : i32
        %lt3A_608 = arith.constant 0 : i32
        %lt3A_609 = arith.cmpi slt, %rem3A_605, %lt3A_608 : i32
        %lt3A_610 = arith.constant 0 : i32
        %lt3A_611 = arith.cmpi slt, %select_n3A_604, %lt3A_610 : i32
        %ne3A_612 = arith.xori %lt3A_609, %lt3A_611 : i1
        %and3A_613 = arith.andi %ne3A_612, %ne3A_607 : i1
        %add3A_614 = arith.addi %rem3A_605, %select_n3A_604 : i32
        %select_n3A_615 = arith.select %and3A_613, %add3A_614, %rem3A_605 : i32
        "tpu.region"() ({
          %run_scoped3A_616 = tpu.sem_alloc : memref<!tpu.dma_semaphore, #tpu.memory_space<semaphore_mem>>
          %dma_start3A_617 = arith.constant 0 : i32
          %dma_start3A_618 = arith.constant 0 : i32
          %dma_start3A_619 = tpu.memref_slice %arg5[%select_n3A_615, %dma_start3A_617, %dma_start3A_618] : memref<2x32x200xi32, #tpu.memory_space<vmem>> -> memref<1x32x200xi32, #tpu.memory_space<vmem>>
          %dma_start3A_620 = tpu.memref_squeeze %dma_start3A_619 : memref<1x32x200xi32, #tpu.memory_space<vmem>> -> memref<32x200xi32, #tpu.memory_space<vmem>>
          %dma_start3A_621 = arith.constant 0 : i32
          %dma_start3A_622 = tpu.memref_slice %arg2[%add3A_599, %dma_start3A_621] : memref<16384x200xi32, #tpu.memory_space<hbm>> -> memref<32x200xi32, #tpu.memory_space<hbm>>
          %dma_start3A_623 = arith.constant 0 : i32
          %dma_start3A_624 = arith.constant 0 : i32
          %dma_start3A_625 = tpu.memref_slice %arg5[%select_n3A_615, %dma_start3A_623, %dma_start3A_624] : memref<2x32x200xi32, #tpu.memory_space<vmem>> -> memref<1x32x200xi32, #tpu.memory_space<vmem>>
          %dma_start3A_626 = tpu.memref_squeeze %dma_start3A_625 : memref<1x32x200xi32, #tpu.memory_space<vmem>> -> memref<32x200xi32, #tpu.memory_space<vmem>>
          %dma_start3A_627 = arith.constant 0 : i32
          %dma_start3A_628 = tpu.memref_slice %arg2[%add3A_599, %dma_start3A_627] : memref<16384x200xi32, #tpu.memory_space<hbm>> -> memref<32x200xi32, #tpu.memory_space<hbm>>
          tpu.enqueue_dma source(%dma_start3A_628 : memref<32x200xi32, #tpu.memory_space<hbm>>) target(%dma_start3A_626 : memref<32x200xi32, #tpu.memory_space<vmem>>) target_semaphore(%run_scoped3A_616 : memref<!tpu.dma_semaphore, #tpu.memory_space<semaphore_mem>>)
          %dma_wait3A_629 = arith.constant 0 : i32
          %dma_wait3A_630 = arith.constant 0 : i32
          %dma_wait3A_631 = tpu.memref_slice %arg5[%select_n3A_615, %dma_wait3A_629, %dma_wait3A_630] : memref<2x32x200xi32, #tpu.memory_space<vmem>> -> memref<1x32x200xi32, #tpu.memory_space<vmem>>
          %dma_wait3A_632 = tpu.memref_squeeze %dma_wait3A_631 : memref<1x32x200xi32, #tpu.memory_space<vmem>> -> memref<32x200xi32, #tpu.memory_space<vmem>>
          %dma_wait3A_633 = arith.constant 0 : i32
          %dma_wait3A_634 = tpu.memref_slice %arg2[%add3A_599, %dma_wait3A_633] : memref<16384x200xi32, #tpu.memory_space<hbm>> -> memref<32x200xi32, #tpu.memory_space<hbm>>
          %dma_wait3A_635 = arith.constant 0 : i32
          %dma_wait3A_636 = arith.constant 0 : i32
          %dma_wait3A_637 = tpu.memref_slice %arg5[%select_n3A_615, %dma_wait3A_635, %dma_wait3A_636] : memref<2x32x200xi32, #tpu.memory_space<vmem>> -> memref<1x32x200xi32, #tpu.memory_space<vmem>>
          %dma_wait3A_638 = tpu.memref_squeeze %dma_wait3A_637 : memref<1x32x200xi32, #tpu.memory_space<vmem>> -> memref<32x200xi32, #tpu.memory_space<vmem>>
          %dma_wait3A_639 = arith.constant 0 : i32
          %dma_wait3A_640 = tpu.memref_slice %arg2[%add3A_599, %dma_wait3A_639] : memref<16384x200xi32, #tpu.memory_space<hbm>> -> memref<32x200xi32, #tpu.memory_space<hbm>>
          tpu.wait_dma2 semaphore(%run_scoped3A_616 : memref<!tpu.dma_semaphore, #tpu.memory_space<semaphore_mem>>) src(%dma_wait3A_640 : memref<32x200xi32, #tpu.memory_space<hbm>>) dst(%dma_wait3A_638 : memref<32x200xi32, #tpu.memory_space<vmem>>)
          tpu.yield
        }) : () -> ()
      } else {
      }
      %lt3A_199 = arith.constant 512 : i32
      %lt3A_200 = arith.cmpi slt, %add3A_174, %lt3A_199 : i32
      %convert_element_type3A_201 = arith.extui %lt3A_200 : i1 to i32
      %cond3A_202 = arith.constant 0 : i32
      %cond3A_203 = arith.cmpi ne, %convert_element_type3A_201, %cond3A_202 : i32
      scf.if %cond3A_203 {
        %jit3A_573 = arith.constant 32 : i32
        %div3A_574 = arith.divsi %add3A_174, %jit3A_573 : i32
        %sign3A_575 = arith.constant 0 : i32
        %sign3A_576 = arith.cmpi sgt, %add3A_174, %sign3A_575 : i32
        %sign3A_577 = arith.extui %sign3A_576 : i1 to i32
        %sign3A_578 = arith.constant 0 : i32
        %sign3A_579 = arith.cmpi slt, %add3A_174, %sign3A_578 : i32
        %sign3A_580 = arith.extui %sign3A_579 : i1 to i32
        %sign3A_581 = arith.subi %sign3A_577, %sign3A_580 : i32
        %sign3A_582 = arith.constant 0 : i32
        %sign3A_583 = arith.cmpi sgt, %jit3A_573, %sign3A_582 : i32
        %sign3A_584 = arith.extui %sign3A_583 : i1 to i32
        %sign3A_585 = arith.constant 0 : i32
        %sign3A_586 = arith.cmpi slt, %jit3A_573, %sign3A_585 : i32
        %sign3A_587 = arith.extui %sign3A_586 : i1 to i32
        %sign3A_588 = arith.subi %sign3A_584, %sign3A_587 : i32
        %ne3A_589 = arith.cmpi ne, %sign3A_581, %sign3A_588 : i32
        %rem3A_590 = arith.remsi %add3A_174, %jit3A_573 : i32
        %ne3A_591 = arith.constant 0 : i32
        %ne3A_592 = arith.cmpi ne, %rem3A_590, %ne3A_591 : i32
        %and3A_593 = arith.andi %ne3A_589, %ne3A_592 : i1
        %sub3A_594 = arith.constant 1 : i32
        %sub3A_595 = arith.subi %div3A_574, %sub3A_594 : i32
        %select_n3A_596 = arith.select %and3A_593, %sub3A_595, %div3A_574 : i32
        %jit3A_597 = arith.constant 2 : i32
        %eq3A_598 = arith.constant 0 : i32
        %eq3A_599 = arith.cmpi eq, %jit3A_597, %eq3A_598 : i32
        %jit3A_600 = arith.constant 1 : i32
        %select_n3A_601 = arith.select %eq3A_599, %jit3A_600, %jit3A_597 : i32
        %rem3A_602 = arith.remsi %select_n3A_596, %select_n3A_601 : i32
        %ne3A_603 = arith.constant 0 : i32
        %ne3A_604 = arith.cmpi ne, %rem3A_602, %ne3A_603 : i32
        %lt3A_605 = arith.constant 0 : i32
        %lt3A_606 = arith.cmpi slt, %rem3A_602, %lt3A_605 : i32
        %lt3A_607 = arith.constant 0 : i32
        %lt3A_608 = arith.cmpi slt, %select_n3A_601, %lt3A_607 : i32
        %ne3A_609 = arith.xori %lt3A_606, %lt3A_608 : i1
        %and3A_610 = arith.andi %ne3A_609, %ne3A_604 : i1
        %add3A_611 = arith.addi %rem3A_602, %select_n3A_601 : i32
        %select_n3A_612 = arith.select %and3A_610, %add3A_611, %rem3A_602 : i32
        %jit3A_613 = arith.constant 32 : i32
        %eq3A_614 = arith.constant 0 : i32
        %eq3A_615 = arith.cmpi eq, %jit3A_613, %eq3A_614 : i32
        %jit3A_616 = arith.constant 1 : i32
        %select_n3A_617 = arith.select %eq3A_615, %jit3A_616, %jit3A_613 : i32
        %rem3A_618 = arith.remsi %add3A_174, %select_n3A_617 : i32
        %ne3A_619 = arith.constant 0 : i32
        %ne3A_620 = arith.cmpi ne, %rem3A_618, %ne3A_619 : i32
        %lt3A_621 = arith.constant 0 : i32
        %lt3A_622 = arith.cmpi slt, %rem3A_618, %lt3A_621 : i32
        %lt3A_623 = arith.constant 0 : i32
        %lt3A_624 = arith.cmpi slt, %select_n3A_617, %lt3A_623 : i32
        %ne3A_625 = arith.xori %lt3A_622, %lt3A_624 : i1
        %and3A_626 = arith.andi %ne3A_625, %ne3A_620 : i1
        %add3A_627 = arith.addi %rem3A_618, %select_n3A_617 : i32
        %select_n3A_628 = arith.select %and3A_626, %add3A_627, %rem3A_618 : i32
        %dma_start3A_629 = arith.constant 0 : i32
        %dma_start3A_630 = arith.constant 0 : i32
        %dma_start3A_631 = arith.constant 0 : i32
        %dma_start3A_632 = tpu.memref_slice %arg6[%dma_start3A_629, %dma_start3A_630, %dma_start3A_631] : memref<4x200x64xf32, #tpu.memory_space<vmem>> -> memref<1x200x64xf32, #tpu.memory_space<vmem>>
        %dma_start3A_633 = tpu.memref_squeeze %dma_start3A_632 : memref<1x200x64xf32, #tpu.memory_space<vmem>> -> memref<200x64xf32, #tpu.memory_space<vmem>>
        %dma_start3A_634 = arith.constant 0 : i32
        %dma_start3A_635 = tpu.memref_slice %arg5[%select_n3A_612, %select_n3A_628, %dma_start3A_634] : memref<2x32x200xi32, #tpu.memory_space<vmem>> -> memref<1x1x200xi32, #tpu.memory_space<vmem>>
        %dma_start3A_636 = tpu.memref_squeeze %dma_start3A_635 : memref<1x1x200xi32, #tpu.memory_space<vmem>> -> memref<200xi32, #tpu.memory_space<vmem>>
        %dma_start3A_637 = arith.constant 0 : i32
        %dma_start3A_638 = arith.constant 0 : i32
        %dma_start3A_639 = tpu.memref_slice %arg3[%dma_start3A_637, %dma_start3A_638] : memref<1000000x64xf32, #tpu.memory_space<hbm>> -> memref<1000000x64xf32, #tpu.memory_space<hbm>>
        tpu.enqueue_indirect_dma source(%dma_start3A_639 : memref<1000000x64xf32, #tpu.memory_space<hbm>>) target(%dma_start3A_633 : memref<200x64xf32, #tpu.memory_space<vmem>>) offsets(%dma_start3A_636 : memref<200xi32, #tpu.memory_space<vmem>>) semaphore(%arg8 : memref<!tpu.dma_semaphore, #tpu.memory_space<semaphore_mem>>)
      } else {
      }
      %jit3A_204 = arith.constant 32 : i32
      %div3A_205 = arith.divsi %add3A_172, %jit3A_204 : i32
      %sign3A_206 = arith.constant 0 : i32
      %sign3A_207 = arith.cmpi sgt, %add3A_172, %sign3A_206 : i32
      %sign3A_208 = arith.extui %sign3A_207 : i1 to i32
      %sign3A_209 = arith.constant 0 : i32
      %sign3A_210 = arith.cmpi slt, %add3A_172, %sign3A_209 : i32
      %sign3A_211 = arith.extui %sign3A_210 : i1 to i32
      %sign3A_212 = arith.subi %sign3A_208, %sign3A_211 : i32
      %sign3A_213 = arith.constant 0 : i32
      %sign3A_214 = arith.cmpi sgt, %jit3A_204, %sign3A_213 : i32
      %sign3A_215 = arith.extui %sign3A_214 : i1 to i32
      %sign3A_216 = arith.constant 0 : i32
      %sign3A_217 = arith.cmpi slt, %jit3A_204, %sign3A_216 : i32
      %sign3A_218 = arith.extui %sign3A_217 : i1 to i32
      %sign3A_219 = arith.subi %sign3A_215, %sign3A_218 : i32
      %ne3A_220 = arith.cmpi ne, %sign3A_212, %sign3A_219 : i32
      %rem3A_221 = arith.remsi %add3A_172, %jit3A_204 : i32
      %ne3A_222 = arith.constant 0 : i32
      %ne3A_223 = arith.cmpi ne, %rem3A_221, %ne3A_222 : i32
      %and3A_224 = arith.andi %ne3A_220, %ne3A_223 : i1
      %sub3A_225 = arith.constant 1 : i32
      %sub3A_226 = arith.subi %div3A_205, %sub3A_225 : i32
      %select_n3A_227 = arith.select %and3A_224, %sub3A_226, %div3A_205 : i32
      %jit3A_228 = arith.constant 2 : i32
      %eq3A_229 = arith.constant 0 : i32
      %eq3A_230 = arith.cmpi eq, %jit3A_228, %eq3A_229 : i32
      %jit3A_231 = arith.constant 1 : i32
      %select_n3A_232 = arith.select %eq3A_230, %jit3A_231, %jit3A_228 : i32
      %rem3A_233 = arith.remsi %select_n3A_227, %select_n3A_232 : i32
      %ne3A_234 = arith.constant 0 : i32
      %ne3A_235 = arith.cmpi ne, %rem3A_233, %ne3A_234 : i32
      %lt3A_236 = arith.constant 0 : i32
      %lt3A_237 = arith.cmpi slt, %rem3A_233, %lt3A_236 : i32
      %lt3A_238 = arith.constant 0 : i32
      %lt3A_239 = arith.cmpi slt, %select_n3A_232, %lt3A_238 : i32
      %ne3A_240 = arith.xori %lt3A_237, %lt3A_239 : i1
      %and3A_241 = arith.andi %ne3A_240, %ne3A_235 : i1
      %add3A_242 = arith.addi %rem3A_233, %select_n3A_232 : i32
      %select_n3A_243 = arith.select %and3A_241, %add3A_242, %rem3A_233 : i32
      %jit3A_244 = arith.constant 32 : i32
      %eq3A_245 = arith.constant 0 : i32
      %eq3A_246 = arith.cmpi eq, %jit3A_244, %eq3A_245 : i32
      %jit3A_247 = arith.constant 1 : i32
      %select_n3A_248 = arith.select %eq3A_246, %jit3A_247, %jit3A_244 : i32
      %rem3A_249 = arith.remsi %add3A_172, %select_n3A_248 : i32
      %ne3A_250 = arith.constant 0 : i32
      %ne3A_251 = arith.cmpi ne, %rem3A_249, %ne3A_250 : i32
      %lt3A_252 = arith.constant 0 : i32
      %lt3A_253 = arith.cmpi slt, %rem3A_249, %lt3A_252 : i32
      %lt3A_254 = arith.constant 0 : i32
      %lt3A_255 = arith.cmpi slt, %select_n3A_248, %lt3A_254 : i32
      %ne3A_256 = arith.xori %lt3A_253, %lt3A_255 : i1
      %and3A_257 = arith.andi %ne3A_256, %ne3A_251 : i1
      %add3A_258 = arith.addi %rem3A_249, %select_n3A_248 : i32
      %select_n3A_259 = arith.select %and3A_257, %add3A_258, %rem3A_249 : i32
      %dma_wait3A_260 = arith.constant 1 : i32
      %dma_wait3A_261 = arith.constant 0 : i32
      %dma_wait3A_262 = arith.constant 0 : i32
      %dma_wait3A_263 = tpu.memref_slice %arg6[%dma_wait3A_260, %dma_wait3A_261, %dma_wait3A_262] : memref<4x200x64xf32, #tpu.memory_space<vmem>> -> memref<1x200x64xf32, #tpu.memory_space<vmem>>
      %dma_wait3A_264 = tpu.memref_squeeze %dma_wait3A_263 : memref<1x200x64xf32, #tpu.memory_space<vmem>> -> memref<200x64xf32, #tpu.memory_space<vmem>>
      %dma_wait3A_265 = arith.constant 0 : i32
      %dma_wait3A_266 = tpu.memref_slice %arg5[%select_n3A_243, %select_n3A_259, %dma_wait3A_265] : memref<2x32x200xi32, #tpu.memory_space<vmem>> -> memref<1x1x200xi32, #tpu.memory_space<vmem>>
      %dma_wait3A_267 = tpu.memref_squeeze %dma_wait3A_266 : memref<1x1x200xi32, #tpu.memory_space<vmem>> -> memref<200xi32, #tpu.memory_space<vmem>>
      %dma_wait3A_268 = arith.constant 0 : i32
      %dma_wait3A_269 = arith.constant 0 : i32
      %dma_wait3A_270 = tpu.memref_slice %arg3[%dma_wait3A_268, %dma_wait3A_269] : memref<1000000x64xf32, #tpu.memory_space<hbm>> -> memref<1000000x64xf32, #tpu.memory_space<hbm>>
      tpu.wait_indirect_dma semaphore(%arg9 : memref<!tpu.dma_semaphore, #tpu.memory_space<semaphore_mem>>) src(%dma_wait3A_270 : memref<1000000x64xf32, #tpu.memory_space<hbm>>) dst(%dma_wait3A_264 : memref<200x64xf32, #tpu.memory_space<vmem>>)
      %broadcast_in_dim3A_271 = arith.constant 0.000000e+00 : f32
      %broadcast_in_dim3A_272 = vector.broadcast %broadcast_in_dim3A_271 : f32 to vector<16xf32>
      %broadcast_in_dim3A_273 = arith.constant 0.000000e+00 : f32
      %broadcast_in_dim3A_274 = vector.broadcast %broadcast_in_dim3A_273 : f32 to vector<16xf32>
      %broadcast_in_dim3A_275 = arith.constant 0.000000e+00 : f32
      %broadcast_in_dim3A_276 = vector.broadcast %broadcast_in_dim3A_275 : f32 to vector<16xf32>
      %broadcast_in_dim3A_277 = arith.constant 0.000000e+00 : f32
      %broadcast_in_dim3A_278 = vector.broadcast %broadcast_in_dim3A_277 : f32 to vector<16xf32>
      %scan3A_279 = arith.constant 0 : i32
      %scan3A_280 = arith.constant 200 : i32
      %scan3A_281 = arith.addi %scan3A_279, %scan3A_280 : i32
      %scan3A_282 = arith.constant 8 : i32
      %scan3A_283:4 = scf.for %scan3A_573 = %scan3A_279 to %scan3A_281 step %scan3A_282 iter_args(%scan3A_574 = %broadcast_in_dim3A_272, %scan3A_575 = %broadcast_in_dim3A_274, %scan3A_576 = %broadcast_in_dim3A_276, %scan3A_577 = %broadcast_in_dim3A_278) -> (vector<16xf32>, vector<16xf32>, vector<16xf32>, vector<16xf32>)  : i32 {
        %mul3A_578 = arith.constant 1 : i32
        %mul3A_579 = arith.muli %scan3A_573, %mul3A_578 : i32
        %add3A_580 = arith.constant 0 : i32
        %add3A_581 = arith.addi %add3A_580, %mul3A_579 : i32
        %get3A = arith.constant 1 : i32
        %get3A_582 = arith.index_cast %get3A : i32 to index
        %get3A_583 = arith.index_cast %add3A_581 : i32 to index
        %get3A_584 = arith.constant 0 : index
        %get3A_585 = tpu.vector_load %arg6[%get3A_582, %get3A_583, %get3A_584] {strides = array<i32>} : memref<4x200x64xf32, #tpu.memory_space<vmem>>, vector<1x1x16xf32>,
        %get3A_586 = vector.shape_cast %get3A_585 : vector<1x1x16xf32> to vector<16xf32>
        %add3A_587 = arith.addf %scan3A_574, %get3A_586 : vector<16xf32>
        %get3A_588 = arith.constant 1 : i32
        %get3A_589 = arith.index_cast %get3A_588 : i32 to index
        %get3A_590 = arith.index_cast %add3A_581 : i32 to index
        %get3A_591 = arith.constant 16 : index
        %get3A_592 = tpu.vector_load %arg6[%get3A_589, %get3A_590, %get3A_591] {strides = array<i32>} : memref<4x200x64xf32, #tpu.memory_space<vmem>>, vector<1x1x16xf32>,
        %get3A_593 = vector.shape_cast %get3A_592 : vector<1x1x16xf32> to vector<16xf32>
        %add3A_594 = arith.addf %scan3A_575, %get3A_593 : vector<16xf32>
        %get3A_595 = arith.constant 1 : i32
        %get3A_596 = arith.index_cast %get3A_595 : i32 to index
        %get3A_597 = arith.index_cast %add3A_581 : i32 to index
        %get3A_598 = arith.constant 32 : index
        %get3A_599 = tpu.vector_load %arg6[%get3A_596, %get3A_597, %get3A_598] {strides = array<i32>} : memref<4x200x64xf32, #tpu.memory_space<vmem>>, vector<1x1x16xf32>,
        %get3A_600 = vector.shape_cast %get3A_599 : vector<1x1x16xf32> to vector<16xf32>
        %add3A_601 = arith.addf %scan3A_576, %get3A_600 : vector<16xf32>
        %get3A_602 = arith.constant 1 : i32
        %get3A_603 = arith.index_cast %get3A_602 : i32 to index
        %get3A_604 = arith.index_cast %add3A_581 : i32 to index
        %get3A_605 = arith.constant 48 : index
        %get3A_606 = tpu.vector_load %arg6[%get3A_603, %get3A_604, %get3A_605] {strides = array<i32>} : memref<4x200x64xf32, #tpu.memory_space<vmem>>, vector<1x1x16xf32>,
        %get3A_607 = vector.shape_cast %get3A_606 : vector<1x1x16xf32> to vector<16xf32>
        %add3A_608 = arith.addf %scan3A_577, %get3A_607 : vector<16xf32>
        %scan3A_609 = arith.constant 1 : i32
        %scan3A_610 = arith.addi %scan3A_573, %scan3A_609 : i32
        %mul3A_611 = arith.constant 1 : i32
        %mul3A_612 = arith.muli %scan3A_610, %mul3A_611 : i32
        %add3A_613 = arith.constant 0 : i32
        %add3A_614 = arith.addi %add3A_613, %mul3A_612 : i32
        %get3A_615 = arith.constant 1 : i32
        %get3A_616 = arith.index_cast %get3A_615 : i32 to index
        %get3A_617 = arith.index_cast %add3A_614 : i32 to index
        %get3A_618 = arith.constant 0 : index
        %get3A_619 = tpu.vector_load %arg6[%get3A_616, %get3A_617, %get3A_618] {strides = array<i32>} : memref<4x200x64xf32, #tpu.memory_space<vmem>>, vector<1x1x16xf32>,
        %get3A_620 = vector.shape_cast %get3A_619 : vector<1x1x16xf32> to vector<16xf32>
        %add3A_621 = arith.addf %add3A_587, %get3A_620 : vector<16xf32>
        %get3A_622 = arith.constant 1 : i32
        %get3A_623 = arith.index_cast %get3A_622 : i32 to index
        %get3A_624 = arith.index_cast %add3A_614 : i32 to index
        %get3A_625 = arith.constant 16 : index
        %get3A_626 = tpu.vector_load %arg6[%get3A_623, %get3A_624, %get3A_625] {strides = array<i32>} : memref<4x200x64xf32, #tpu.memory_space<vmem>>, vector<1x1x16xf32>,
        %get3A_627 = vector.shape_cast %get3A_626 : vector<1x1x16xf32> to vector<16xf32>
        %add3A_628 = arith.addf %add3A_594, %get3A_627 : vector<16xf32>
        %get3A_629 = arith.constant 1 : i32
        %get3A_630 = arith.index_cast %get3A_629 : i32 to index
        %get3A_631 = arith.index_cast %add3A_614 : i32 to index
        %get3A_632 = arith.constant 32 : index
        %get3A_633 = tpu.vector_load %arg6[%get3A_630, %get3A_631, %get3A_632] {strides = array<i32>} : memref<4x200x64xf32, #tpu.memory_space<vmem>>, vector<1x1x16xf32>,
        %get3A_634 = vector.shape_cast %get3A_633 : vector<1x1x16xf32> to vector<16xf32>
        %add3A_635 = arith.addf %add3A_601, %get3A_634 : vector<16xf32>
        %get3A_636 = arith.constant 1 : i32
        %get3A_637 = arith.index_cast %get3A_636 : i32 to index
        %get3A_638 = arith.index_cast %add3A_614 : i32 to index
        %get3A_639 = arith.constant 48 : index
        %get3A_640 = tpu.vector_load %arg6[%get3A_637, %get3A_638, %get3A_639] {strides = array<i32>} : memref<4x200x64xf32, #tpu.memory_space<vmem>>, vector<1x1x16xf32>,
        %get3A_641 = vector.shape_cast %get3A_640 : vector<1x1x16xf32> to vector<16xf32>
        %add3A_642 = arith.addf %add3A_608, %get3A_641 : vector<16xf32>
        %scan3A_643 = arith.constant 2 : i32
        %scan3A_644 = arith.addi %scan3A_573, %scan3A_643 : i32
        %mul3A_645 = arith.constant 1 : i32
        %mul3A_646 = arith.muli %scan3A_644, %mul3A_645 : i32
        %add3A_647 = arith.constant 0 : i32
        %add3A_648 = arith.addi %add3A_647, %mul3A_646 : i32
        %get3A_649 = arith.constant 1 : i32
        %get3A_650 = arith.index_cast %get3A_649 : i32 to index
        %get3A_651 = arith.index_cast %add3A_648 : i32 to index
        %get3A_652 = arith.constant 0 : index
        %get3A_653 = tpu.vector_load %arg6[%get3A_650, %get3A_651, %get3A_652] {strides = array<i32>} : memref<4x200x64xf32, #tpu.memory_space<vmem>>, vector<1x1x16xf32>,
        %get3A_654 = vector.shape_cast %get3A_653 : vector<1x1x16xf32> to vector<16xf32>
        %add3A_655 = arith.addf %add3A_621, %get3A_654 : vector<16xf32>
        %get3A_656 = arith.constant 1 : i32
        %get3A_657 = arith.index_cast %get3A_656 : i32 to index
        %get3A_658 = arith.index_cast %add3A_648 : i32 to index
        %get3A_659 = arith.constant 16 : index
        %get3A_660 = tpu.vector_load %arg6[%get3A_657, %get3A_658, %get3A_659] {strides = array<i32>} : memref<4x200x64xf32, #tpu.memory_space<vmem>>, vector<1x1x16xf32>,
        %get3A_661 = vector.shape_cast %get3A_660 : vector<1x1x16xf32> to vector<16xf32>
        %add3A_662 = arith.addf %add3A_628, %get3A_661 : vector<16xf32>
        %get3A_663 = arith.constant 1 : i32
        %get3A_664 = arith.index_cast %get3A_663 : i32 to index
        %get3A_665 = arith.index_cast %add3A_648 : i32 to index
        %get3A_666 = arith.constant 32 : index
        %get3A_667 = tpu.vector_load %arg6[%get3A_664, %get3A_665, %get3A_666] {strides = array<i32>} : memref<4x200x64xf32, #tpu.memory_space<vmem>>, vector<1x1x16xf32>,
        %get3A_668 = vector.shape_cast %get3A_667 : vector<1x1x16xf32> to vector<16xf32>
        %add3A_669 = arith.addf %add3A_635, %get3A_668 : vector<16xf32>
        %get3A_670 = arith.constant 1 : i32
        %get3A_671 = arith.index_cast %get3A_670 : i32 to index
        %get3A_672 = arith.index_cast %add3A_648 : i32 to index
        %get3A_673 = arith.constant 48 : index
        %get3A_674 = tpu.vector_load %arg6[%get3A_671, %get3A_672, %get3A_673] {strides = array<i32>} : memref<4x200x64xf32, #tpu.memory_space<vmem>>, vector<1x1x16xf32>,
        %get3A_675 = vector.shape_cast %get3A_674 : vector<1x1x16xf32> to vector<16xf32>
        %add3A_676 = arith.addf %add3A_642, %get3A_675 : vector<16xf32>
        %scan3A_677 = arith.constant 3 : i32
        %scan3A_678 = arith.addi %scan3A_573, %scan3A_677 : i32
        %mul3A_679 = arith.constant 1 : i32
        %mul3A_680 = arith.muli %scan3A_678, %mul3A_679 : i32
        %add3A_681 = arith.constant 0 : i32
        %add3A_682 = arith.addi %add3A_681, %mul3A_680 : i32
        %get3A_683 = arith.constant 1 : i32
        %get3A_684 = arith.index_cast %get3A_683 : i32 to index
        %get3A_685 = arith.index_cast %add3A_682 : i32 to index
        %get3A_686 = arith.constant 0 : index
        %get3A_687 = tpu.vector_load %arg6[%get3A_684, %get3A_685, %get3A_686] {strides = array<i32>} : memref<4x200x64xf32, #tpu.memory_space<vmem>>, vector<1x1x16xf32>,
        %get3A_688 = vector.shape_cast %get3A_687 : vector<1x1x16xf32> to vector<16xf32>
        %add3A_689 = arith.addf %add3A_655, %get3A_688 : vector<16xf32>
        %get3A_690 = arith.constant 1 : i32
        %get3A_691 = arith.index_cast %get3A_690 : i32 to index
        %get3A_692 = arith.index_cast %add3A_682 : i32 to index
        %get3A_693 = arith.constant 16 : index
        %get3A_694 = tpu.vector_load %arg6[%get3A_691, %get3A_692, %get3A_693] {strides = array<i32>} : memref<4x200x64xf32, #tpu.memory_space<vmem>>, vector<1x1x16xf32>,
        %get3A_695 = vector.shape_cast %get3A_694 : vector<1x1x16xf32> to vector<16xf32>
        %add3A_696 = arith.addf %add3A_662, %get3A_695 : vector<16xf32>
        %get3A_697 = arith.constant 1 : i32
        %get3A_698 = arith.index_cast %get3A_697 : i32 to index
        %get3A_699 = arith.index_cast %add3A_682 : i32 to index
        %get3A_700 = arith.constant 32 : index
        %get3A_701 = tpu.vector_load %arg6[%get3A_698, %get3A_699, %get3A_700] {strides = array<i32>} : memref<4x200x64xf32, #tpu.memory_space<vmem>>, vector<1x1x16xf32>,
        %get3A_702 = vector.shape_cast %get3A_701 : vector<1x1x16xf32> to vector<16xf32>
        %add3A_703 = arith.addf %add3A_669, %get3A_702 : vector<16xf32>
        %get3A_704 = arith.constant 1 : i32
        %get3A_705 = arith.index_cast %get3A_704 : i32 to index
        %get3A_706 = arith.index_cast %add3A_682 : i32 to index
        %get3A_707 = arith.constant 48 : index
        %get3A_708 = tpu.vector_load %arg6[%get3A_705, %get3A_706, %get3A_707] {strides = array<i32>} : memref<4x200x64xf32, #tpu.memory_space<vmem>>, vector<1x1x16xf32>,
        %get3A_709 = vector.shape_cast %get3A_708 : vector<1x1x16xf32> to vector<16xf32>
        %add3A_710 = arith.addf %add3A_676, %get3A_709 : vector<16xf32>
        %scan3A_711 = arith.constant 4 : i32
        %scan3A_712 = arith.addi %scan3A_573, %scan3A_711 : i32
        %mul3A_713 = arith.constant 1 : i32
        %mul3A_714 = arith.muli %scan3A_712, %mul3A_713 : i32
        %add3A_715 = arith.constant 0 : i32
        %add3A_716 = arith.addi %add3A_715, %mul3A_714 : i32
        %get3A_717 = arith.constant 1 : i32
        %get3A_718 = arith.index_cast %get3A_717 : i32 to index
        %get3A_719 = arith.index_cast %add3A_716 : i32 to index
        %get3A_720 = arith.constant 0 : index
        %get3A_721 = tpu.vector_load %arg6[%get3A_718, %get3A_719, %get3A_720] {strides = array<i32>} : memref<4x200x64xf32, #tpu.memory_space<vmem>>, vector<1x1x16xf32>,
        %get3A_722 = vector.shape_cast %get3A_721 : vector<1x1x16xf32> to vector<16xf32>
        %add3A_723 = arith.addf %add3A_689, %get3A_722 : vector<16xf32>
        %get3A_724 = arith.constant 1 : i32
        %get3A_725 = arith.index_cast %get3A_724 : i32 to index
        %get3A_726 = arith.index_cast %add3A_716 : i32 to index
        %get3A_727 = arith.constant 16 : index
        %get3A_728 = tpu.vector_load %arg6[%get3A_725, %get3A_726, %get3A_727] {strides = array<i32>} : memref<4x200x64xf32, #tpu.memory_space<vmem>>, vector<1x1x16xf32>,
        %get3A_729 = vector.shape_cast %get3A_728 : vector<1x1x16xf32> to vector<16xf32>
        %add3A_730 = arith.addf %add3A_696, %get3A_729 : vector<16xf32>
        %get3A_731 = arith.constant 1 : i32
        %get3A_732 = arith.index_cast %get3A_731 : i32 to index
        %get3A_733 = arith.index_cast %add3A_716 : i32 to index
        %get3A_734 = arith.constant 32 : index
        %get3A_735 = tpu.vector_load %arg6[%get3A_732, %get3A_733, %get3A_734] {strides = array<i32>} : memref<4x200x64xf32, #tpu.memory_space<vmem>>, vector<1x1x16xf32>,
        %get3A_736 = vector.shape_cast %get3A_735 : vector<1x1x16xf32> to vector<16xf32>
        %add3A_737 = arith.addf %add3A_703, %get3A_736 : vector<16xf32>
        %get3A_738 = arith.constant 1 : i32
        %get3A_739 = arith.index_cast %get3A_738 : i32 to index
        %get3A_740 = arith.index_cast %add3A_716 : i32 to index
        %get3A_741 = arith.constant 48 : index
        %get3A_742 = tpu.vector_load %arg6[%get3A_739, %get3A_740, %get3A_741] {strides = array<i32>} : memref<4x200x64xf32, #tpu.memory_space<vmem>>, vector<1x1x16xf32>,
        %get3A_743 = vector.shape_cast %get3A_742 : vector<1x1x16xf32> to vector<16xf32>
        %add3A_744 = arith.addf %add3A_710, %get3A_743 : vector<16xf32>
        %scan3A_745 = arith.constant 5 : i32
        %scan3A_746 = arith.addi %scan3A_573, %scan3A_745 : i32
        %mul3A_747 = arith.constant 1 : i32
        %mul3A_748 = arith.muli %scan3A_746, %mul3A_747 : i32
        %add3A_749 = arith.constant 0 : i32
        %add3A_750 = arith.addi %add3A_749, %mul3A_748 : i32
        %get3A_751 = arith.constant 1 : i32
        %get3A_752 = arith.index_cast %get3A_751 : i32 to index
        %get3A_753 = arith.index_cast %add3A_750 : i32 to index
        %get3A_754 = arith.constant 0 : index
        %get3A_755 = tpu.vector_load %arg6[%get3A_752, %get3A_753, %get3A_754] {strides = array<i32>} : memref<4x200x64xf32, #tpu.memory_space<vmem>>, vector<1x1x16xf32>,
        %get3A_756 = vector.shape_cast %get3A_755 : vector<1x1x16xf32> to vector<16xf32>
        %add3A_757 = arith.addf %add3A_723, %get3A_756 : vector<16xf32>
        %get3A_758 = arith.constant 1 : i32
        %get3A_759 = arith.index_cast %get3A_758 : i32 to index
        %get3A_760 = arith.index_cast %add3A_750 : i32 to index
        %get3A_761 = arith.constant 16 : index
        %get3A_762 = tpu.vector_load %arg6[%get3A_759, %get3A_760, %get3A_761] {strides = array<i32>} : memref<4x200x64xf32, #tpu.memory_space<vmem>>, vector<1x1x16xf32>,
        %get3A_763 = vector.shape_cast %get3A_762 : vector<1x1x16xf32> to vector<16xf32>
        %add3A_764 = arith.addf %add3A_730, %get3A_763 : vector<16xf32>
        %get3A_765 = arith.constant 1 : i32
        %get3A_766 = arith.index_cast %get3A_765 : i32 to index
        %get3A_767 = arith.index_cast %add3A_750 : i32 to index
        %get3A_768 = arith.constant 32 : index
        %get3A_769 = tpu.vector_load %arg6[%get3A_766, %get3A_767, %get3A_768] {strides = array<i32>} : memref<4x200x64xf32, #tpu.memory_space<vmem>>, vector<1x1x16xf32>,
        %get3A_770 = vector.shape_cast %get3A_769 : vector<1x1x16xf32> to vector<16xf32>
        %add3A_771 = arith.addf %add3A_737, %get3A_770 : vector<16xf32>
        %get3A_772 = arith.constant 1 : i32
        %get3A_773 = arith.index_cast %get3A_772 : i32 to index
        %get3A_774 = arith.index_cast %add3A_750 : i32 to index
        %get3A_775 = arith.constant 48 : index
        %get3A_776 = tpu.vector_load %arg6[%get3A_773, %get3A_774, %get3A_775] {strides = array<i32>} : memref<4x200x64xf32, #tpu.memory_space<vmem>>, vector<1x1x16xf32>,
        %get3A_777 = vector.shape_cast %get3A_776 : vector<1x1x16xf32> to vector<16xf32>
        %add3A_778 = arith.addf %add3A_744, %get3A_777 : vector<16xf32>
        %scan3A_779 = arith.constant 6 : i32
        %scan3A_780 = arith.addi %scan3A_573, %scan3A_779 : i32
        %mul3A_781 = arith.constant 1 : i32
        %mul3A_782 = arith.muli %scan3A_780, %mul3A_781 : i32
        %add3A_783 = arith.constant 0 : i32
        %add3A_784 = arith.addi %add3A_783, %mul3A_782 : i32
        %get3A_785 = arith.constant 1 : i32
        %get3A_786 = arith.index_cast %get3A_785 : i32 to index
        %get3A_787 = arith.index_cast %add3A_784 : i32 to index
        %get3A_788 = arith.constant 0 : index
        %get3A_789 = tpu.vector_load %arg6[%get3A_786, %get3A_787, %get3A_788] {strides = array<i32>} : memref<4x200x64xf32, #tpu.memory_space<vmem>>, vector<1x1x16xf32>,
        %get3A_790 = vector.shape_cast %get3A_789 : vector<1x1x16xf32> to vector<16xf32>
        %add3A_791 = arith.addf %add3A_757, %get3A_790 : vector<16xf32>
        %get3A_792 = arith.constant 1 : i32
        %get3A_793 = arith.index_cast %get3A_792 : i32 to index
        %get3A_794 = arith.index_cast %add3A_784 : i32 to index
        %get3A_795 = arith.constant 16 : index
        %get3A_796 = tpu.vector_load %arg6[%get3A_793, %get3A_794, %get3A_795] {strides = array<i32>} : memref<4x200x64xf32, #tpu.memory_space<vmem>>, vector<1x1x16xf32>,
        %get3A_797 = vector.shape_cast %get3A_796 : vector<1x1x16xf32> to vector<16xf32>
        %add3A_798 = arith.addf %add3A_764, %get3A_797 : vector<16xf32>
        %get3A_799 = arith.constant 1 : i32
        %get3A_800 = arith.index_cast %get3A_799 : i32 to index
        %get3A_801 = arith.index_cast %add3A_784 : i32 to index
        %get3A_802 = arith.constant 32 : index
        %get3A_803 = tpu.vector_load %arg6[%get3A_800, %get3A_801, %get3A_802] {strides = array<i32>} : memref<4x200x64xf32, #tpu.memory_space<vmem>>, vector<1x1x16xf32>,
        %get3A_804 = vector.shape_cast %get3A_803 : vector<1x1x16xf32> to vector<16xf32>
        %add3A_805 = arith.addf %add3A_771, %get3A_804 : vector<16xf32>
        %get3A_806 = arith.constant 1 : i32
        %get3A_807 = arith.index_cast %get3A_806 : i32 to index
        %get3A_808 = arith.index_cast %add3A_784 : i32 to index
        %get3A_809 = arith.constant 48 : index
        %get3A_810 = tpu.vector_load %arg6[%get3A_807, %get3A_808, %get3A_809] {strides = array<i32>} : memref<4x200x64xf32, #tpu.memory_space<vmem>>, vector<1x1x16xf32>,
        %get3A_811 = vector.shape_cast %get3A_810 : vector<1x1x16xf32> to vector<16xf32>
        %add3A_812 = arith.addf %add3A_778, %get3A_811 : vector<16xf32>
        %scan3A_813 = arith.constant 7 : i32
        %scan3A_814 = arith.addi %scan3A_573, %scan3A_813 : i32
        %mul3A_815 = arith.constant 1 : i32
        %mul3A_816 = arith.muli %scan3A_814, %mul3A_815 : i32
        %add3A_817 = arith.constant 0 : i32
        %add3A_818 = arith.addi %add3A_817, %mul3A_816 : i32
        %get3A_819 = arith.constant 1 : i32
        %get3A_820 = arith.index_cast %get3A_819 : i32 to index
        %get3A_821 = arith.index_cast %add3A_818 : i32 to index
        %get3A_822 = arith.constant 0 : index
        %get3A_823 = tpu.vector_load %arg6[%get3A_820, %get3A_821, %get3A_822] {strides = array<i32>} : memref<4x200x64xf32, #tpu.memory_space<vmem>>, vector<1x1x16xf32>,
        %get3A_824 = vector.shape_cast %get3A_823 : vector<1x1x16xf32> to vector<16xf32>
        %add3A_825 = arith.addf %add3A_791, %get3A_824 : vector<16xf32>
        %get3A_826 = arith.constant 1 : i32
        %get3A_827 = arith.index_cast %get3A_826 : i32 to index
        %get3A_828 = arith.index_cast %add3A_818 : i32 to index
        %get3A_829 = arith.constant 16 : index
        %get3A_830 = tpu.vector_load %arg6[%get3A_827, %get3A_828, %get3A_829] {strides = array<i32>} : memref<4x200x64xf32, #tpu.memory_space<vmem>>, vector<1x1x16xf32>,
        %get3A_831 = vector.shape_cast %get3A_830 : vector<1x1x16xf32> to vector<16xf32>
        %add3A_832 = arith.addf %add3A_798, %get3A_831 : vector<16xf32>
        %get3A_833 = arith.constant 1 : i32
        %get3A_834 = arith.index_cast %get3A_833 : i32 to index
        %get3A_835 = arith.index_cast %add3A_818 : i32 to index
        %get3A_836 = arith.constant 32 : index
        %get3A_837 = tpu.vector_load %arg6[%get3A_834, %get3A_835, %get3A_836] {strides = array<i32>} : memref<4x200x64xf32, #tpu.memory_space<vmem>>, vector<1x1x16xf32>,
        %get3A_838 = vector.shape_cast %get3A_837 : vector<1x1x16xf32> to vector<16xf32>
        %add3A_839 = arith.addf %add3A_805, %get3A_838 : vector<16xf32>
        %get3A_840 = arith.constant 1 : i32
        %get3A_841 = arith.index_cast %get3A_840 : i32 to index
        %get3A_842 = arith.index_cast %add3A_818 : i32 to index
        %get3A_843 = arith.constant 48 : index
        %get3A_844 = tpu.vector_load %arg6[%get3A_841, %get3A_842, %get3A_843] {strides = array<i32>} : memref<4x200x64xf32, #tpu.memory_space<vmem>>, vector<1x1x16xf32>,
        %get3A_845 = vector.shape_cast %get3A_844 : vector<1x1x16xf32> to vector<16xf32>
        %add3A_846 = arith.addf %add3A_812, %get3A_845 : vector<16xf32>
        scf.yield %add3A_825, %add3A_832, %add3A_839, %add3A_846 : vector<16xf32>, vector<16xf32>, vector<16xf32>, vector<16xf32>
      }
      %scan3A_284 = arith.constant 200 : i32
      %swap3A_285 = arith.index_cast %add3A_172 : i32 to index
      %swap3A_286 = arith.constant 0 : index
      %swap3A_287 = tpu.vector_load %arg7[%swap3A_285, %swap3A_286] {strides = array<i32>} : memref<512x64xf32, #tpu.memory_space<vmem>>, vector<1x16xf32>,
      %swap3A_288 = vector.shape_cast %swap3A_287 : vector<1x16xf32> to vector<16xf32>
      %swap3A_289 = vector.shape_cast %scan3A_283#0 : vector<16xf32> to vector<1x16xf32>
      tpu.vector_store %arg7[%swap3A_285, %swap3A_286], %swap3A_289 {strides = array<i32>} : memref<512x64xf32, #tpu.memory_space<vmem>>, vector<1x16xf32>,
      %swap3A_290 = arith.index_cast %add3A_172 : i32 to index
      %swap3A_291 = arith.constant 16 : index
      %swap3A_292 = tpu.vector_load %arg7[%swap3A_290, %swap3A_291] {strides = array<i32>} : memref<512x64xf32, #tpu.memory_space<vmem>>, vector<1x16xf32>,
      %swap3A_293 = vector.shape_cast %swap3A_292 : vector<1x16xf32> to vector<16xf32>
      %swap3A_294 = vector.shape_cast %scan3A_283#1 : vector<16xf32> to vector<1x16xf32>
      tpu.vector_store %arg7[%swap3A_290, %swap3A_291], %swap3A_294 {strides = array<i32>} : memref<512x64xf32, #tpu.memory_space<vmem>>, vector<1x16xf32>,
      %swap3A_295 = arith.index_cast %add3A_172 : i32 to index
      %swap3A_296 = arith.constant 32 : index
      %swap3A_297 = tpu.vector_load %arg7[%swap3A_295, %swap3A_296] {strides = array<i32>} : memref<512x64xf32, #tpu.memory_space<vmem>>, vector<1x16xf32>,
      %swap3A_298 = vector.shape_cast %swap3A_297 : vector<1x16xf32> to vector<16xf32>
      %swap3A_299 = vector.shape_cast %scan3A_283#2 : vector<16xf32> to vector<1x16xf32>
      tpu.vector_store %arg7[%swap3A_295, %swap3A_296], %swap3A_299 {strides = array<i32>} : memref<512x64xf32, #tpu.memory_space<vmem>>, vector<1x16xf32>,
      %swap3A_300 = arith.index_cast %add3A_172 : i32 to index
      %swap3A_301 = arith.constant 48 : index
      %swap3A_302 = tpu.vector_load %arg7[%swap3A_300, %swap3A_301] {strides = array<i32>} : memref<512x64xf32, #tpu.memory_space<vmem>>, vector<1x16xf32>,
      %swap3A_303 = vector.shape_cast %swap3A_302 : vector<1x16xf32> to vector<16xf32>
      %swap3A_304 = vector.shape_cast %scan3A_283#3 : vector<16xf32> to vector<1x16xf32>
      tpu.vector_store %arg7[%swap3A_300, %swap3A_301], %swap3A_304 {strides = array<i32>} : memref<512x64xf32, #tpu.memory_space<vmem>>, vector<1x16xf32>,
      %add3A_305 = arith.constant 2 : i32
      %add3A_306 = arith.addi %add3A_51, %add3A_305 : i32
      %add3A_307 = arith.constant 3 : i32
      %add3A_308 = arith.addi %add3A_306, %add3A_307 : i32
      %jit3A_309 = arith.constant 32 : i32
      %eq3A_310 = arith.constant 0 : i32
      %eq3A_311 = arith.cmpi eq, %jit3A_309, %eq3A_310 : i32
      %jit3A_312 = arith.constant 1 : i32
      %select_n3A_313 = arith.select %eq3A_311, %jit3A_312, %jit3A_309 : i32
      %rem3A_314 = arith.remsi %add3A_308, %select_n3A_313 : i32
      %ne3A_315 = arith.constant 0 : i32
      %ne3A_316 = arith.cmpi ne, %rem3A_314, %ne3A_315 : i32
      %lt3A_317 = arith.constant 0 : i32
      %lt3A_318 = arith.cmpi slt, %rem3A_314, %lt3A_317 : i32
      %lt3A_319 = arith.constant 0 : i32
      %lt3A_320 = arith.cmpi slt, %select_n3A_313, %lt3A_319 : i32
      %ne3A_321 = arith.xori %lt3A_318, %lt3A_320 : i1
      %and3A_322 = arith.andi %ne3A_321, %ne3A_316 : i1
      %add3A_323 = arith.addi %rem3A_314, %select_n3A_313 : i32
      %select_n3A_324 = arith.select %and3A_322, %add3A_323, %rem3A_314 : i32
      %eq3A_325 = arith.constant 0 : i32
      %eq3A_326 = arith.cmpi eq, %select_n3A_324, %eq3A_325 : i32
      %lt3A_327 = arith.constant 512 : i32
      %lt3A_328 = arith.cmpi slt, %add3A_308, %lt3A_327 : i32
      %and3A_329 = arith.andi %eq3A_326, %lt3A_328 : i1
      %convert_element_type3A_330 = arith.extui %and3A_329 : i1 to i32
      %cond3A_331 = arith.constant 0 : i32
      %cond3A_332 = arith.cmpi ne, %convert_element_type3A_330, %cond3A_331 : i32
      scf.if %cond3A_332 {
        %jit3A_573 = arith.constant 32 : i32
        %div3A_574 = arith.divsi %add3A_308, %jit3A_573 : i32
        %sign3A_575 = arith.constant 0 : i32
        %sign3A_576 = arith.cmpi sgt, %add3A_308, %sign3A_575 : i32
        %sign3A_577 = arith.extui %sign3A_576 : i1 to i32
        %sign3A_578 = arith.constant 0 : i32
        %sign3A_579 = arith.cmpi slt, %add3A_308, %sign3A_578 : i32
        %sign3A_580 = arith.extui %sign3A_579 : i1 to i32
        %sign3A_581 = arith.subi %sign3A_577, %sign3A_580 : i32
        %sign3A_582 = arith.constant 0 : i32
        %sign3A_583 = arith.cmpi sgt, %jit3A_573, %sign3A_582 : i32
        %sign3A_584 = arith.extui %sign3A_583 : i1 to i32
        %sign3A_585 = arith.constant 0 : i32
        %sign3A_586 = arith.cmpi slt, %jit3A_573, %sign3A_585 : i32
        %sign3A_587 = arith.extui %sign3A_586 : i1 to i32
        %sign3A_588 = arith.subi %sign3A_584, %sign3A_587 : i32
        %ne3A_589 = arith.cmpi ne, %sign3A_581, %sign3A_588 : i32
        %rem3A_590 = arith.remsi %add3A_308, %jit3A_573 : i32
        %ne3A_591 = arith.constant 0 : i32
        %ne3A_592 = arith.cmpi ne, %rem3A_590, %ne3A_591 : i32
        %and3A_593 = arith.andi %ne3A_589, %ne3A_592 : i1
        %sub3A_594 = arith.constant 1 : i32
        %sub3A_595 = arith.subi %div3A_574, %sub3A_594 : i32
        %select_n3A_596 = arith.select %and3A_593, %sub3A_595, %div3A_574 : i32
        %mul3A_597 = arith.constant 32 : i32
        %mul3A_598 = arith.muli %select_n3A_596, %mul3A_597 : i32
        %add3A_599 = arith.addi %mul3A_2, %mul3A_598 : i32
        %jit3A_600 = arith.constant 2 : i32
        %eq3A_601 = arith.constant 0 : i32
        %eq3A_602 = arith.cmpi eq, %jit3A_600, %eq3A_601 : i32
        %jit3A_603 = arith.constant 1 : i32
        %select_n3A_604 = arith.select %eq3A_602, %jit3A_603, %jit3A_600 : i32
        %rem3A_605 = arith.remsi %select_n3A_596, %select_n3A_604 : i32
        %ne3A_606 = arith.constant 0 : i32
        %ne3A_607 = arith.cmpi ne, %rem3A_605, %ne3A_606 : i32
        %lt3A_608 = arith.constant 0 : i32
        %lt3A_609 = arith.cmpi slt, %rem3A_605, %lt3A_608 : i32
        %lt3A_610 = arith.constant 0 : i32
        %lt3A_611 = arith.cmpi slt, %select_n3A_604, %lt3A_610 : i32
        %ne3A_612 = arith.xori %lt3A_609, %lt3A_611 : i1
        %and3A_613 = arith.andi %ne3A_612, %ne3A_607 : i1
        %add3A_614 = arith.addi %rem3A_605, %select_n3A_604 : i32
        %select_n3A_615 = arith.select %and3A_613, %add3A_614, %rem3A_605 : i32
        "tpu.region"() ({
          %run_scoped3A_616 = tpu.sem_alloc : memref<!tpu.dma_semaphore, #tpu.memory_space<semaphore_mem>>
          %dma_start3A_617 = arith.constant 0 : i32
          %dma_start3A_618 = arith.constant 0 : i32
          %dma_start3A_619 = tpu.memref_slice %arg5[%select_n3A_615, %dma_start3A_617, %dma_start3A_618] : memref<2x32x200xi32, #tpu.memory_space<vmem>> -> memref<1x32x200xi32, #tpu.memory_space<vmem>>
          %dma_start3A_620 = tpu.memref_squeeze %dma_start3A_619 : memref<1x32x200xi32, #tpu.memory_space<vmem>> -> memref<32x200xi32, #tpu.memory_space<vmem>>
          %dma_start3A_621 = arith.constant 0 : i32
          %dma_start3A_622 = tpu.memref_slice %arg2[%add3A_599, %dma_start3A_621] : memref<16384x200xi32, #tpu.memory_space<hbm>> -> memref<32x200xi32, #tpu.memory_space<hbm>>
          %dma_start3A_623 = arith.constant 0 : i32
          %dma_start3A_624 = arith.constant 0 : i32
          %dma_start3A_625 = tpu.memref_slice %arg5[%select_n3A_615, %dma_start3A_623, %dma_start3A_624] : memref<2x32x200xi32, #tpu.memory_space<vmem>> -> memref<1x32x200xi32, #tpu.memory_space<vmem>>
          %dma_start3A_626 = tpu.memref_squeeze %dma_start3A_625 : memref<1x32x200xi32, #tpu.memory_space<vmem>> -> memref<32x200xi32, #tpu.memory_space<vmem>>
          %dma_start3A_627 = arith.constant 0 : i32
          %dma_start3A_628 = tpu.memref_slice %arg2[%add3A_599, %dma_start3A_627] : memref<16384x200xi32, #tpu.memory_space<hbm>> -> memref<32x200xi32, #tpu.memory_space<hbm>>
          tpu.enqueue_dma source(%dma_start3A_628 : memref<32x200xi32, #tpu.memory_space<hbm>>) target(%dma_start3A_626 : memref<32x200xi32, #tpu.memory_space<vmem>>) target_semaphore(%run_scoped3A_616 : memref<!tpu.dma_semaphore, #tpu.memory_space<semaphore_mem>>)
          %dma_wait3A_629 = arith.constant 0 : i32
          %dma_wait3A_630 = arith.constant 0 : i32
          %dma_wait3A_631 = tpu.memref_slice %arg5[%select_n3A_615, %dma_wait3A_629, %dma_wait3A_630] : memref<2x32x200xi32, #tpu.memory_space<vmem>> -> memref<1x32x200xi32, #tpu.memory_space<vmem>>
          %dma_wait3A_632 = tpu.memref_squeeze %dma_wait3A_631 : memref<1x32x200xi32, #tpu.memory_space<vmem>> -> memref<32x200xi32, #tpu.memory_space<vmem>>
          %dma_wait3A_633 = arith.constant 0 : i32
          %dma_wait3A_634 = tpu.memref_slice %arg2[%add3A_599, %dma_wait3A_633] : memref<16384x200xi32, #tpu.memory_space<hbm>> -> memref<32x200xi32, #tpu.memory_space<hbm>>
          %dma_wait3A_635 = arith.constant 0 : i32
          %dma_wait3A_636 = arith.constant 0 : i32
          %dma_wait3A_637 = tpu.memref_slice %arg5[%select_n3A_615, %dma_wait3A_635, %dma_wait3A_636] : memref<2x32x200xi32, #tpu.memory_space<vmem>> -> memref<1x32x200xi32, #tpu.memory_space<vmem>>
          %dma_wait3A_638 = tpu.memref_squeeze %dma_wait3A_637 : memref<1x32x200xi32, #tpu.memory_space<vmem>> -> memref<32x200xi32, #tpu.memory_space<vmem>>
          %dma_wait3A_639 = arith.constant 0 : i32
          %dma_wait3A_640 = tpu.memref_slice %arg2[%add3A_599, %dma_wait3A_639] : memref<16384x200xi32, #tpu.memory_space<hbm>> -> memref<32x200xi32, #tpu.memory_space<hbm>>
          tpu.wait_dma2 semaphore(%run_scoped3A_616 : memref<!tpu.dma_semaphore, #tpu.memory_space<semaphore_mem>>) src(%dma_wait3A_640 : memref<32x200xi32, #tpu.memory_space<hbm>>) dst(%dma_wait3A_638 : memref<32x200xi32, #tpu.memory_space<vmem>>)
          tpu.yield
        }) : () -> ()
      } else {
      }
      %lt3A_333 = arith.constant 512 : i32
      %lt3A_334 = arith.cmpi slt, %add3A_308, %lt3A_333 : i32
      %convert_element_type3A_335 = arith.extui %lt3A_334 : i1 to i32
      %cond3A_336 = arith.constant 0 : i32
      %cond3A_337 = arith.cmpi ne, %convert_element_type3A_335, %cond3A_336 : i32
      scf.if %cond3A_337 {
        %jit3A_573 = arith.constant 32 : i32
        %div3A_574 = arith.divsi %add3A_308, %jit3A_573 : i32
        %sign3A_575 = arith.constant 0 : i32
        %sign3A_576 = arith.cmpi sgt, %add3A_308, %sign3A_575 : i32
        %sign3A_577 = arith.extui %sign3A_576 : i1 to i32
        %sign3A_578 = arith.constant 0 : i32
        %sign3A_579 = arith.cmpi slt, %add3A_308, %sign3A_578 : i32
        %sign3A_580 = arith.extui %sign3A_579 : i1 to i32
        %sign3A_581 = arith.subi %sign3A_577, %sign3A_580 : i32
        %sign3A_582 = arith.constant 0 : i32
        %sign3A_583 = arith.cmpi sgt, %jit3A_573, %sign3A_582 : i32
        %sign3A_584 = arith.extui %sign3A_583 : i1 to i32
        %sign3A_585 = arith.constant 0 : i32
        %sign3A_586 = arith.cmpi slt, %jit3A_573, %sign3A_585 : i32
        %sign3A_587 = arith.extui %sign3A_586 : i1 to i32
        %sign3A_588 = arith.subi %sign3A_584, %sign3A_587 : i32
        %ne3A_589 = arith.cmpi ne, %sign3A_581, %sign3A_588 : i32
        %rem3A_590 = arith.remsi %add3A_308, %jit3A_573 : i32
        %ne3A_591 = arith.constant 0 : i32
        %ne3A_592 = arith.cmpi ne, %rem3A_590, %ne3A_591 : i32
        %and3A_593 = arith.andi %ne3A_589, %ne3A_592 : i1
        %sub3A_594 = arith.constant 1 : i32
        %sub3A_595 = arith.subi %div3A_574, %sub3A_594 : i32
        %select_n3A_596 = arith.select %and3A_593, %sub3A_595, %div3A_574 : i32
        %jit3A_597 = arith.constant 2 : i32
        %eq3A_598 = arith.constant 0 : i32
        %eq3A_599 = arith.cmpi eq, %jit3A_597, %eq3A_598 : i32
        %jit3A_600 = arith.constant 1 : i32
        %select_n3A_601 = arith.select %eq3A_599, %jit3A_600, %jit3A_597 : i32
        %rem3A_602 = arith.remsi %select_n3A_596, %select_n3A_601 : i32
        %ne3A_603 = arith.constant 0 : i32
        %ne3A_604 = arith.cmpi ne, %rem3A_602, %ne3A_603 : i32
        %lt3A_605 = arith.constant 0 : i32
        %lt3A_606 = arith.cmpi slt, %rem3A_602, %lt3A_605 : i32
        %lt3A_607 = arith.constant 0 : i32
        %lt3A_608 = arith.cmpi slt, %select_n3A_601, %lt3A_607 : i32
        %ne3A_609 = arith.xori %lt3A_606, %lt3A_608 : i1
        %and3A_610 = arith.andi %ne3A_609, %ne3A_604 : i1
        %add3A_611 = arith.addi %rem3A_602, %select_n3A_601 : i32
        %select_n3A_612 = arith.select %and3A_610, %add3A_611, %rem3A_602 : i32
        %jit3A_613 = arith.constant 32 : i32
        %eq3A_614 = arith.constant 0 : i32
        %eq3A_615 = arith.cmpi eq, %jit3A_613, %eq3A_614 : i32
        %jit3A_616 = arith.constant 1 : i32
        %select_n3A_617 = arith.select %eq3A_615, %jit3A_616, %jit3A_613 : i32
        %rem3A_618 = arith.remsi %add3A_308, %select_n3A_617 : i32
        %ne3A_619 = arith.constant 0 : i32
        %ne3A_620 = arith.cmpi ne, %rem3A_618, %ne3A_619 : i32
        %lt3A_621 = arith.constant 0 : i32
        %lt3A_622 = arith.cmpi slt, %rem3A_618, %lt3A_621 : i32
        %lt3A_623 = arith.constant 0 : i32
        %lt3A_624 = arith.cmpi slt, %select_n3A_617, %lt3A_623 : i32
        %ne3A_625 = arith.xori %lt3A_622, %lt3A_624 : i1
        %and3A_626 = arith.andi %ne3A_625, %ne3A_620 : i1
        %add3A_627 = arith.addi %rem3A_618, %select_n3A_617 : i32
        %select_n3A_628 = arith.select %and3A_626, %add3A_627, %rem3A_618 : i32
        %dma_start3A_629 = arith.constant 1 : i32
        %dma_start3A_630 = arith.constant 0 : i32
        %dma_start3A_631 = arith.constant 0 : i32
        %dma_start3A_632 = tpu.memref_slice %arg6[%dma_start3A_629, %dma_start3A_630, %dma_start3A_631] : memref<4x200x64xf32, #tpu.memory_space<vmem>> -> memref<1x200x64xf32, #tpu.memory_space<vmem>>
        %dma_start3A_633 = tpu.memref_squeeze %dma_start3A_632 : memref<1x200x64xf32, #tpu.memory_space<vmem>> -> memref<200x64xf32, #tpu.memory_space<vmem>>
        %dma_start3A_634 = arith.constant 0 : i32
        %dma_start3A_635 = tpu.memref_slice %arg5[%select_n3A_612, %select_n3A_628, %dma_start3A_634] : memref<2x32x200xi32, #tpu.memory_space<vmem>> -> memref<1x1x200xi32, #tpu.memory_space<vmem>>
        %dma_start3A_636 = tpu.memref_squeeze %dma_start3A_635 : memref<1x1x200xi32, #tpu.memory_space<vmem>> -> memref<200xi32, #tpu.memory_space<vmem>>
        %dma_start3A_637 = arith.constant 0 : i32
        %dma_start3A_638 = arith.constant 0 : i32
        %dma_start3A_639 = tpu.memref_slice %arg3[%dma_start3A_637, %dma_start3A_638] : memref<1000000x64xf32, #tpu.memory_space<hbm>> -> memref<1000000x64xf32, #tpu.memory_space<hbm>>
        tpu.enqueue_indirect_dma source(%dma_start3A_639 : memref<1000000x64xf32, #tpu.memory_space<hbm>>) target(%dma_start3A_633 : memref<200x64xf32, #tpu.memory_space<vmem>>) offsets(%dma_start3A_636 : memref<200xi32, #tpu.memory_space<vmem>>) semaphore(%arg9 : memref<!tpu.dma_semaphore, #tpu.memory_space<semaphore_mem>>)
      } else {
      }
      %jit3A_338 = arith.constant 32 : i32
      %div3A_339 = arith.divsi %add3A_306, %jit3A_338 : i32
      %sign3A_340 = arith.constant 0 : i32
      %sign3A_341 = arith.cmpi sgt, %add3A_306, %sign3A_340 : i32
      %sign3A_342 = arith.extui %sign3A_341 : i1 to i32
      %sign3A_343 = arith.constant 0 : i32
      %sign3A_344 = arith.cmpi slt, %add3A_306, %sign3A_343 : i32
      %sign3A_345 = arith.extui %sign3A_344 : i1 to i32
      %sign3A_346 = arith.subi %sign3A_342, %sign3A_345 : i32
      %sign3A_347 = arith.constant 0 : i32
      %sign3A_348 = arith.cmpi sgt, %jit3A_338, %sign3A_347 : i32
      %sign3A_349 = arith.extui %sign3A_348 : i1 to i32
      %sign3A_350 = arith.constant 0 : i32
      %sign3A_351 = arith.cmpi slt, %jit3A_338, %sign3A_350 : i32
      %sign3A_352 = arith.extui %sign3A_351 : i1 to i32
      %sign3A_353 = arith.subi %sign3A_349, %sign3A_352 : i32
      %ne3A_354 = arith.cmpi ne, %sign3A_346, %sign3A_353 : i32
      %rem3A_355 = arith.remsi %add3A_306, %jit3A_338 : i32
      %ne3A_356 = arith.constant 0 : i32
      %ne3A_357 = arith.cmpi ne, %rem3A_355, %ne3A_356 : i32
      %and3A_358 = arith.andi %ne3A_354, %ne3A_357 : i1
      %sub3A_359 = arith.constant 1 : i32
      %sub3A_360 = arith.subi %div3A_339, %sub3A_359 : i32
      %select_n3A_361 = arith.select %and3A_358, %sub3A_360, %div3A_339 : i32
      %jit3A_362 = arith.constant 2 : i32
      %eq3A_363 = arith.constant 0 : i32
      %eq3A_364 = arith.cmpi eq, %jit3A_362, %eq3A_363 : i32
      %jit3A_365 = arith.constant 1 : i32
      %select_n3A_366 = arith.select %eq3A_364, %jit3A_365, %jit3A_362 : i32
      %rem3A_367 = arith.remsi %select_n3A_361, %select_n3A_366 : i32
      %ne3A_368 = arith.constant 0 : i32
      %ne3A_369 = arith.cmpi ne, %rem3A_367, %ne3A_368 : i32
      %lt3A_370 = arith.constant 0 : i32
      %lt3A_371 = arith.cmpi slt, %rem3A_367, %lt3A_370 : i32
      %lt3A_372 = arith.constant 0 : i32
      %lt3A_373 = arith.cmpi slt, %select_n3A_366, %lt3A_372 : i32
      %ne3A_374 = arith.xori %lt3A_371, %lt3A_373 : i1
      %and3A_375 = arith.andi %ne3A_374, %ne3A_369 : i1
      %add3A_376 = arith.addi %rem3A_367, %select_n3A_366 : i32
      %select_n3A_377 = arith.select %and3A_375, %add3A_376, %rem3A_367 : i32
      %jit3A_378 = arith.constant 32 : i32
      %eq3A_379 = arith.constant 0 : i32
      %eq3A_380 = arith.cmpi eq, %jit3A_378, %eq3A_379 : i32
      %jit3A_381 = arith.constant 1 : i32
      %select_n3A_382 = arith.select %eq3A_380, %jit3A_381, %jit3A_378 : i32
      %rem3A_383 = arith.remsi %add3A_306, %select_n3A_382 : i32
      %ne3A_384 = arith.constant 0 : i32
      %ne3A_385 = arith.cmpi ne, %rem3A_383, %ne3A_384 : i32
      %lt3A_386 = arith.constant 0 : i32
      %lt3A_387 = arith.cmpi slt, %rem3A_383, %lt3A_386 : i32
      %lt3A_388 = arith.constant 0 : i32
      %lt3A_389 = arith.cmpi slt, %select_n3A_382, %lt3A_388 : i32
      %ne3A_390 = arith.xori %lt3A_387, %lt3A_389 : i1
      %and3A_391 = arith.andi %ne3A_390, %ne3A_385 : i1
      %add3A_392 = arith.addi %rem3A_383, %select_n3A_382 : i32
      %select_n3A_393 = arith.select %and3A_391, %add3A_392, %rem3A_383 : i32
      %dma_wait3A_394 = arith.constant 2 : i32
      %dma_wait3A_395 = arith.constant 0 : i32
      %dma_wait3A_396 = arith.constant 0 : i32
      %dma_wait3A_397 = tpu.memref_slice %arg6[%dma_wait3A_394, %dma_wait3A_395, %dma_wait3A_396] : memref<4x200x64xf32, #tpu.memory_space<vmem>> -> memref<1x200x64xf32, #tpu.memory_space<vmem>>
      %dma_wait3A_398 = tpu.memref_squeeze %dma_wait3A_397 : memref<1x200x64xf32, #tpu.memory_space<vmem>> -> memref<200x64xf32, #tpu.memory_space<vmem>>
      %dma_wait3A_399 = arith.constant 0 : i32
      %dma_wait3A_400 = tpu.memref_slice %arg5[%select_n3A_377, %select_n3A_393, %dma_wait3A_399] : memref<2x32x200xi32, #tpu.memory_space<vmem>> -> memref<1x1x200xi32, #tpu.memory_space<vmem>>
      %dma_wait3A_401 = tpu.memref_squeeze %dma_wait3A_400 : memref<1x1x200xi32, #tpu.memory_space<vmem>> -> memref<200xi32, #tpu.memory_space<vmem>>
      %dma_wait3A_402 = arith.constant 0 : i32
      %dma_wait3A_403 = arith.constant 0 : i32
      %dma_wait3A_404 = tpu.memref_slice %arg3[%dma_wait3A_402, %dma_wait3A_403] : memref<1000000x64xf32, #tpu.memory_space<hbm>> -> memref<1000000x64xf32, #tpu.memory_space<hbm>>
      tpu.wait_indirect_dma semaphore(%arg10 : memref<!tpu.dma_semaphore, #tpu.memory_space<semaphore_mem>>) src(%dma_wait3A_404 : memref<1000000x64xf32, #tpu.memory_space<hbm>>) dst(%dma_wait3A_398 : memref<200x64xf32, #tpu.memory_space<vmem>>)
      %broadcast_in_dim3A_405 = arith.constant 0.000000e+00 : f32
      %broadcast_in_dim3A_406 = vector.broadcast %broadcast_in_dim3A_405 : f32 to vector<16xf32>
      %broadcast_in_dim3A_407 = arith.constant 0.000000e+00 : f32
      %broadcast_in_dim3A_408 = vector.broadcast %broadcast_in_dim3A_407 : f32 to vector<16xf32>
      %broadcast_in_dim3A_409 = arith.constant 0.000000e+00 : f32
      %broadcast_in_dim3A_410 = vector.broadcast %broadcast_in_dim3A_409 : f32 to vector<16xf32>
      %broadcast_in_dim3A_411 = arith.constant 0.000000e+00 : f32
      %broadcast_in_dim3A_412 = vector.broadcast %broadcast_in_dim3A_411 : f32 to vector<16xf32>
      %scan3A_413 = arith.constant 0 : i32
      %scan3A_414 = arith.constant 200 : i32
      %scan3A_415 = arith.addi %scan3A_413, %scan3A_414 : i32
      %scan3A_416 = arith.constant 8 : i32
      %scan3A_417:4 = scf.for %scan3A_573 = %scan3A_413 to %scan3A_415 step %scan3A_416 iter_args(%scan3A_574 = %broadcast_in_dim3A_406, %scan3A_575 = %broadcast_in_dim3A_408, %scan3A_576 = %broadcast_in_dim3A_410, %scan3A_577 = %broadcast_in_dim3A_412) -> (vector<16xf32>, vector<16xf32>, vector<16xf32>, vector<16xf32>)  : i32 {
        %mul3A_578 = arith.constant 1 : i32
        %mul3A_579 = arith.muli %scan3A_573, %mul3A_578 : i32
        %add3A_580 = arith.constant 0 : i32
        %add3A_581 = arith.addi %add3A_580, %mul3A_579 : i32
        %get3A = arith.constant 2 : i32
        %get3A_582 = arith.index_cast %get3A : i32 to index
        %get3A_583 = arith.index_cast %add3A_581 : i32 to index
        %get3A_584 = arith.constant 0 : index
        %get3A_585 = tpu.vector_load %arg6[%get3A_582, %get3A_583, %get3A_584] {strides = array<i32>} : memref<4x200x64xf32, #tpu.memory_space<vmem>>, vector<1x1x16xf32>,
        %get3A_586 = vector.shape_cast %get3A_585 : vector<1x1x16xf32> to vector<16xf32>
        %add3A_587 = arith.addf %scan3A_574, %get3A_586 : vector<16xf32>
        %get3A_588 = arith.constant 2 : i32
        %get3A_589 = arith.index_cast %get3A_588 : i32 to index
        %get3A_590 = arith.index_cast %add3A_581 : i32 to index
        %get3A_591 = arith.constant 16 : index
        %get3A_592 = tpu.vector_load %arg6[%get3A_589, %get3A_590, %get3A_591] {strides = array<i32>} : memref<4x200x64xf32, #tpu.memory_space<vmem>>, vector<1x1x16xf32>,
        %get3A_593 = vector.shape_cast %get3A_592 : vector<1x1x16xf32> to vector<16xf32>
        %add3A_594 = arith.addf %scan3A_575, %get3A_593 : vector<16xf32>
        %get3A_595 = arith.constant 2 : i32
        %get3A_596 = arith.index_cast %get3A_595 : i32 to index
        %get3A_597 = arith.index_cast %add3A_581 : i32 to index
        %get3A_598 = arith.constant 32 : index
        %get3A_599 = tpu.vector_load %arg6[%get3A_596, %get3A_597, %get3A_598] {strides = array<i32>} : memref<4x200x64xf32, #tpu.memory_space<vmem>>, vector<1x1x16xf32>,
        %get3A_600 = vector.shape_cast %get3A_599 : vector<1x1x16xf32> to vector<16xf32>
        %add3A_601 = arith.addf %scan3A_576, %get3A_600 : vector<16xf32>
        %get3A_602 = arith.constant 2 : i32
        %get3A_603 = arith.index_cast %get3A_602 : i32 to index
        %get3A_604 = arith.index_cast %add3A_581 : i32 to index
        %get3A_605 = arith.constant 48 : index
        %get3A_606 = tpu.vector_load %arg6[%get3A_603, %get3A_604, %get3A_605] {strides = array<i32>} : memref<4x200x64xf32, #tpu.memory_space<vmem>>, vector<1x1x16xf32>,
        %get3A_607 = vector.shape_cast %get3A_606 : vector<1x1x16xf32> to vector<16xf32>
        %add3A_608 = arith.addf %scan3A_577, %get3A_607 : vector<16xf32>
        %scan3A_609 = arith.constant 1 : i32
        %scan3A_610 = arith.addi %scan3A_573, %scan3A_609 : i32
        %mul3A_611 = arith.constant 1 : i32
        %mul3A_612 = arith.muli %scan3A_610, %mul3A_611 : i32
        %add3A_613 = arith.constant 0 : i32
        %add3A_614 = arith.addi %add3A_613, %mul3A_612 : i32
        %get3A_615 = arith.constant 2 : i32
        %get3A_616 = arith.index_cast %get3A_615 : i32 to index
        %get3A_617 = arith.index_cast %add3A_614 : i32 to index
        %get3A_618 = arith.constant 0 : index
        %get3A_619 = tpu.vector_load %arg6[%get3A_616, %get3A_617, %get3A_618] {strides = array<i32>} : memref<4x200x64xf32, #tpu.memory_space<vmem>>, vector<1x1x16xf32>,
        %get3A_620 = vector.shape_cast %get3A_619 : vector<1x1x16xf32> to vector<16xf32>
        %add3A_621 = arith.addf %add3A_587, %get3A_620 : vector<16xf32>
        %get3A_622 = arith.constant 2 : i32
        %get3A_623 = arith.index_cast %get3A_622 : i32 to index
        %get3A_624 = arith.index_cast %add3A_614 : i32 to index
        %get3A_625 = arith.constant 16 : index
        %get3A_626 = tpu.vector_load %arg6[%get3A_623, %get3A_624, %get3A_625] {strides = array<i32>} : memref<4x200x64xf32, #tpu.memory_space<vmem>>, vector<1x1x16xf32>,
        %get3A_627 = vector.shape_cast %get3A_626 : vector<1x1x16xf32> to vector<16xf32>
        %add3A_628 = arith.addf %add3A_594, %get3A_627 : vector<16xf32>
        %get3A_629 = arith.constant 2 : i32
        %get3A_630 = arith.index_cast %get3A_629 : i32 to index
        %get3A_631 = arith.index_cast %add3A_614 : i32 to index
        %get3A_632 = arith.constant 32 : index
        %get3A_633 = tpu.vector_load %arg6[%get3A_630, %get3A_631, %get3A_632] {strides = array<i32>} : memref<4x200x64xf32, #tpu.memory_space<vmem>>, vector<1x1x16xf32>,
        %get3A_634 = vector.shape_cast %get3A_633 : vector<1x1x16xf32> to vector<16xf32>
        %add3A_635 = arith.addf %add3A_601, %get3A_634 : vector<16xf32>
        %get3A_636 = arith.constant 2 : i32
        %get3A_637 = arith.index_cast %get3A_636 : i32 to index
        %get3A_638 = arith.index_cast %add3A_614 : i32 to index
        %get3A_639 = arith.constant 48 : index
        %get3A_640 = tpu.vector_load %arg6[%get3A_637, %get3A_638, %get3A_639] {strides = array<i32>} : memref<4x200x64xf32, #tpu.memory_space<vmem>>, vector<1x1x16xf32>,
        %get3A_641 = vector.shape_cast %get3A_640 : vector<1x1x16xf32> to vector<16xf32>
        %add3A_642 = arith.addf %add3A_608, %get3A_641 : vector<16xf32>
        %scan3A_643 = arith.constant 2 : i32
        %scan3A_644 = arith.addi %scan3A_573, %scan3A_643 : i32
        %mul3A_645 = arith.constant 1 : i32
        %mul3A_646 = arith.muli %scan3A_644, %mul3A_645 : i32
        %add3A_647 = arith.constant 0 : i32
        %add3A_648 = arith.addi %add3A_647, %mul3A_646 : i32
        %get3A_649 = arith.constant 2 : i32
        %get3A_650 = arith.index_cast %get3A_649 : i32 to index
        %get3A_651 = arith.index_cast %add3A_648 : i32 to index
        %get3A_652 = arith.constant 0 : index
        %get3A_653 = tpu.vector_load %arg6[%get3A_650, %get3A_651, %get3A_652] {strides = array<i32>} : memref<4x200x64xf32, #tpu.memory_space<vmem>>, vector<1x1x16xf32>,
        %get3A_654 = vector.shape_cast %get3A_653 : vector<1x1x16xf32> to vector<16xf32>
        %add3A_655 = arith.addf %add3A_621, %get3A_654 : vector<16xf32>
        %get3A_656 = arith.constant 2 : i32
        %get3A_657 = arith.index_cast %get3A_656 : i32 to index
        %get3A_658 = arith.index_cast %add3A_648 : i32 to index
        %get3A_659 = arith.constant 16 : index
        %get3A_660 = tpu.vector_load %arg6[%get3A_657, %get3A_658, %get3A_659] {strides = array<i32>} : memref<4x200x64xf32, #tpu.memory_space<vmem>>, vector<1x1x16xf32>,
        %get3A_661 = vector.shape_cast %get3A_660 : vector<1x1x16xf32> to vector<16xf32>
        %add3A_662 = arith.addf %add3A_628, %get3A_661 : vector<16xf32>
        %get3A_663 = arith.constant 2 : i32
        %get3A_664 = arith.index_cast %get3A_663 : i32 to index
        %get3A_665 = arith.index_cast %add3A_648 : i32 to index
        %get3A_666 = arith.constant 32 : index
        %get3A_667 = tpu.vector_load %arg6[%get3A_664, %get3A_665, %get3A_666] {strides = array<i32>} : memref<4x200x64xf32, #tpu.memory_space<vmem>>, vector<1x1x16xf32>,
        %get3A_668 = vector.shape_cast %get3A_667 : vector<1x1x16xf32> to vector<16xf32>
        %add3A_669 = arith.addf %add3A_635, %get3A_668 : vector<16xf32>
        %get3A_670 = arith.constant 2 : i32
        %get3A_671 = arith.index_cast %get3A_670 : i32 to index
        %get3A_672 = arith.index_cast %add3A_648 : i32 to index
        %get3A_673 = arith.constant 48 : index
        %get3A_674 = tpu.vector_load %arg6[%get3A_671, %get3A_672, %get3A_673] {strides = array<i32>} : memref<4x200x64xf32, #tpu.memory_space<vmem>>, vector<1x1x16xf32>,
        %get3A_675 = vector.shape_cast %get3A_674 : vector<1x1x16xf32> to vector<16xf32>
        %add3A_676 = arith.addf %add3A_642, %get3A_675 : vector<16xf32>
        %scan3A_677 = arith.constant 3 : i32
        %scan3A_678 = arith.addi %scan3A_573, %scan3A_677 : i32
        %mul3A_679 = arith.constant 1 : i32
        %mul3A_680 = arith.muli %scan3A_678, %mul3A_679 : i32
        %add3A_681 = arith.constant 0 : i32
        %add3A_682 = arith.addi %add3A_681, %mul3A_680 : i32
        %get3A_683 = arith.constant 2 : i32
        %get3A_684 = arith.index_cast %get3A_683 : i32 to index
        %get3A_685 = arith.index_cast %add3A_682 : i32 to index
        %get3A_686 = arith.constant 0 : index
        %get3A_687 = tpu.vector_load %arg6[%get3A_684, %get3A_685, %get3A_686] {strides = array<i32>} : memref<4x200x64xf32, #tpu.memory_space<vmem>>, vector<1x1x16xf32>,
        %get3A_688 = vector.shape_cast %get3A_687 : vector<1x1x16xf32> to vector<16xf32>
        %add3A_689 = arith.addf %add3A_655, %get3A_688 : vector<16xf32>
        %get3A_690 = arith.constant 2 : i32
        %get3A_691 = arith.index_cast %get3A_690 : i32 to index
        %get3A_692 = arith.index_cast %add3A_682 : i32 to index
        %get3A_693 = arith.constant 16 : index
        %get3A_694 = tpu.vector_load %arg6[%get3A_691, %get3A_692, %get3A_693] {strides = array<i32>} : memref<4x200x64xf32, #tpu.memory_space<vmem>>, vector<1x1x16xf32>,
        %get3A_695 = vector.shape_cast %get3A_694 : vector<1x1x16xf32> to vector<16xf32>
        %add3A_696 = arith.addf %add3A_662, %get3A_695 : vector<16xf32>
        %get3A_697 = arith.constant 2 : i32
        %get3A_698 = arith.index_cast %get3A_697 : i32 to index
        %get3A_699 = arith.index_cast %add3A_682 : i32 to index
        %get3A_700 = arith.constant 32 : index
        %get3A_701 = tpu.vector_load %arg6[%get3A_698, %get3A_699, %get3A_700] {strides = array<i32>} : memref<4x200x64xf32, #tpu.memory_space<vmem>>, vector<1x1x16xf32>,
        %get3A_702 = vector.shape_cast %get3A_701 : vector<1x1x16xf32> to vector<16xf32>
        %add3A_703 = arith.addf %add3A_669, %get3A_702 : vector<16xf32>
        %get3A_704 = arith.constant 2 : i32
        %get3A_705 = arith.index_cast %get3A_704 : i32 to index
        %get3A_706 = arith.index_cast %add3A_682 : i32 to index
        %get3A_707 = arith.constant 48 : index
        %get3A_708 = tpu.vector_load %arg6[%get3A_705, %get3A_706, %get3A_707] {strides = array<i32>} : memref<4x200x64xf32, #tpu.memory_space<vmem>>, vector<1x1x16xf32>,
        %get3A_709 = vector.shape_cast %get3A_708 : vector<1x1x16xf32> to vector<16xf32>
        %add3A_710 = arith.addf %add3A_676, %get3A_709 : vector<16xf32>
        %scan3A_711 = arith.constant 4 : i32
        %scan3A_712 = arith.addi %scan3A_573, %scan3A_711 : i32
        %mul3A_713 = arith.constant 1 : i32
        %mul3A_714 = arith.muli %scan3A_712, %mul3A_713 : i32
        %add3A_715 = arith.constant 0 : i32
        %add3A_716 = arith.addi %add3A_715, %mul3A_714 : i32
        %get3A_717 = arith.constant 2 : i32
        %get3A_718 = arith.index_cast %get3A_717 : i32 to index
        %get3A_719 = arith.index_cast %add3A_716 : i32 to index
        %get3A_720 = arith.constant 0 : index
        %get3A_721 = tpu.vector_load %arg6[%get3A_718, %get3A_719, %get3A_720] {strides = array<i32>} : memref<4x200x64xf32, #tpu.memory_space<vmem>>, vector<1x1x16xf32>,
        %get3A_722 = vector.shape_cast %get3A_721 : vector<1x1x16xf32> to vector<16xf32>
        %add3A_723 = arith.addf %add3A_689, %get3A_722 : vector<16xf32>
        %get3A_724 = arith.constant 2 : i32
        %get3A_725 = arith.index_cast %get3A_724 : i32 to index
        %get3A_726 = arith.index_cast %add3A_716 : i32 to index
        %get3A_727 = arith.constant 16 : index
        %get3A_728 = tpu.vector_load %arg6[%get3A_725, %get3A_726, %get3A_727] {strides = array<i32>} : memref<4x200x64xf32, #tpu.memory_space<vmem>>, vector<1x1x16xf32>,
        %get3A_729 = vector.shape_cast %get3A_728 : vector<1x1x16xf32> to vector<16xf32>
        %add3A_730 = arith.addf %add3A_696, %get3A_729 : vector<16xf32>
        %get3A_731 = arith.constant 2 : i32
        %get3A_732 = arith.index_cast %get3A_731 : i32 to index
        %get3A_733 = arith.index_cast %add3A_716 : i32 to index
        %get3A_734 = arith.constant 32 : index
        %get3A_735 = tpu.vector_load %arg6[%get3A_732, %get3A_733, %get3A_734] {strides = array<i32>} : memref<4x200x64xf32, #tpu.memory_space<vmem>>, vector<1x1x16xf32>,
        %get3A_736 = vector.shape_cast %get3A_735 : vector<1x1x16xf32> to vector<16xf32>
        %add3A_737 = arith.addf %add3A_703, %get3A_736 : vector<16xf32>
        %get3A_738 = arith.constant 2 : i32
        %get3A_739 = arith.index_cast %get3A_738 : i32 to index
        %get3A_740 = arith.index_cast %add3A_716 : i32 to index
        %get3A_741 = arith.constant 48 : index
        %get3A_742 = tpu.vector_load %arg6[%get3A_739, %get3A_740, %get3A_741] {strides = array<i32>} : memref<4x200x64xf32, #tpu.memory_space<vmem>>, vector<1x1x16xf32>,
        %get3A_743 = vector.shape_cast %get3A_742 : vector<1x1x16xf32> to vector<16xf32>
        %add3A_744 = arith.addf %add3A_710, %get3A_743 : vector<16xf32>
        %scan3A_745 = arith.constant 5 : i32
        %scan3A_746 = arith.addi %scan3A_573, %scan3A_745 : i32
        %mul3A_747 = arith.constant 1 : i32
        %mul3A_748 = arith.muli %scan3A_746, %mul3A_747 : i32
        %add3A_749 = arith.constant 0 : i32
        %add3A_750 = arith.addi %add3A_749, %mul3A_748 : i32
        %get3A_751 = arith.constant 2 : i32
        %get3A_752 = arith.index_cast %get3A_751 : i32 to index
        %get3A_753 = arith.index_cast %add3A_750 : i32 to index
        %get3A_754 = arith.constant 0 : index
        %get3A_755 = tpu.vector_load %arg6[%get3A_752, %get3A_753, %get3A_754] {strides = array<i32>} : memref<4x200x64xf32, #tpu.memory_space<vmem>>, vector<1x1x16xf32>,
        %get3A_756 = vector.shape_cast %get3A_755 : vector<1x1x16xf32> to vector<16xf32>
        %add3A_757 = arith.addf %add3A_723, %get3A_756 : vector<16xf32>
        %get3A_758 = arith.constant 2 : i32
        %get3A_759 = arith.index_cast %get3A_758 : i32 to index
        %get3A_760 = arith.index_cast %add3A_750 : i32 to index
        %get3A_761 = arith.constant 16 : index
        %get3A_762 = tpu.vector_load %arg6[%get3A_759, %get3A_760, %get3A_761] {strides = array<i32>} : memref<4x200x64xf32, #tpu.memory_space<vmem>>, vector<1x1x16xf32>,
        %get3A_763 = vector.shape_cast %get3A_762 : vector<1x1x16xf32> to vector<16xf32>
        %add3A_764 = arith.addf %add3A_730, %get3A_763 : vector<16xf32>
        %get3A_765 = arith.constant 2 : i32
        %get3A_766 = arith.index_cast %get3A_765 : i32 to index
        %get3A_767 = arith.index_cast %add3A_750 : i32 to index
        %get3A_768 = arith.constant 32 : index
        %get3A_769 = tpu.vector_load %arg6[%get3A_766, %get3A_767, %get3A_768] {strides = array<i32>} : memref<4x200x64xf32, #tpu.memory_space<vmem>>, vector<1x1x16xf32>,
        %get3A_770 = vector.shape_cast %get3A_769 : vector<1x1x16xf32> to vector<16xf32>
        %add3A_771 = arith.addf %add3A_737, %get3A_770 : vector<16xf32>
        %get3A_772 = arith.constant 2 : i32
        %get3A_773 = arith.index_cast %get3A_772 : i32 to index
        %get3A_774 = arith.index_cast %add3A_750 : i32 to index
        %get3A_775 = arith.constant 48 : index
        %get3A_776 = tpu.vector_load %arg6[%get3A_773, %get3A_774, %get3A_775] {strides = array<i32>} : memref<4x200x64xf32, #tpu.memory_space<vmem>>, vector<1x1x16xf32>,
        %get3A_777 = vector.shape_cast %get3A_776 : vector<1x1x16xf32> to vector<16xf32>
        %add3A_778 = arith.addf %add3A_744, %get3A_777 : vector<16xf32>
        %scan3A_779 = arith.constant 6 : i32
        %scan3A_780 = arith.addi %scan3A_573, %scan3A_779 : i32
        %mul3A_781 = arith.constant 1 : i32
        %mul3A_782 = arith.muli %scan3A_780, %mul3A_781 : i32
        %add3A_783 = arith.constant 0 : i32
        %add3A_784 = arith.addi %add3A_783, %mul3A_782 : i32
        %get3A_785 = arith.constant 2 : i32
        %get3A_786 = arith.index_cast %get3A_785 : i32 to index
        %get3A_787 = arith.index_cast %add3A_784 : i32 to index
        %get3A_788 = arith.constant 0 : index
        %get3A_789 = tpu.vector_load %arg6[%get3A_786, %get3A_787, %get3A_788] {strides = array<i32>} : memref<4x200x64xf32, #tpu.memory_space<vmem>>, vector<1x1x16xf32>,
        %get3A_790 = vector.shape_cast %get3A_789 : vector<1x1x16xf32> to vector<16xf32>
        %add3A_791 = arith.addf %add3A_757, %get3A_790 : vector<16xf32>
        %get3A_792 = arith.constant 2 : i32
        %get3A_793 = arith.index_cast %get3A_792 : i32 to index
        %get3A_794 = arith.index_cast %add3A_784 : i32 to index
        %get3A_795 = arith.constant 16 : index
        %get3A_796 = tpu.vector_load %arg6[%get3A_793, %get3A_794, %get3A_795] {strides = array<i32>} : memref<4x200x64xf32, #tpu.memory_space<vmem>>, vector<1x1x16xf32>,
        %get3A_797 = vector.shape_cast %get3A_796 : vector<1x1x16xf32> to vector<16xf32>
        %add3A_798 = arith.addf %add3A_764, %get3A_797 : vector<16xf32>
        %get3A_799 = arith.constant 2 : i32
        %get3A_800 = arith.index_cast %get3A_799 : i32 to index
        %get3A_801 = arith.index_cast %add3A_784 : i32 to index
        %get3A_802 = arith.constant 32 : index
        %get3A_803 = tpu.vector_load %arg6[%get3A_800, %get3A_801, %get3A_802] {strides = array<i32>} : memref<4x200x64xf32, #tpu.memory_space<vmem>>, vector<1x1x16xf32>,
        %get3A_804 = vector.shape_cast %get3A_803 : vector<1x1x16xf32> to vector<16xf32>
        %add3A_805 = arith.addf %add3A_771, %get3A_804 : vector<16xf32>
        %get3A_806 = arith.constant 2 : i32
        %get3A_807 = arith.index_cast %get3A_806 : i32 to index
        %get3A_808 = arith.index_cast %add3A_784 : i32 to index
        %get3A_809 = arith.constant 48 : index
        %get3A_810 = tpu.vector_load %arg6[%get3A_807, %get3A_808, %get3A_809] {strides = array<i32>} : memref<4x200x64xf32, #tpu.memory_space<vmem>>, vector<1x1x16xf32>,
        %get3A_811 = vector.shape_cast %get3A_810 : vector<1x1x16xf32> to vector<16xf32>
        %add3A_812 = arith.addf %add3A_778, %get3A_811 : vector<16xf32>
        %scan3A_813 = arith.constant 7 : i32
        %scan3A_814 = arith.addi %scan3A_573, %scan3A_813 : i32
        %mul3A_815 = arith.constant 1 : i32
        %mul3A_816 = arith.muli %scan3A_814, %mul3A_815 : i32
        %add3A_817 = arith.constant 0 : i32
        %add3A_818 = arith.addi %add3A_817, %mul3A_816 : i32
        %get3A_819 = arith.constant 2 : i32
        %get3A_820 = arith.index_cast %get3A_819 : i32 to index
        %get3A_821 = arith.index_cast %add3A_818 : i32 to index
        %get3A_822 = arith.constant 0 : index
        %get3A_823 = tpu.vector_load %arg6[%get3A_820, %get3A_821, %get3A_822] {strides = array<i32>} : memref<4x200x64xf32, #tpu.memory_space<vmem>>, vector<1x1x16xf32>,
        %get3A_824 = vector.shape_cast %get3A_823 : vector<1x1x16xf32> to vector<16xf32>
        %add3A_825 = arith.addf %add3A_791, %get3A_824 : vector<16xf32>
        %get3A_826 = arith.constant 2 : i32
        %get3A_827 = arith.index_cast %get3A_826 : i32 to index
        %get3A_828 = arith.index_cast %add3A_818 : i32 to index
        %get3A_829 = arith.constant 16 : index
        %get3A_830 = tpu.vector_load %arg6[%get3A_827, %get3A_828, %get3A_829] {strides = array<i32>} : memref<4x200x64xf32, #tpu.memory_space<vmem>>, vector<1x1x16xf32>,
        %get3A_831 = vector.shape_cast %get3A_830 : vector<1x1x16xf32> to vector<16xf32>
        %add3A_832 = arith.addf %add3A_798, %get3A_831 : vector<16xf32>
        %get3A_833 = arith.constant 2 : i32
        %get3A_834 = arith.index_cast %get3A_833 : i32 to index
        %get3A_835 = arith.index_cast %add3A_818 : i32 to index
        %get3A_836 = arith.constant 32 : index
        %get3A_837 = tpu.vector_load %arg6[%get3A_834, %get3A_835, %get3A_836] {strides = array<i32>} : memref<4x200x64xf32, #tpu.memory_space<vmem>>, vector<1x1x16xf32>,
        %get3A_838 = vector.shape_cast %get3A_837 : vector<1x1x16xf32> to vector<16xf32>
        %add3A_839 = arith.addf %add3A_805, %get3A_838 : vector<16xf32>
        %get3A_840 = arith.constant 2 : i32
        %get3A_841 = arith.index_cast %get3A_840 : i32 to index
        %get3A_842 = arith.index_cast %add3A_818 : i32 to index
        %get3A_843 = arith.constant 48 : index
        %get3A_844 = tpu.vector_load %arg6[%get3A_841, %get3A_842, %get3A_843] {strides = array<i32>} : memref<4x200x64xf32, #tpu.memory_space<vmem>>, vector<1x1x16xf32>,
        %get3A_845 = vector.shape_cast %get3A_844 : vector<1x1x16xf32> to vector<16xf32>
        %add3A_846 = arith.addf %add3A_812, %get3A_845 : vector<16xf32>
        scf.yield %add3A_825, %add3A_832, %add3A_839, %add3A_846 : vector<16xf32>, vector<16xf32>, vector<16xf32>, vector<16xf32>
      }
      %scan3A_418 = arith.constant 200 : i32
      %swap3A_419 = arith.index_cast %add3A_306 : i32 to index
      %swap3A_420 = arith.constant 0 : index
      %swap3A_421 = tpu.vector_load %arg7[%swap3A_419, %swap3A_420] {strides = array<i32>} : memref<512x64xf32, #tpu.memory_space<vmem>>, vector<1x16xf32>,
      %swap3A_422 = vector.shape_cast %swap3A_421 : vector<1x16xf32> to vector<16xf32>
      %swap3A_423 = vector.shape_cast %scan3A_417#0 : vector<16xf32> to vector<1x16xf32>
      tpu.vector_store %arg7[%swap3A_419, %swap3A_420], %swap3A_423 {strides = array<i32>} : memref<512x64xf32, #tpu.memory_space<vmem>>, vector<1x16xf32>,
      %swap3A_424 = arith.index_cast %add3A_306 : i32 to index
      %swap3A_425 = arith.constant 16 : index
      %swap3A_426 = tpu.vector_load %arg7[%swap3A_424, %swap3A_425] {strides = array<i32>} : memref<512x64xf32, #tpu.memory_space<vmem>>, vector<1x16xf32>,
      %swap3A_427 = vector.shape_cast %swap3A_426 : vector<1x16xf32> to vector<16xf32>
      %swap3A_428 = vector.shape_cast %scan3A_417#1 : vector<16xf32> to vector<1x16xf32>
      tpu.vector_store %arg7[%swap3A_424, %swap3A_425], %swap3A_428 {strides = array<i32>} : memref<512x64xf32, #tpu.memory_space<vmem>>, vector<1x16xf32>,
      %swap3A_429 = arith.index_cast %add3A_306 : i32 to index
      %swap3A_430 = arith.constant 32 : index
      %swap3A_431 = tpu.vector_load %arg7[%swap3A_429, %swap3A_430] {strides = array<i32>} : memref<512x64xf32, #tpu.memory_space<vmem>>, vector<1x16xf32>,
      %swap3A_432 = vector.shape_cast %swap3A_431 : vector<1x16xf32> to vector<16xf32>
      %swap3A_433 = vector.shape_cast %scan3A_417#2 : vector<16xf32> to vector<1x16xf32>
      tpu.vector_store %arg7[%swap3A_429, %swap3A_430], %swap3A_433 {strides = array<i32>} : memref<512x64xf32, #tpu.memory_space<vmem>>, vector<1x16xf32>,
      %swap3A_434 = arith.index_cast %add3A_306 : i32 to index
      %swap3A_435 = arith.constant 48 : index
      %swap3A_436 = tpu.vector_load %arg7[%swap3A_434, %swap3A_435] {strides = array<i32>} : memref<512x64xf32, #tpu.memory_space<vmem>>, vector<1x16xf32>,
      %swap3A_437 = vector.shape_cast %swap3A_436 : vector<1x16xf32> to vector<16xf32>
      %swap3A_438 = vector.shape_cast %scan3A_417#3 : vector<16xf32> to vector<1x16xf32>
      tpu.vector_store %arg7[%swap3A_434, %swap3A_435], %swap3A_438 {strides = array<i32>} : memref<512x64xf32, #tpu.memory_space<vmem>>, vector<1x16xf32>,
      %add3A_439 = arith.constant 3 : i32
      %add3A_440 = arith.addi %add3A_51, %add3A_439 : i32
      %add3A_441 = arith.constant 3 : i32
      %add3A_442 = arith.addi %add3A_440, %add3A_441 : i32
      %jit3A_443 = arith.constant 32 : i32
      %eq3A_444 = arith.constant 0 : i32
      %eq3A_445 = arith.cmpi eq, %jit3A_443, %eq3A_444 : i32
      %jit3A_446 = arith.constant 1 : i32
      %select_n3A_447 = arith.select %eq3A_445, %jit3A_446, %jit3A_443 : i32
      %rem3A_448 = arith.remsi %add3A_442, %select_n3A_447 : i32
      %ne3A_449 = arith.constant 0 : i32
      %ne3A_450 = arith.cmpi ne, %rem3A_448, %ne3A_449 : i32
      %lt3A_451 = arith.constant 0 : i32
      %lt3A_452 = arith.cmpi slt, %rem3A_448, %lt3A_451 : i32
      %lt3A_453 = arith.constant 0 : i32
      %lt3A_454 = arith.cmpi slt, %select_n3A_447, %lt3A_453 : i32
      %ne3A_455 = arith.xori %lt3A_452, %lt3A_454 : i1
      %and3A_456 = arith.andi %ne3A_455, %ne3A_450 : i1
      %add3A_457 = arith.addi %rem3A_448, %select_n3A_447 : i32
      %select_n3A_458 = arith.select %and3A_456, %add3A_457, %rem3A_448 : i32
      %eq3A_459 = arith.constant 0 : i32
      %eq3A_460 = arith.cmpi eq, %select_n3A_458, %eq3A_459 : i32
      %lt3A_461 = arith.constant 512 : i32
      %lt3A_462 = arith.cmpi slt, %add3A_442, %lt3A_461 : i32
      %and3A_463 = arith.andi %eq3A_460, %lt3A_462 : i1
      %convert_element_type3A_464 = arith.extui %and3A_463 : i1 to i32
      %cond3A_465 = arith.constant 0 : i32
      %cond3A_466 = arith.cmpi ne, %convert_element_type3A_464, %cond3A_465 : i32
      scf.if %cond3A_466 {
        %jit3A_573 = arith.constant 32 : i32
        %div3A_574 = arith.divsi %add3A_442, %jit3A_573 : i32
        %sign3A_575 = arith.constant 0 : i32
        %sign3A_576 = arith.cmpi sgt, %add3A_442, %sign3A_575 : i32
        %sign3A_577 = arith.extui %sign3A_576 : i1 to i32
        %sign3A_578 = arith.constant 0 : i32
        %sign3A_579 = arith.cmpi slt, %add3A_442, %sign3A_578 : i32
        %sign3A_580 = arith.extui %sign3A_579 : i1 to i32
        %sign3A_581 = arith.subi %sign3A_577, %sign3A_580 : i32
        %sign3A_582 = arith.constant 0 : i32
        %sign3A_583 = arith.cmpi sgt, %jit3A_573, %sign3A_582 : i32
        %sign3A_584 = arith.extui %sign3A_583 : i1 to i32
        %sign3A_585 = arith.constant 0 : i32
        %sign3A_586 = arith.cmpi slt, %jit3A_573, %sign3A_585 : i32
        %sign3A_587 = arith.extui %sign3A_586 : i1 to i32
        %sign3A_588 = arith.subi %sign3A_584, %sign3A_587 : i32
        %ne3A_589 = arith.cmpi ne, %sign3A_581, %sign3A_588 : i32
        %rem3A_590 = arith.remsi %add3A_442, %jit3A_573 : i32
        %ne3A_591 = arith.constant 0 : i32
        %ne3A_592 = arith.cmpi ne, %rem3A_590, %ne3A_591 : i32
        %and3A_593 = arith.andi %ne3A_589, %ne3A_592 : i1
        %sub3A_594 = arith.constant 1 : i32
        %sub3A_595 = arith.subi %div3A_574, %sub3A_594 : i32
        %select_n3A_596 = arith.select %and3A_593, %sub3A_595, %div3A_574 : i32
        %mul3A_597 = arith.constant 32 : i32
        %mul3A_598 = arith.muli %select_n3A_596, %mul3A_597 : i32
        %add3A_599 = arith.addi %mul3A_2, %mul3A_598 : i32
        %jit3A_600 = arith.constant 2 : i32
        %eq3A_601 = arith.constant 0 : i32
        %eq3A_602 = arith.cmpi eq, %jit3A_600, %eq3A_601 : i32
        %jit3A_603 = arith.constant 1 : i32
        %select_n3A_604 = arith.select %eq3A_602, %jit3A_603, %jit3A_600 : i32
        %rem3A_605 = arith.remsi %select_n3A_596, %select_n3A_604 : i32
        %ne3A_606 = arith.constant 0 : i32
        %ne3A_607 = arith.cmpi ne, %rem3A_605, %ne3A_606 : i32
        %lt3A_608 = arith.constant 0 : i32
        %lt3A_609 = arith.cmpi slt, %rem3A_605, %lt3A_608 : i32
        %lt3A_610 = arith.constant 0 : i32
        %lt3A_611 = arith.cmpi slt, %select_n3A_604, %lt3A_610 : i32
        %ne3A_612 = arith.xori %lt3A_609, %lt3A_611 : i1
        %and3A_613 = arith.andi %ne3A_612, %ne3A_607 : i1
        %add3A_614 = arith.addi %rem3A_605, %select_n3A_604 : i32
        %select_n3A_615 = arith.select %and3A_613, %add3A_614, %rem3A_605 : i32
        "tpu.region"() ({
          %run_scoped3A_616 = tpu.sem_alloc : memref<!tpu.dma_semaphore, #tpu.memory_space<semaphore_mem>>
          %dma_start3A_617 = arith.constant 0 : i32
          %dma_start3A_618 = arith.constant 0 : i32
          %dma_start3A_619 = tpu.memref_slice %arg5[%select_n3A_615, %dma_start3A_617, %dma_start3A_618] : memref<2x32x200xi32, #tpu.memory_space<vmem>> -> memref<1x32x200xi32, #tpu.memory_space<vmem>>
          %dma_start3A_620 = tpu.memref_squeeze %dma_start3A_619 : memref<1x32x200xi32, #tpu.memory_space<vmem>> -> memref<32x200xi32, #tpu.memory_space<vmem>>
          %dma_start3A_621 = arith.constant 0 : i32
          %dma_start3A_622 = tpu.memref_slice %arg2[%add3A_599, %dma_start3A_621] : memref<16384x200xi32, #tpu.memory_space<hbm>> -> memref<32x200xi32, #tpu.memory_space<hbm>>
          %dma_start3A_623 = arith.constant 0 : i32
          %dma_start3A_624 = arith.constant 0 : i32
          %dma_start3A_625 = tpu.memref_slice %arg5[%select_n3A_615, %dma_start3A_623, %dma_start3A_624] : memref<2x32x200xi32, #tpu.memory_space<vmem>> -> memref<1x32x200xi32, #tpu.memory_space<vmem>>
          %dma_start3A_626 = tpu.memref_squeeze %dma_start3A_625 : memref<1x32x200xi32, #tpu.memory_space<vmem>> -> memref<32x200xi32, #tpu.memory_space<vmem>>
          %dma_start3A_627 = arith.constant 0 : i32
          %dma_start3A_628 = tpu.memref_slice %arg2[%add3A_599, %dma_start3A_627] : memref<16384x200xi32, #tpu.memory_space<hbm>> -> memref<32x200xi32, #tpu.memory_space<hbm>>
          tpu.enqueue_dma source(%dma_start3A_628 : memref<32x200xi32, #tpu.memory_space<hbm>>) target(%dma_start3A_626 : memref<32x200xi32, #tpu.memory_space<vmem>>) target_semaphore(%run_scoped3A_616 : memref<!tpu.dma_semaphore, #tpu.memory_space<semaphore_mem>>)
          %dma_wait3A_629 = arith.constant 0 : i32
          %dma_wait3A_630 = arith.constant 0 : i32
          %dma_wait3A_631 = tpu.memref_slice %arg5[%select_n3A_615, %dma_wait3A_629, %dma_wait3A_630] : memref<2x32x200xi32, #tpu.memory_space<vmem>> -> memref<1x32x200xi32, #tpu.memory_space<vmem>>
          %dma_wait3A_632 = tpu.memref_squeeze %dma_wait3A_631 : memref<1x32x200xi32, #tpu.memory_space<vmem>> -> memref<32x200xi32, #tpu.memory_space<vmem>>
          %dma_wait3A_633 = arith.constant 0 : i32
          %dma_wait3A_634 = tpu.memref_slice %arg2[%add3A_599, %dma_wait3A_633] : memref<16384x200xi32, #tpu.memory_space<hbm>> -> memref<32x200xi32, #tpu.memory_space<hbm>>
          %dma_wait3A_635 = arith.constant 0 : i32
          %dma_wait3A_636 = arith.constant 0 : i32
          %dma_wait3A_637 = tpu.memref_slice %arg5[%select_n3A_615, %dma_wait3A_635, %dma_wait3A_636] : memref<2x32x200xi32, #tpu.memory_space<vmem>> -> memref<1x32x200xi32, #tpu.memory_space<vmem>>
          %dma_wait3A_638 = tpu.memref_squeeze %dma_wait3A_637 : memref<1x32x200xi32, #tpu.memory_space<vmem>> -> memref<32x200xi32, #tpu.memory_space<vmem>>
          %dma_wait3A_639 = arith.constant 0 : i32
          %dma_wait3A_640 = tpu.memref_slice %arg2[%add3A_599, %dma_wait3A_639] : memref<16384x200xi32, #tpu.memory_space<hbm>> -> memref<32x200xi32, #tpu.memory_space<hbm>>
          tpu.wait_dma2 semaphore(%run_scoped3A_616 : memref<!tpu.dma_semaphore, #tpu.memory_space<semaphore_mem>>) src(%dma_wait3A_640 : memref<32x200xi32, #tpu.memory_space<hbm>>) dst(%dma_wait3A_638 : memref<32x200xi32, #tpu.memory_space<vmem>>)
          tpu.yield
        }) : () -> ()
      } else {
      }
      %lt3A_467 = arith.constant 512 : i32
      %lt3A_468 = arith.cmpi slt, %add3A_442, %lt3A_467 : i32
      %convert_element_type3A_469 = arith.extui %lt3A_468 : i1 to i32
      %cond3A_470 = arith.constant 0 : i32
      %cond3A_471 = arith.cmpi ne, %convert_element_type3A_469, %cond3A_470 : i32
      scf.if %cond3A_471 {
        %jit3A_573 = arith.constant 32 : i32
        %div3A_574 = arith.divsi %add3A_442, %jit3A_573 : i32
        %sign3A_575 = arith.constant 0 : i32
        %sign3A_576 = arith.cmpi sgt, %add3A_442, %sign3A_575 : i32
        %sign3A_577 = arith.extui %sign3A_576 : i1 to i32
        %sign3A_578 = arith.constant 0 : i32
        %sign3A_579 = arith.cmpi slt, %add3A_442, %sign3A_578 : i32
        %sign3A_580 = arith.extui %sign3A_579 : i1 to i32
        %sign3A_581 = arith.subi %sign3A_577, %sign3A_580 : i32
        %sign3A_582 = arith.constant 0 : i32
        %sign3A_583 = arith.cmpi sgt, %jit3A_573, %sign3A_582 : i32
        %sign3A_584 = arith.extui %sign3A_583 : i1 to i32
        %sign3A_585 = arith.constant 0 : i32
        %sign3A_586 = arith.cmpi slt, %jit3A_573, %sign3A_585 : i32
        %sign3A_587 = arith.extui %sign3A_586 : i1 to i32
        %sign3A_588 = arith.subi %sign3A_584, %sign3A_587 : i32
        %ne3A_589 = arith.cmpi ne, %sign3A_581, %sign3A_588 : i32
        %rem3A_590 = arith.remsi %add3A_442, %jit3A_573 : i32
        %ne3A_591 = arith.constant 0 : i32
        %ne3A_592 = arith.cmpi ne, %rem3A_590, %ne3A_591 : i32
        %and3A_593 = arith.andi %ne3A_589, %ne3A_592 : i1
        %sub3A_594 = arith.constant 1 : i32
        %sub3A_595 = arith.subi %div3A_574, %sub3A_594 : i32
        %select_n3A_596 = arith.select %and3A_593, %sub3A_595, %div3A_574 : i32
        %jit3A_597 = arith.constant 2 : i32
        %eq3A_598 = arith.constant 0 : i32
        %eq3A_599 = arith.cmpi eq, %jit3A_597, %eq3A_598 : i32
        %jit3A_600 = arith.constant 1 : i32
        %select_n3A_601 = arith.select %eq3A_599, %jit3A_600, %jit3A_597 : i32
        %rem3A_602 = arith.remsi %select_n3A_596, %select_n3A_601 : i32
        %ne3A_603 = arith.constant 0 : i32
        %ne3A_604 = arith.cmpi ne, %rem3A_602, %ne3A_603 : i32
        %lt3A_605 = arith.constant 0 : i32
        %lt3A_606 = arith.cmpi slt, %rem3A_602, %lt3A_605 : i32
        %lt3A_607 = arith.constant 0 : i32
        %lt3A_608 = arith.cmpi slt, %select_n3A_601, %lt3A_607 : i32
        %ne3A_609 = arith.xori %lt3A_606, %lt3A_608 : i1
        %and3A_610 = arith.andi %ne3A_609, %ne3A_604 : i1
        %add3A_611 = arith.addi %rem3A_602, %select_n3A_601 : i32
        %select_n3A_612 = arith.select %and3A_610, %add3A_611, %rem3A_602 : i32
        %jit3A_613 = arith.constant 32 : i32
        %eq3A_614 = arith.constant 0 : i32
        %eq3A_615 = arith.cmpi eq, %jit3A_613, %eq3A_614 : i32
        %jit3A_616 = arith.constant 1 : i32
        %select_n3A_617 = arith.select %eq3A_615, %jit3A_616, %jit3A_613 : i32
        %rem3A_618 = arith.remsi %add3A_442, %select_n3A_617 : i32
        %ne3A_619 = arith.constant 0 : i32
        %ne3A_620 = arith.cmpi ne, %rem3A_618, %ne3A_619 : i32
        %lt3A_621 = arith.constant 0 : i32
        %lt3A_622 = arith.cmpi slt, %rem3A_618, %lt3A_621 : i32
        %lt3A_623 = arith.constant 0 : i32
        %lt3A_624 = arith.cmpi slt, %select_n3A_617, %lt3A_623 : i32
        %ne3A_625 = arith.xori %lt3A_622, %lt3A_624 : i1
        %and3A_626 = arith.andi %ne3A_625, %ne3A_620 : i1
        %add3A_627 = arith.addi %rem3A_618, %select_n3A_617 : i32
        %select_n3A_628 = arith.select %and3A_626, %add3A_627, %rem3A_618 : i32
        %dma_start3A_629 = arith.constant 2 : i32
        %dma_start3A_630 = arith.constant 0 : i32
        %dma_start3A_631 = arith.constant 0 : i32
        %dma_start3A_632 = tpu.memref_slice %arg6[%dma_start3A_629, %dma_start3A_630, %dma_start3A_631] : memref<4x200x64xf32, #tpu.memory_space<vmem>> -> memref<1x200x64xf32, #tpu.memory_space<vmem>>
        %dma_start3A_633 = tpu.memref_squeeze %dma_start3A_632 : memref<1x200x64xf32, #tpu.memory_space<vmem>> -> memref<200x64xf32, #tpu.memory_space<vmem>>
        %dma_start3A_634 = arith.constant 0 : i32
        %dma_start3A_635 = tpu.memref_slice %arg5[%select_n3A_612, %select_n3A_628, %dma_start3A_634] : memref<2x32x200xi32, #tpu.memory_space<vmem>> -> memref<1x1x200xi32, #tpu.memory_space<vmem>>
        %dma_start3A_636 = tpu.memref_squeeze %dma_start3A_635 : memref<1x1x200xi32, #tpu.memory_space<vmem>> -> memref<200xi32, #tpu.memory_space<vmem>>
        %dma_start3A_637 = arith.constant 0 : i32
        %dma_start3A_638 = arith.constant 0 : i32
        %dma_start3A_639 = tpu.memref_slice %arg3[%dma_start3A_637, %dma_start3A_638] : memref<1000000x64xf32, #tpu.memory_space<hbm>> -> memref<1000000x64xf32, #tpu.memory_space<hbm>>
        tpu.enqueue_indirect_dma source(%dma_start3A_639 : memref<1000000x64xf32, #tpu.memory_space<hbm>>) target(%dma_start3A_633 : memref<200x64xf32, #tpu.memory_space<vmem>>) offsets(%dma_start3A_636 : memref<200xi32, #tpu.memory_space<vmem>>) semaphore(%arg10 : memref<!tpu.dma_semaphore, #tpu.memory_space<semaphore_mem>>)
      } else {
      }
      %jit3A_472 = arith.constant 32 : i32
      %div3A_473 = arith.divsi %add3A_440, %jit3A_472 : i32
      %sign3A_474 = arith.constant 0 : i32
      %sign3A_475 = arith.cmpi sgt, %add3A_440, %sign3A_474 : i32
      %sign3A_476 = arith.extui %sign3A_475 : i1 to i32
      %sign3A_477 = arith.constant 0 : i32
      %sign3A_478 = arith.cmpi slt, %add3A_440, %sign3A_477 : i32
      %sign3A_479 = arith.extui %sign3A_478 : i1 to i32
      %sign3A_480 = arith.subi %sign3A_476, %sign3A_479 : i32
      %sign3A_481 = arith.constant 0 : i32
      %sign3A_482 = arith.cmpi sgt, %jit3A_472, %sign3A_481 : i32
      %sign3A_483 = arith.extui %sign3A_482 : i1 to i32
      %sign3A_484 = arith.constant 0 : i32
      %sign3A_485 = arith.cmpi slt, %jit3A_472, %sign3A_484 : i32
      %sign3A_486 = arith.extui %sign3A_485 : i1 to i32
      %sign3A_487 = arith.subi %sign3A_483, %sign3A_486 : i32
      %ne3A_488 = arith.cmpi ne, %sign3A_480, %sign3A_487 : i32
      %rem3A_489 = arith.remsi %add3A_440, %jit3A_472 : i32
      %ne3A_490 = arith.constant 0 : i32
      %ne3A_491 = arith.cmpi ne, %rem3A_489, %ne3A_490 : i32
      %and3A_492 = arith.andi %ne3A_488, %ne3A_491 : i1
      %sub3A_493 = arith.constant 1 : i32
      %sub3A_494 = arith.subi %div3A_473, %sub3A_493 : i32
      %select_n3A_495 = arith.select %and3A_492, %sub3A_494, %div3A_473 : i32
      %jit3A_496 = arith.constant 2 : i32
      %eq3A_497 = arith.constant 0 : i32
      %eq3A_498 = arith.cmpi eq, %jit3A_496, %eq3A_497 : i32
      %jit3A_499 = arith.constant 1 : i32
      %select_n3A_500 = arith.select %eq3A_498, %jit3A_499, %jit3A_496 : i32
      %rem3A_501 = arith.remsi %select_n3A_495, %select_n3A_500 : i32
      %ne3A_502 = arith.constant 0 : i32
      %ne3A_503 = arith.cmpi ne, %rem3A_501, %ne3A_502 : i32
      %lt3A_504 = arith.constant 0 : i32
      %lt3A_505 = arith.cmpi slt, %rem3A_501, %lt3A_504 : i32
      %lt3A_506 = arith.constant 0 : i32
      %lt3A_507 = arith.cmpi slt, %select_n3A_500, %lt3A_506 : i32
      %ne3A_508 = arith.xori %lt3A_505, %lt3A_507 : i1
      %and3A_509 = arith.andi %ne3A_508, %ne3A_503 : i1
      %add3A_510 = arith.addi %rem3A_501, %select_n3A_500 : i32
      %select_n3A_511 = arith.select %and3A_509, %add3A_510, %rem3A_501 : i32
      %jit3A_512 = arith.constant 32 : i32
      %eq3A_513 = arith.constant 0 : i32
      %eq3A_514 = arith.cmpi eq, %jit3A_512, %eq3A_513 : i32
      %jit3A_515 = arith.constant 1 : i32
      %select_n3A_516 = arith.select %eq3A_514, %jit3A_515, %jit3A_512 : i32
      %rem3A_517 = arith.remsi %add3A_440, %select_n3A_516 : i32
      %ne3A_518 = arith.constant 0 : i32
      %ne3A_519 = arith.cmpi ne, %rem3A_517, %ne3A_518 : i32
      %lt3A_520 = arith.constant 0 : i32
      %lt3A_521 = arith.cmpi slt, %rem3A_517, %lt3A_520 : i32
      %lt3A_522 = arith.constant 0 : i32
      %lt3A_523 = arith.cmpi slt, %select_n3A_516, %lt3A_522 : i32
      %ne3A_524 = arith.xori %lt3A_521, %lt3A_523 : i1
      %and3A_525 = arith.andi %ne3A_524, %ne3A_519 : i1
      %add3A_526 = arith.addi %rem3A_517, %select_n3A_516 : i32
      %select_n3A_527 = arith.select %and3A_525, %add3A_526, %rem3A_517 : i32
      %dma_wait3A_528 = arith.constant 3 : i32
      %dma_wait3A_529 = arith.constant 0 : i32
      %dma_wait3A_530 = arith.constant 0 : i32
      %dma_wait3A_531 = tpu.memref_slice %arg6[%dma_wait3A_528, %dma_wait3A_529, %dma_wait3A_530] : memref<4x200x64xf32, #tpu.memory_space<vmem>> -> memref<1x200x64xf32, #tpu.memory_space<vmem>>
      %dma_wait3A_532 = tpu.memref_squeeze %dma_wait3A_531 : memref<1x200x64xf32, #tpu.memory_space<vmem>> -> memref<200x64xf32, #tpu.memory_space<vmem>>
      %dma_wait3A_533 = arith.constant 0 : i32
      %dma_wait3A_534 = tpu.memref_slice %arg5[%select_n3A_511, %select_n3A_527, %dma_wait3A_533] : memref<2x32x200xi32, #tpu.memory_space<vmem>> -> memref<1x1x200xi32, #tpu.memory_space<vmem>>
      %dma_wait3A_535 = tpu.memref_squeeze %dma_wait3A_534 : memref<1x1x200xi32, #tpu.memory_space<vmem>> -> memref<200xi32, #tpu.memory_space<vmem>>
      %dma_wait3A_536 = arith.constant 0 : i32
      %dma_wait3A_537 = arith.constant 0 : i32
      %dma_wait3A_538 = tpu.memref_slice %arg3[%dma_wait3A_536, %dma_wait3A_537] : memref<1000000x64xf32, #tpu.memory_space<hbm>> -> memref<1000000x64xf32, #tpu.memory_space<hbm>>
      tpu.wait_indirect_dma semaphore(%arg11 : memref<!tpu.dma_semaphore, #tpu.memory_space<semaphore_mem>>) src(%dma_wait3A_538 : memref<1000000x64xf32, #tpu.memory_space<hbm>>) dst(%dma_wait3A_532 : memref<200x64xf32, #tpu.memory_space<vmem>>)
      %broadcast_in_dim3A_539 = arith.constant 0.000000e+00 : f32
      %broadcast_in_dim3A_540 = vector.broadcast %broadcast_in_dim3A_539 : f32 to vector<16xf32>
      %broadcast_in_dim3A_541 = arith.constant 0.000000e+00 : f32
      %broadcast_in_dim3A_542 = vector.broadcast %broadcast_in_dim3A_541 : f32 to vector<16xf32>
      %broadcast_in_dim3A_543 = arith.constant 0.000000e+00 : f32
      %broadcast_in_dim3A_544 = vector.broadcast %broadcast_in_dim3A_543 : f32 to vector<16xf32>
      %broadcast_in_dim3A_545 = arith.constant 0.000000e+00 : f32
      %broadcast_in_dim3A_546 = vector.broadcast %broadcast_in_dim3A_545 : f32 to vector<16xf32>
      %scan3A_547 = arith.constant 0 : i32
      %scan3A_548 = arith.constant 200 : i32
      %scan3A_549 = arith.addi %scan3A_547, %scan3A_548 : i32
      %scan3A_550 = arith.constant 8 : i32
      %scan3A_551:4 = scf.for %scan3A_573 = %scan3A_547 to %scan3A_549 step %scan3A_550 iter_args(%scan3A_574 = %broadcast_in_dim3A_540, %scan3A_575 = %broadcast_in_dim3A_542, %scan3A_576 = %broadcast_in_dim3A_544, %scan3A_577 = %broadcast_in_dim3A_546) -> (vector<16xf32>, vector<16xf32>, vector<16xf32>, vector<16xf32>)  : i32 {
        %mul3A_578 = arith.constant 1 : i32
        %mul3A_579 = arith.muli %scan3A_573, %mul3A_578 : i32
        %add3A_580 = arith.constant 0 : i32
        %add3A_581 = arith.addi %add3A_580, %mul3A_579 : i32
        %get3A = arith.constant 3 : i32
        %get3A_582 = arith.index_cast %get3A : i32 to index
        %get3A_583 = arith.index_cast %add3A_581 : i32 to index
        %get3A_584 = arith.constant 0 : index
        %get3A_585 = tpu.vector_load %arg6[%get3A_582, %get3A_583, %get3A_584] {strides = array<i32>} : memref<4x200x64xf32, #tpu.memory_space<vmem>>, vector<1x1x16xf32>,
        %get3A_586 = vector.shape_cast %get3A_585 : vector<1x1x16xf32> to vector<16xf32>
        %add3A_587 = arith.addf %scan3A_574, %get3A_586 : vector<16xf32>
        %get3A_588 = arith.constant 3 : i32
        %get3A_589 = arith.index_cast %get3A_588 : i32 to index
        %get3A_590 = arith.index_cast %add3A_581 : i32 to index
        %get3A_591 = arith.constant 16 : index
        %get3A_592 = tpu.vector_load %arg6[%get3A_589, %get3A_590, %get3A_591] {strides = array<i32>} : memref<4x200x64xf32, #tpu.memory_space<vmem>>, vector<1x1x16xf32>,
        %get3A_593 = vector.shape_cast %get3A_592 : vector<1x1x16xf32> to vector<16xf32>
        %add3A_594 = arith.addf %scan3A_575, %get3A_593 : vector<16xf32>
        %get3A_595 = arith.constant 3 : i32
        %get3A_596 = arith.index_cast %get3A_595 : i32 to index
        %get3A_597 = arith.index_cast %add3A_581 : i32 to index
        %get3A_598 = arith.constant 32 : index
        %get3A_599 = tpu.vector_load %arg6[%get3A_596, %get3A_597, %get3A_598] {strides = array<i32>} : memref<4x200x64xf32, #tpu.memory_space<vmem>>, vector<1x1x16xf32>,
        %get3A_600 = vector.shape_cast %get3A_599 : vector<1x1x16xf32> to vector<16xf32>
        %add3A_601 = arith.addf %scan3A_576, %get3A_600 : vector<16xf32>
        %get3A_602 = arith.constant 3 : i32
        %get3A_603 = arith.index_cast %get3A_602 : i32 to index
        %get3A_604 = arith.index_cast %add3A_581 : i32 to index
        %get3A_605 = arith.constant 48 : index
        %get3A_606 = tpu.vector_load %arg6[%get3A_603, %get3A_604, %get3A_605] {strides = array<i32>} : memref<4x200x64xf32, #tpu.memory_space<vmem>>, vector<1x1x16xf32>,
        %get3A_607 = vector.shape_cast %get3A_606 : vector<1x1x16xf32> to vector<16xf32>
        %add3A_608 = arith.addf %scan3A_577, %get3A_607 : vector<16xf32>
        %scan3A_609 = arith.constant 1 : i32
        %scan3A_610 = arith.addi %scan3A_573, %scan3A_609 : i32
        %mul3A_611 = arith.constant 1 : i32
        %mul3A_612 = arith.muli %scan3A_610, %mul3A_611 : i32
        %add3A_613 = arith.constant 0 : i32
        %add3A_614 = arith.addi %add3A_613, %mul3A_612 : i32
        %get3A_615 = arith.constant 3 : i32
        %get3A_616 = arith.index_cast %get3A_615 : i32 to index
        %get3A_617 = arith.index_cast %add3A_614 : i32 to index
        %get3A_618 = arith.constant 0 : index
        %get3A_619 = tpu.vector_load %arg6[%get3A_616, %get3A_617, %get3A_618] {strides = array<i32>} : memref<4x200x64xf32, #tpu.memory_space<vmem>>, vector<1x1x16xf32>,
        %get3A_620 = vector.shape_cast %get3A_619 : vector<1x1x16xf32> to vector<16xf32>
        %add3A_621 = arith.addf %add3A_587, %get3A_620 : vector<16xf32>
        %get3A_622 = arith.constant 3 : i32
        %get3A_623 = arith.index_cast %get3A_622 : i32 to index
        %get3A_624 = arith.index_cast %add3A_614 : i32 to index
        %get3A_625 = arith.constant 16 : index
        %get3A_626 = tpu.vector_load %arg6[%get3A_623, %get3A_624, %get3A_625] {strides = array<i32>} : memref<4x200x64xf32, #tpu.memory_space<vmem>>, vector<1x1x16xf32>,
        %get3A_627 = vector.shape_cast %get3A_626 : vector<1x1x16xf32> to vector<16xf32>
        %add3A_628 = arith.addf %add3A_594, %get3A_627 : vector<16xf32>
        %get3A_629 = arith.constant 3 : i32
        %get3A_630 = arith.index_cast %get3A_629 : i32 to index
        %get3A_631 = arith.index_cast %add3A_614 : i32 to index
        %get3A_632 = arith.constant 32 : index
        %get3A_633 = tpu.vector_load %arg6[%get3A_630, %get3A_631, %get3A_632] {strides = array<i32>} : memref<4x200x64xf32, #tpu.memory_space<vmem>>, vector<1x1x16xf32>,
        %get3A_634 = vector.shape_cast %get3A_633 : vector<1x1x16xf32> to vector<16xf32>
        %add3A_635 = arith.addf %add3A_601, %get3A_634 : vector<16xf32>
        %get3A_636 = arith.constant 3 : i32
        %get3A_637 = arith.index_cast %get3A_636 : i32 to index
        %get3A_638 = arith.index_cast %add3A_614 : i32 to index
        %get3A_639 = arith.constant 48 : index
        %get3A_640 = tpu.vector_load %arg6[%get3A_637, %get3A_638, %get3A_639] {strides = array<i32>} : memref<4x200x64xf32, #tpu.memory_space<vmem>>, vector<1x1x16xf32>,
        %get3A_641 = vector.shape_cast %get3A_640 : vector<1x1x16xf32> to vector<16xf32>
        %add3A_642 = arith.addf %add3A_608, %get3A_641 : vector<16xf32>
        %scan3A_643 = arith.constant 2 : i32
        %scan3A_644 = arith.addi %scan3A_573, %scan3A_643 : i32
        %mul3A_645 = arith.constant 1 : i32
        %mul3A_646 = arith.muli %scan3A_644, %mul3A_645 : i32
        %add3A_647 = arith.constant 0 : i32
        %add3A_648 = arith.addi %add3A_647, %mul3A_646 : i32
        %get3A_649 = arith.constant 3 : i32
        %get3A_650 = arith.index_cast %get3A_649 : i32 to index
        %get3A_651 = arith.index_cast %add3A_648 : i32 to index
        %get3A_652 = arith.constant 0 : index
        %get3A_653 = tpu.vector_load %arg6[%get3A_650, %get3A_651, %get3A_652] {strides = array<i32>} : memref<4x200x64xf32, #tpu.memory_space<vmem>>, vector<1x1x16xf32>,
        %get3A_654 = vector.shape_cast %get3A_653 : vector<1x1x16xf32> to vector<16xf32>
        %add3A_655 = arith.addf %add3A_621, %get3A_654 : vector<16xf32>
        %get3A_656 = arith.constant 3 : i32
        %get3A_657 = arith.index_cast %get3A_656 : i32 to index
        %get3A_658 = arith.index_cast %add3A_648 : i32 to index
        %get3A_659 = arith.constant 16 : index
        %get3A_660 = tpu.vector_load %arg6[%get3A_657, %get3A_658, %get3A_659] {strides = array<i32>} : memref<4x200x64xf32, #tpu.memory_space<vmem>>, vector<1x1x16xf32>,
        %get3A_661 = vector.shape_cast %get3A_660 : vector<1x1x16xf32> to vector<16xf32>
        %add3A_662 = arith.addf %add3A_628, %get3A_661 : vector<16xf32>
        %get3A_663 = arith.constant 3 : i32
        %get3A_664 = arith.index_cast %get3A_663 : i32 to index
        %get3A_665 = arith.index_cast %add3A_648 : i32 to index
        %get3A_666 = arith.constant 32 : index
        %get3A_667 = tpu.vector_load %arg6[%get3A_664, %get3A_665, %get3A_666] {strides = array<i32>} : memref<4x200x64xf32, #tpu.memory_space<vmem>>, vector<1x1x16xf32>,
        %get3A_668 = vector.shape_cast %get3A_667 : vector<1x1x16xf32> to vector<16xf32>
        %add3A_669 = arith.addf %add3A_635, %get3A_668 : vector<16xf32>
        %get3A_670 = arith.constant 3 : i32
        %get3A_671 = arith.index_cast %get3A_670 : i32 to index
        %get3A_672 = arith.index_cast %add3A_648 : i32 to index
        %get3A_673 = arith.constant 48 : index
        %get3A_674 = tpu.vector_load %arg6[%get3A_671, %get3A_672, %get3A_673] {strides = array<i32>} : memref<4x200x64xf32, #tpu.memory_space<vmem>>, vector<1x1x16xf32>,
        %get3A_675 = vector.shape_cast %get3A_674 : vector<1x1x16xf32> to vector<16xf32>
        %add3A_676 = arith.addf %add3A_642, %get3A_675 : vector<16xf32>
        %scan3A_677 = arith.constant 3 : i32
        %scan3A_678 = arith.addi %scan3A_573, %scan3A_677 : i32
        %mul3A_679 = arith.constant 1 : i32
        %mul3A_680 = arith.muli %scan3A_678, %mul3A_679 : i32
        %add3A_681 = arith.constant 0 : i32
        %add3A_682 = arith.addi %add3A_681, %mul3A_680 : i32
        %get3A_683 = arith.constant 3 : i32
        %get3A_684 = arith.index_cast %get3A_683 : i32 to index
        %get3A_685 = arith.index_cast %add3A_682 : i32 to index
        %get3A_686 = arith.constant 0 : index
        %get3A_687 = tpu.vector_load %arg6[%get3A_684, %get3A_685, %get3A_686] {strides = array<i32>} : memref<4x200x64xf32, #tpu.memory_space<vmem>>, vector<1x1x16xf32>,
        %get3A_688 = vector.shape_cast %get3A_687 : vector<1x1x16xf32> to vector<16xf32>
        %add3A_689 = arith.addf %add3A_655, %get3A_688 : vector<16xf32>
        %get3A_690 = arith.constant 3 : i32
        %get3A_691 = arith.index_cast %get3A_690 : i32 to index
        %get3A_692 = arith.index_cast %add3A_682 : i32 to index
        %get3A_693 = arith.constant 16 : index
        %get3A_694 = tpu.vector_load %arg6[%get3A_691, %get3A_692, %get3A_693] {strides = array<i32>} : memref<4x200x64xf32, #tpu.memory_space<vmem>>, vector<1x1x16xf32>,
        %get3A_695 = vector.shape_cast %get3A_694 : vector<1x1x16xf32> to vector<16xf32>
        %add3A_696 = arith.addf %add3A_662, %get3A_695 : vector<16xf32>
        %get3A_697 = arith.constant 3 : i32
        %get3A_698 = arith.index_cast %get3A_697 : i32 to index
        %get3A_699 = arith.index_cast %add3A_682 : i32 to index
        %get3A_700 = arith.constant 32 : index
        %get3A_701 = tpu.vector_load %arg6[%get3A_698, %get3A_699, %get3A_700] {strides = array<i32>} : memref<4x200x64xf32, #tpu.memory_space<vmem>>, vector<1x1x16xf32>,
        %get3A_702 = vector.shape_cast %get3A_701 : vector<1x1x16xf32> to vector<16xf32>
        %add3A_703 = arith.addf %add3A_669, %get3A_702 : vector<16xf32>
        %get3A_704 = arith.constant 3 : i32
        %get3A_705 = arith.index_cast %get3A_704 : i32 to index
        %get3A_706 = arith.index_cast %add3A_682 : i32 to index
        %get3A_707 = arith.constant 48 : index
        %get3A_708 = tpu.vector_load %arg6[%get3A_705, %get3A_706, %get3A_707] {strides = array<i32>} : memref<4x200x64xf32, #tpu.memory_space<vmem>>, vector<1x1x16xf32>,
        %get3A_709 = vector.shape_cast %get3A_708 : vector<1x1x16xf32> to vector<16xf32>
        %add3A_710 = arith.addf %add3A_676, %get3A_709 : vector<16xf32>
        %scan3A_711 = arith.constant 4 : i32
        %scan3A_712 = arith.addi %scan3A_573, %scan3A_711 : i32
        %mul3A_713 = arith.constant 1 : i32
        %mul3A_714 = arith.muli %scan3A_712, %mul3A_713 : i32
        %add3A_715 = arith.constant 0 : i32
        %add3A_716 = arith.addi %add3A_715, %mul3A_714 : i32
        %get3A_717 = arith.constant 3 : i32
        %get3A_718 = arith.index_cast %get3A_717 : i32 to index
        %get3A_719 = arith.index_cast %add3A_716 : i32 to index
        %get3A_720 = arith.constant 0 : index
        %get3A_721 = tpu.vector_load %arg6[%get3A_718, %get3A_719, %get3A_720] {strides = array<i32>} : memref<4x200x64xf32, #tpu.memory_space<vmem>>, vector<1x1x16xf32>,
        %get3A_722 = vector.shape_cast %get3A_721 : vector<1x1x16xf32> to vector<16xf32>
        %add3A_723 = arith.addf %add3A_689, %get3A_722 : vector<16xf32>
        %get3A_724 = arith.constant 3 : i32
        %get3A_725 = arith.index_cast %get3A_724 : i32 to index
        %get3A_726 = arith.index_cast %add3A_716 : i32 to index
        %get3A_727 = arith.constant 16 : index
        %get3A_728 = tpu.vector_load %arg6[%get3A_725, %get3A_726, %get3A_727] {strides = array<i32>} : memref<4x200x64xf32, #tpu.memory_space<vmem>>, vector<1x1x16xf32>,
        %get3A_729 = vector.shape_cast %get3A_728 : vector<1x1x16xf32> to vector<16xf32>
        %add3A_730 = arith.addf %add3A_696, %get3A_729 : vector<16xf32>
        %get3A_731 = arith.constant 3 : i32
        %get3A_732 = arith.index_cast %get3A_731 : i32 to index
        %get3A_733 = arith.index_cast %add3A_716 : i32 to index
        %get3A_734 = arith.constant 32 : index
        %get3A_735 = tpu.vector_load %arg6[%get3A_732, %get3A_733, %get3A_734] {strides = array<i32>} : memref<4x200x64xf32, #tpu.memory_space<vmem>>, vector<1x1x16xf32>,
        %get3A_736 = vector.shape_cast %get3A_735 : vector<1x1x16xf32> to vector<16xf32>
        %add3A_737 = arith.addf %add3A_703, %get3A_736 : vector<16xf32>
        %get3A_738 = arith.constant 3 : i32
        %get3A_739 = arith.index_cast %get3A_738 : i32 to index
        %get3A_740 = arith.index_cast %add3A_716 : i32 to index
        %get3A_741 = arith.constant 48 : index
        %get3A_742 = tpu.vector_load %arg6[%get3A_739, %get3A_740, %get3A_741] {strides = array<i32>} : memref<4x200x64xf32, #tpu.memory_space<vmem>>, vector<1x1x16xf32>,
        %get3A_743 = vector.shape_cast %get3A_742 : vector<1x1x16xf32> to vector<16xf32>
        %add3A_744 = arith.addf %add3A_710, %get3A_743 : vector<16xf32>
        %scan3A_745 = arith.constant 5 : i32
        %scan3A_746 = arith.addi %scan3A_573, %scan3A_745 : i32
        %mul3A_747 = arith.constant 1 : i32
        %mul3A_748 = arith.muli %scan3A_746, %mul3A_747 : i32
        %add3A_749 = arith.constant 0 : i32
        %add3A_750 = arith.addi %add3A_749, %mul3A_748 : i32
        %get3A_751 = arith.constant 3 : i32
        %get3A_752 = arith.index_cast %get3A_751 : i32 to index
        %get3A_753 = arith.index_cast %add3A_750 : i32 to index
        %get3A_754 = arith.constant 0 : index
        %get3A_755 = tpu.vector_load %arg6[%get3A_752, %get3A_753, %get3A_754] {strides = array<i32>} : memref<4x200x64xf32, #tpu.memory_space<vmem>>, vector<1x1x16xf32>,
        %get3A_756 = vector.shape_cast %get3A_755 : vector<1x1x16xf32> to vector<16xf32>
        %add3A_757 = arith.addf %add3A_723, %get3A_756 : vector<16xf32>
        %get3A_758 = arith.constant 3 : i32
        %get3A_759 = arith.index_cast %get3A_758 : i32 to index
        %get3A_760 = arith.index_cast %add3A_750 : i32 to index
        %get3A_761 = arith.constant 16 : index
        %get3A_762 = tpu.vector_load %arg6[%get3A_759, %get3A_760, %get3A_761] {strides = array<i32>} : memref<4x200x64xf32, #tpu.memory_space<vmem>>, vector<1x1x16xf32>,
        %get3A_763 = vector.shape_cast %get3A_762 : vector<1x1x16xf32> to vector<16xf32>
        %add3A_764 = arith.addf %add3A_730, %get3A_763 : vector<16xf32>
        %get3A_765 = arith.constant 3 : i32
        %get3A_766 = arith.index_cast %get3A_765 : i32 to index
        %get3A_767 = arith.index_cast %add3A_750 : i32 to index
        %get3A_768 = arith.constant 32 : index
        %get3A_769 = tpu.vector_load %arg6[%get3A_766, %get3A_767, %get3A_768] {strides = array<i32>} : memref<4x200x64xf32, #tpu.memory_space<vmem>>, vector<1x1x16xf32>,
        %get3A_770 = vector.shape_cast %get3A_769 : vector<1x1x16xf32> to vector<16xf32>
        %add3A_771 = arith.addf %add3A_737, %get3A_770 : vector<16xf32>
        %get3A_772 = arith.constant 3 : i32
        %get3A_773 = arith.index_cast %get3A_772 : i32 to index
        %get3A_774 = arith.index_cast %add3A_750 : i32 to index
        %get3A_775 = arith.constant 48 : index
        %get3A_776 = tpu.vector_load %arg6[%get3A_773, %get3A_774, %get3A_775] {strides = array<i32>} : memref<4x200x64xf32, #tpu.memory_space<vmem>>, vector<1x1x16xf32>,
        %get3A_777 = vector.shape_cast %get3A_776 : vector<1x1x16xf32> to vector<16xf32>
        %add3A_778 = arith.addf %add3A_744, %get3A_777 : vector<16xf32>
        %scan3A_779 = arith.constant 6 : i32
        %scan3A_780 = arith.addi %scan3A_573, %scan3A_779 : i32
        %mul3A_781 = arith.constant 1 : i32
        %mul3A_782 = arith.muli %scan3A_780, %mul3A_781 : i32
        %add3A_783 = arith.constant 0 : i32
        %add3A_784 = arith.addi %add3A_783, %mul3A_782 : i32
        %get3A_785 = arith.constant 3 : i32
        %get3A_786 = arith.index_cast %get3A_785 : i32 to index
        %get3A_787 = arith.index_cast %add3A_784 : i32 to index
        %get3A_788 = arith.constant 0 : index
        %get3A_789 = tpu.vector_load %arg6[%get3A_786, %get3A_787, %get3A_788] {strides = array<i32>} : memref<4x200x64xf32, #tpu.memory_space<vmem>>, vector<1x1x16xf32>,
        %get3A_790 = vector.shape_cast %get3A_789 : vector<1x1x16xf32> to vector<16xf32>
        %add3A_791 = arith.addf %add3A_757, %get3A_790 : vector<16xf32>
        %get3A_792 = arith.constant 3 : i32
        %get3A_793 = arith.index_cast %get3A_792 : i32 to index
        %get3A_794 = arith.index_cast %add3A_784 : i32 to index
        %get3A_795 = arith.constant 16 : index
        %get3A_796 = tpu.vector_load %arg6[%get3A_793, %get3A_794, %get3A_795] {strides = array<i32>} : memref<4x200x64xf32, #tpu.memory_space<vmem>>, vector<1x1x16xf32>,
        %get3A_797 = vector.shape_cast %get3A_796 : vector<1x1x16xf32> to vector<16xf32>
        %add3A_798 = arith.addf %add3A_764, %get3A_797 : vector<16xf32>
        %get3A_799 = arith.constant 3 : i32
        %get3A_800 = arith.index_cast %get3A_799 : i32 to index
        %get3A_801 = arith.index_cast %add3A_784 : i32 to index
        %get3A_802 = arith.constant 32 : index
        %get3A_803 = tpu.vector_load %arg6[%get3A_800, %get3A_801, %get3A_802] {strides = array<i32>} : memref<4x200x64xf32, #tpu.memory_space<vmem>>, vector<1x1x16xf32>,
        %get3A_804 = vector.shape_cast %get3A_803 : vector<1x1x16xf32> to vector<16xf32>
        %add3A_805 = arith.addf %add3A_771, %get3A_804 : vector<16xf32>
        %get3A_806 = arith.constant 3 : i32
        %get3A_807 = arith.index_cast %get3A_806 : i32 to index
        %get3A_808 = arith.index_cast %add3A_784 : i32 to index
        %get3A_809 = arith.constant 48 : index
        %get3A_810 = tpu.vector_load %arg6[%get3A_807, %get3A_808, %get3A_809] {strides = array<i32>} : memref<4x200x64xf32, #tpu.memory_space<vmem>>, vector<1x1x16xf32>,
        %get3A_811 = vector.shape_cast %get3A_810 : vector<1x1x16xf32> to vector<16xf32>
        %add3A_812 = arith.addf %add3A_778, %get3A_811 : vector<16xf32>
        %scan3A_813 = arith.constant 7 : i32
        %scan3A_814 = arith.addi %scan3A_573, %scan3A_813 : i32
        %mul3A_815 = arith.constant 1 : i32
        %mul3A_816 = arith.muli %scan3A_814, %mul3A_815 : i32
        %add3A_817 = arith.constant 0 : i32
        %add3A_818 = arith.addi %add3A_817, %mul3A_816 : i32
        %get3A_819 = arith.constant 3 : i32
        %get3A_820 = arith.index_cast %get3A_819 : i32 to index
        %get3A_821 = arith.index_cast %add3A_818 : i32 to index
        %get3A_822 = arith.constant 0 : index
        %get3A_823 = tpu.vector_load %arg6[%get3A_820, %get3A_821, %get3A_822] {strides = array<i32>} : memref<4x200x64xf32, #tpu.memory_space<vmem>>, vector<1x1x16xf32>,
        %get3A_824 = vector.shape_cast %get3A_823 : vector<1x1x16xf32> to vector<16xf32>
        %add3A_825 = arith.addf %add3A_791, %get3A_824 : vector<16xf32>
        %get3A_826 = arith.constant 3 : i32
        %get3A_827 = arith.index_cast %get3A_826 : i32 to index
        %get3A_828 = arith.index_cast %add3A_818 : i32 to index
        %get3A_829 = arith.constant 16 : index
        %get3A_830 = tpu.vector_load %arg6[%get3A_827, %get3A_828, %get3A_829] {strides = array<i32>} : memref<4x200x64xf32, #tpu.memory_space<vmem>>, vector<1x1x16xf32>,
        %get3A_831 = vector.shape_cast %get3A_830 : vector<1x1x16xf32> to vector<16xf32>
        %add3A_832 = arith.addf %add3A_798, %get3A_831 : vector<16xf32>
        %get3A_833 = arith.constant 3 : i32
        %get3A_834 = arith.index_cast %get3A_833 : i32 to index
        %get3A_835 = arith.index_cast %add3A_818 : i32 to index
        %get3A_836 = arith.constant 32 : index
        %get3A_837 = tpu.vector_load %arg6[%get3A_834, %get3A_835, %get3A_836] {strides = array<i32>} : memref<4x200x64xf32, #tpu.memory_space<vmem>>, vector<1x1x16xf32>,
        %get3A_838 = vector.shape_cast %get3A_837 : vector<1x1x16xf32> to vector<16xf32>
        %add3A_839 = arith.addf %add3A_805, %get3A_838 : vector<16xf32>
        %get3A_840 = arith.constant 3 : i32
        %get3A_841 = arith.index_cast %get3A_840 : i32 to index
        %get3A_842 = arith.index_cast %add3A_818 : i32 to index
        %get3A_843 = arith.constant 48 : index
        %get3A_844 = tpu.vector_load %arg6[%get3A_841, %get3A_842, %get3A_843] {strides = array<i32>} : memref<4x200x64xf32, #tpu.memory_space<vmem>>, vector<1x1x16xf32>,
        %get3A_845 = vector.shape_cast %get3A_844 : vector<1x1x16xf32> to vector<16xf32>
        %add3A_846 = arith.addf %add3A_812, %get3A_845 : vector<16xf32>
        scf.yield %add3A_825, %add3A_832, %add3A_839, %add3A_846 : vector<16xf32>, vector<16xf32>, vector<16xf32>, vector<16xf32>
      }
      %scan3A_552 = arith.constant 200 : i32
      %swap3A_553 = arith.index_cast %add3A_440 : i32 to index
      %swap3A_554 = arith.constant 0 : index
      %swap3A_555 = tpu.vector_load %arg7[%swap3A_553, %swap3A_554] {strides = array<i32>} : memref<512x64xf32, #tpu.memory_space<vmem>>, vector<1x16xf32>,
      %swap3A_556 = vector.shape_cast %swap3A_555 : vector<1x16xf32> to vector<16xf32>
      %swap3A_557 = vector.shape_cast %scan3A_551#0 : vector<16xf32> to vector<1x16xf32>
      tpu.vector_store %arg7[%swap3A_553, %swap3A_554], %swap3A_557 {strides = array<i32>} : memref<512x64xf32, #tpu.memory_space<vmem>>, vector<1x16xf32>,
      %swap3A_558 = arith.index_cast %add3A_440 : i32 to index
      %swap3A_559 = arith.constant 16 : index
      %swap3A_560 = tpu.vector_load %arg7[%swap3A_558, %swap3A_559] {strides = array<i32>} : memref<512x64xf32, #tpu.memory_space<vmem>>, vector<1x16xf32>,
      %swap3A_561 = vector.shape_cast %swap3A_560 : vector<1x16xf32> to vector<16xf32>
      %swap3A_562 = vector.shape_cast %scan3A_551#1 : vector<16xf32> to vector<1x16xf32>
      tpu.vector_store %arg7[%swap3A_558, %swap3A_559], %swap3A_562 {strides = array<i32>} : memref<512x64xf32, #tpu.memory_space<vmem>>, vector<1x16xf32>,
      %swap3A_563 = arith.index_cast %add3A_440 : i32 to index
      %swap3A_564 = arith.constant 32 : index
      %swap3A_565 = tpu.vector_load %arg7[%swap3A_563, %swap3A_564] {strides = array<i32>} : memref<512x64xf32, #tpu.memory_space<vmem>>, vector<1x16xf32>,
      %swap3A_566 = vector.shape_cast %swap3A_565 : vector<1x16xf32> to vector<16xf32>
      %swap3A_567 = vector.shape_cast %scan3A_551#2 : vector<16xf32> to vector<1x16xf32>
      tpu.vector_store %arg7[%swap3A_563, %swap3A_564], %swap3A_567 {strides = array<i32>} : memref<512x64xf32, #tpu.memory_space<vmem>>, vector<1x16xf32>,
      %swap3A_568 = arith.index_cast %add3A_440 : i32 to index
      %swap3A_569 = arith.constant 48 : index
      %swap3A_570 = tpu.vector_load %arg7[%swap3A_568, %swap3A_569] {strides = array<i32>} : memref<512x64xf32, #tpu.memory_space<vmem>>, vector<1x16xf32>,
      %swap3A_571 = vector.shape_cast %swap3A_570 : vector<1x16xf32> to vector<16xf32>
      %swap3A_572 = vector.shape_cast %scan3A_551#3 : vector<16xf32> to vector<1x16xf32>
      tpu.vector_store %arg7[%swap3A_568, %swap3A_569], %swap3A_572 {strides = array<i32>} : memref<512x64xf32, #tpu.memory_space<vmem>>, vector<1x16xf32>,
    }
    %scan3A_46 = arith.constant 128 : i32
    "tpu.region"() ({
      %run_scoped3A_47 = tpu.sem_alloc : memref<!tpu.dma_semaphore, #tpu.memory_space<semaphore_mem>>
      %dma_start3A_48 = arith.constant 0 : i32
      %dma_start3A_49 = tpu.memref_slice %arg4[%mul3A_2, %dma_start3A_48] : memref<16384x64xf32, #tpu.memory_space<hbm>> -> memref<512x64xf32, #tpu.memory_space<hbm>>
      %dma_start3A_50 = arith.constant 0 : i32
      %dma_start3A_51 = tpu.memref_slice %arg4[%mul3A_2, %dma_start3A_50] : memref<16384x64xf32, #tpu.memory_space<hbm>> -> memref<512x64xf32, #tpu.memory_space<hbm>>
      tpu.enqueue_dma source(%arg7 : memref<512x64xf32, #tpu.memory_space<vmem>>) target(%dma_start3A_51 : memref<512x64xf32, #tpu.memory_space<hbm>>) target_semaphore(%run_scoped3A_47 : memref<!tpu.dma_semaphore, #tpu.memory_space<semaphore_mem>>)
      %dma_wait3A = arith.constant 0 : i32
      %dma_wait3A_52 = tpu.memref_slice %arg4[%mul3A_2, %dma_wait3A] : memref<16384x64xf32, #tpu.memory_space<hbm>> -> memref<512x64xf32, #tpu.memory_space<hbm>>
      %dma_wait3A_53 = arith.constant 0 : i32
      %dma_wait3A_54 = tpu.memref_slice %arg4[%mul3A_2, %dma_wait3A_53] : memref<16384x64xf32, #tpu.memory_space<hbm>> -> memref<512x64xf32, #tpu.memory_space<hbm>>
      tpu.wait_dma2 semaphore(%run_scoped3A_47 : memref<!tpu.dma_semaphore, #tpu.memory_space<semaphore_mem>>) src(%arg7 : memref<512x64xf32, #tpu.memory_space<vmem>>) dst(%dma_wait3A_54 : memref<512x64xf32, #tpu.memory_space<hbm>>)
      tpu.yield
    }) : () -> ()
    return
  }
}

module attributes {stable_mosaic.version = 14 : i64} {
  func.func @body(%arg0: i32, %arg1: memref<2048x64xf32, #tpu.memory_space<vmem>>, %arg2: memref<64x256xf32, #tpu.memory_space<vmem>>, %arg3: memref<1x256xf32, #tpu.memory_space<vmem>>, %arg4: memref<256x128xf32, #tpu.memory_space<vmem>>, %arg5: memref<1x128xf32, #tpu.memory_space<vmem>>, %arg6: memref<128x10xf32, #tpu.memory_space<vmem>>, %arg7: memref<1x10xf32, #tpu.memory_space<vmem>>, %arg8: memref<2048x10xf32, #tpu.memory_space<vmem>>) attributes {dimension_semantics = [#tpu.dimension_semantics<arbitrary>], iteration_bounds = array<i64: 8>, scalar_prefetch = 0 : i64, scratch_operands = 0 : i64, tpu.core_type = #tpu.core_type<tc>, window_params = [{transform_indices = @transform_0, window_bounds = array<i64: 2048, 64>}, {pipeline_mode = #tpu.pipeline_mode<synchronous>, transform_indices = @transform_1, window_bounds = array<i64: 64, 256>}, {pipeline_mode = #tpu.pipeline_mode<synchronous>, transform_indices = @transform_2, window_bounds = array<i64: 1, 256>}, {pipeline_mode = #tpu.pipeline_mode<synchronous>, transform_indices = @transform_3, window_bounds = array<i64: 256, 128>}, {pipeline_mode = #tpu.pipeline_mode<synchronous>, transform_indices = @transform_4, window_bounds = array<i64: 1, 128>}, {pipeline_mode = #tpu.pipeline_mode<synchronous>, transform_indices = @transform_5, window_bounds = array<i64: 128, 10>}, {pipeline_mode = #tpu.pipeline_mode<synchronous>, transform_indices = @transform_6, window_bounds = array<i64: 1, 10>}, {transform_indices = @transform_7, window_bounds = array<i64: 2048, 10>}]} {
    %get3A = arith.constant 0 : index
    %get3A_0 = arith.constant 0 : index
    %get3A_1 = vector.load %arg1[%get3A, %get3A_0] : memref<2048x64xf32, #tpu.memory_space<vmem>>, vector<2048x64xf32>
    %mul3A = arith.constant 5.000000e-03 : f32
    %mul3A_2 = vector.broadcast %mul3A : f32 to vector<2048x64xf32>
    %mul3A_3 = arith.mulf %get3A_1, %mul3A_2 : vector<2048x64xf32>
    %get3A_4 = arith.constant 0 : index
    %get3A_5 = arith.constant 0 : index
    %get3A_6 = vector.load %arg2[%get3A_4, %get3A_5] : memref<64x256xf32, #tpu.memory_space<vmem>>, vector<64x256xf32>
    %dot_general3A = arith.constant dense<0.000000e+00> : vector<2048x256xf32>
    %dot_general3A_7 = tpu.matmul %mul3A_3, %get3A_6, %dot_general3A {dimension_numbers = #tpu.dot_dimension_numbers<[1], [0], [0], [1], [0, 0, 1, 1], [], []>, transpose_lhs_hint = false} : vector<2048x64xf32>, vector<64x256xf32>, vector<2048x256xf32> -> vector<2048x256xf32>
    %get3A_8 = arith.constant 0 : index
    %get3A_9 = arith.constant 0 : index
    %get3A_10 = vector.load %arg3[%get3A_8, %get3A_9] : memref<1x256xf32, #tpu.memory_space<vmem>>, vector<1x256xf32>
    %add3A = vector.broadcast %get3A_10 : vector<1x256xf32> to vector<2048x256xf32>
    %add3A_11 = arith.addf %dot_general3A_7, %add3A : vector<2048x256xf32>
    %max3A = arith.constant 0.000000e+00 : f32
    %max3A_12 = vector.broadcast %max3A : f32 to vector<2048x256xf32>
    %max3A_13 = arith.maximumf %add3A_11, %max3A_12 : vector<2048x256xf32>
    %get3A_14 = arith.constant 0 : index
    %get3A_15 = arith.constant 0 : index
    %get3A_16 = vector.load %arg4[%get3A_14, %get3A_15] : memref<256x128xf32, #tpu.memory_space<vmem>>, vector<256x128xf32>
    %dot_general3A_17 = arith.constant dense<0.000000e+00> : vector<2048x128xf32>
    %dot_general3A_18 = tpu.matmul %max3A_13, %get3A_16, %dot_general3A_17 {dimension_numbers = #tpu.dot_dimension_numbers<[1], [0], [0], [1], [0, 0, 1, 1], [], []>, transpose_lhs_hint = false} : vector<2048x256xf32>, vector<256x128xf32>, vector<2048x128xf32> -> vector<2048x128xf32>
    %get3A_19 = arith.constant 0 : index
    %get3A_20 = arith.constant 0 : index
    %get3A_21 = vector.load %arg5[%get3A_19, %get3A_20] : memref<1x128xf32, #tpu.memory_space<vmem>>, vector<1x128xf32>
    %add3A_22 = vector.broadcast %get3A_21 : vector<1x128xf32> to vector<2048x128xf32>
    %add3A_23 = arith.addf %dot_general3A_18, %add3A_22 : vector<2048x128xf32>
    %max3A_24 = arith.constant 0.000000e+00 : f32
    %max3A_25 = vector.broadcast %max3A_24 : f32 to vector<2048x128xf32>
    %max3A_26 = arith.maximumf %add3A_23, %max3A_25 : vector<2048x128xf32>
    %get3A_27 = arith.constant 0 : index
    %get3A_28 = arith.constant 0 : index
    %get3A_29 = vector.load %arg6[%get3A_27, %get3A_28] : memref<128x10xf32, #tpu.memory_space<vmem>>, vector<128x10xf32>
    %dot_general3A_30 = arith.constant dense<0.000000e+00> : vector<2048x10xf32>
    %dot_general3A_31 = tpu.matmul %max3A_26, %get3A_29, %dot_general3A_30 {dimension_numbers = #tpu.dot_dimension_numbers<[1], [0], [0], [1], [0, 0, 1, 1], [], []>, transpose_lhs_hint = false} : vector<2048x128xf32>, vector<128x10xf32>, vector<2048x10xf32> -> vector<2048x10xf32>
    %get3A_32 = arith.constant 0 : index
    %get3A_33 = arith.constant 0 : index
    %get3A_34 = vector.load %arg7[%get3A_32, %get3A_33] : memref<1x10xf32, #tpu.memory_space<vmem>>, vector<1x10xf32>
    %add3A_35 = vector.broadcast %get3A_34 : vector<1x10xf32> to vector<2048x10xf32>
    %add3A_36 = arith.addf %dot_general3A_31, %add3A_35 : vector<2048x10xf32>
    %swap3A = arith.constant 0 : index
    %swap3A_37 = arith.constant 0 : index
    %swap3A_38 = vector.load %arg8[%swap3A, %swap3A_37] : memref<2048x10xf32, #tpu.memory_space<vmem>>, vector<2048x10xf32>
    tpu.vector_store %arg8[%swap3A, %swap3A_37], %add3A_36 {strides = array<i32>} : memref<2048x10xf32, #tpu.memory_space<vmem>>, vector<2048x10xf32>,
    return
  }
  func.func @transform_0(%arg0: i32) -> (i32, i32) {
    %c0_i32 = arith.constant 0 : i32
    %c0_i32_0 = arith.constant 0 : i32
    return %arg0, %c0_i32 : i32, i32
  }
  func.func @transform_1(%arg0: i32) -> (i32, i32) {
    %c0_i32 = arith.constant 0 : i32
    %c0_i32_0 = arith.constant 0 : i32
    %c0_i32_1 = arith.constant 0 : i32
    return %c0_i32, %c0_i32_0 : i32, i32
  }
  func.func @transform_2(%arg0: i32) -> (i32, i32) {
    %c0_i32 = arith.constant 0 : i32
    %c0_i32_0 = arith.constant 0 : i32
    %c0_i32_1 = arith.constant 0 : i32
    return %c0_i32, %c0_i32_0 : i32, i32
  }
  func.func @transform_3(%arg0: i32) -> (i32, i32) {
    %c0_i32 = arith.constant 0 : i32
    %c0_i32_0 = arith.constant 0 : i32
    %c0_i32_1 = arith.constant 0 : i32
    return %c0_i32, %c0_i32_0 : i32, i32
  }
  func.func @transform_4(%arg0: i32) -> (i32, i32) {
    %c0_i32 = arith.constant 0 : i32
    %c0_i32_0 = arith.constant 0 : i32
    %c0_i32_1 = arith.constant 0 : i32
    return %c0_i32, %c0_i32_0 : i32, i32
  }
  func.func @transform_5(%arg0: i32) -> (i32, i32) {
    %c0_i32 = arith.constant 0 : i32
    %c0_i32_0 = arith.constant 0 : i32
    %c0_i32_1 = arith.constant 0 : i32
    return %c0_i32, %c0_i32_0 : i32, i32
  }
  func.func @transform_6(%arg0: i32) -> (i32, i32) {
    %c0_i32 = arith.constant 0 : i32
    %c0_i32_0 = arith.constant 0 : i32
    %c0_i32_1 = arith.constant 0 : i32
    return %c0_i32, %c0_i32_0 : i32, i32
  }
  func.func @transform_7(%arg0: i32) -> (i32, i32) {
    %c0_i32 = arith.constant 0 : i32
    %c0_i32_0 = arith.constant 0 : i32
    return %arg0, %c0_i32 : i32, i32
  }
}

</mosaic_0001>

<sc_bundles>
// kernel: kernel.4.cloned.1.call-start
scs
__scs_entry_jumppad:
0x0: {  	(pc) =	sbr.rel $0x88, $3  }
0x1: {  	(tag) =	ssettag $0x0;
	lr =	simm.s32 $0x1  }
0x2: {  	[smem:$0x3F99] =	sst lr;
	_ =	strace $0xD0000000  }
0x3: {  	_ = 	snop  }
0x4: {  	_ = 	snop  }
0x5: {  	_ = 	snop  }
0x6: {  	_ = 	snop  }
0x7: {  	_ = 	snop  }
__scs_overlays_trampoline_lowered:
0x8: {  	[smem:$0x3FA8] =	sst s0  }
0x9: {  	[smem:$0x3FA9] =	sst s1  }
0xa: {  	[smem:$0x3FAA] =	sst s2  }
0xb: {  	[smem:$0x3FAB] =	sst s3  }
0xc: {  	[smem:$0x3FAC] =	sst s4  }
0xd: {  	[smem:$0x3FAD] =	sst s5  }
0xe: {  	[smem:$0x3FAE] =	sst s6  }
0xf: {  	[smem:$0x3FAF] =	sst s7  }
0x10: {  	[smem:$0x3FB0] =	sst s8  }
0x11: {  	[smem:$0x3FB1] =	sst s9;
	s0 =	simm.s32 @!p0 $0x0  }
0x12: {  	s1 =	sld [smem:$0x3F97];
	s0 =	simm.s32 @p0 $0x1  }
0x13: {  	[smem:$0x3FB2] =	sst s0;
	s0 =	simm.s32 @!p1 $0x0  }
0x14: {  	s2 =	sld [smem:$0x3F96];
	s0 =	simm.s32 @p1 $0x1  }
0x15: {  	[smem:$0x3FB3] =	sst s0;
	s0 =	simm.s32 @!p2 $0x0  }
0x16: {  	s3 =	sld [smem:$0x3FDB];
	s0 =	simm.s32 @p2 $0x1  }
0x17: {  	s4 =	simm.s32 $0x1BF5;
	[smem:$0x3FB5] =	sst s0  }
0x18: {  	s0 =	sld [smem:$0x3F98];
	_ =	swait.ge [sflag:s4], $0x0  }
0x19: {  	s7 =	sld [smem:$0x3F99]  }
0x1a: {  	s8 =	sadd.s32 $0xFFFFE003, lr  }
0x1b: {  	s9 =	sadd.s32 $0xFFFFFEF7, lr;
	s5 =	simm.s32 $0xFFFFFFFF;
	p2 =	slt.u32 s8, $0xFFFFF086  }
0x1c: {  	p1 =	slt.u32 s9, $0xF7A;
	s5 =	simm.s32 @!p2 $0x0  }
0x1d: {  	s5 =	simm.s32 @p1 $0x1;
	p0 =	seq.s32 s7, s2  }
0x1e: {  	s7 =	smul.u32 @!p0 $0xF7A, s2;
	p2 =	seq.s32 @!p0 s5, $0x0  }
0x1f: {  	s9 =	smul.u32 $0xF7A, s1;
	s8 =	simm.s32 @!p0 $0x1BF5;
	p2 =	por !p2, p0  }
0x20: {  	[sflag:s8] =	ssyncset.s32 @!p0 $0xFFFFF086;
	s6 =	sadd.s32 @!p0 s3, s7;
	s7 =	simm.s32 @!p0 $0x108  }
0x21: {  	s3 =	sadd.s32 s3, s9;
	s6 =	sadd.s32 @!p0 $0x88, s6;
	s7 =	simm.s32 @p2 $0x1082  }
0x22: {  	[simem:s7], [sflag:s8] =	dma.local @!p0 [hbm:s6], $0xF7A  }
0x23: {  	s9 =	sor.u32 $0xD0000000, s2;
	s6 =	simm.s32 $0x108;
	_ =	swait.ge @!p0 [sflag:s8], $0x0  }
0x24: {  	s3 =	sadd.s32 $0x88, s3;
	s6 =	simm.s32 @!p1 $0x1082;
	[sflag:s4] =	ssyncset.s32 $0xFFFFF086  }
0x25: {  	[simem:s6], [sflag:s4] =	dma.local [hbm:s3], $0xF7A  }
0x26: {  	[smem:$0x3F99] =	sst s1;
	(tag) =	ssettag s2;
	_ =	strace s9  }
0x27: {  	s1 =	sld [smem:$0x3FA9]  }
0x28: {  	s2 =	sld [smem:$0x3FAA]  }
0x29: {  	s4 =	sld [smem:$0x3FAC]  }
0x2a: {  	p0 =	seq.s32 s5, $0x0;
	s5 =	sld [smem:$0x3FAD]  }
0x2b: {  	s6 =	sld [smem:$0x3FAE]  }
0x2c: {  	s7 =	sld [smem:$0x3FAF]  }
0x2d: {  	s3 =	simm.s32 $0x108;
	s8 =	sld [smem:$0x3FB0]  }
0x2e: {  	s3 =	simm.s32 @!p0 $0x1082;
	s9 =	sld [smem:$0x3FB1]  }
0x2f: {  	lr =	sadd.s32 s0, s3;
	s0 =	sld [smem:$0x3FA8]  }
0x30: {  	s3 =	sld [smem:$0x3FAB]  }
0x31: {  	[smem:$0x3FB4] =	sst s10  }
0x32: {  	s10 =	sld [smem:$0x3FB2];
	_ =	sdelay $0x3  }
0x33: {  	p0 =	seq.s32 s10, $0x1;
	s10 =	sld [smem:$0x3FB4];
	_ =	sdelay $0x3  }
0x34: {  	[smem:$0x3FB4] =	sst s10  }
0x35: {  	s10 =	sld [smem:$0x3FB3];
	_ =	sdelay $0x3  }
0x36: {  	p1 =	seq.s32 s10, $0x1;
	s10 =	sld [smem:$0x3FB4];
	_ =	sdelay $0x3  }
0x37: {  	[smem:$0x3FB4] =	sst s10  }
0x38: {  	s10 =	sld [smem:$0x3FB5]  }
0x39: {  	_ = 	snop;
	(pc) =	sbr.ind lr, $3  }
0x3a: {  	_ = 	snop  }
0x3b: {  	_ = 	snop  }
0x3c: {  	p2 =	seq.s32 s10, $0x1;
	s10 =	sld [smem:$0x3FB4]  }
0x3d: {  	_ =	shalt  }
0x3e: {  	_ =	shalt  }
0x3f: {  	_ =	shalt  }
0x40: {  	_ =	shalt  }
0x41: {  	_ =	shalt  }
0x42: {  	_ =	shalt  }
0x43: {  	_ =	shalt  }
0x44: {  	_ =	shalt  }
0x45: {  	_ =	shalt  }
0x46: {  	_ =	shalt  }
0x47: {  	_ =	shalt  }
0x48: {  	_ =	shalt  }
0x49: {  	_ =	shalt  }
0x4a: {  	_ =	shalt  }
0x4b: {  	_ =	shalt  }
0x4c: {  	_ =	shalt  }
0x4d: {  	_ =	shalt  }
0x4e: {  	_ =	shalt  }
0x4f: {  	_ =	shalt  }
0x50: {  	_ =	shalt  }
0x51: {  	_ =	shalt  }
0x52: {  	_ =	shalt  }
0x53: {  	_ =	shalt  }
0x54: {  	_ =	shalt  }
0x55: {  	_ =	shalt  }
0x56: {  	_ =	shalt  }
0x57: {  	_ =	shalt  }
0x58: {  	_ =	shalt  }
0x59: {  	_ =	shalt  }
0x5a: {  	_ =	shalt  }
0x5b: {  	_ =	shalt  }
0x5c: {  	_ =	shalt  }
0x5d: {  	_ =	shalt  }
0x5e: {  	_ =	shalt  }
0x5f: {  	_ =	shalt  }
0x60: {  	_ =	shalt  }
0x61: {  	_ =	shalt  }
0x62: {  	_ =	shalt  }
0x63: {  	_ =	shalt  }
0x64: {  	_ =	shalt  }
0x65: {  	_ =	shalt  }
0x66: {  	_ =	shalt  }
0x67: {  	_ =	shalt  }
0x68: {  	_ =	shalt  }
0x69: {  	_ =	shalt  }
0x6a: {  	_ =	shalt  }
0x6b: {  	_ =	shalt  }
0x6c: {  	_ =	shalt  }
0x6d: {  	_ =	shalt  }
0x6e: {  	_ =	shalt  }
0x6f: {  	_ =	shalt  }
0x70: {  	_ =	shalt  }
0x71: {  	_ =	shalt  }
0x72: {  	_ =	shalt  }
0x73: {  	_ =	shalt  }
0x74: {  	_ =	shalt  }
0x75: {  	_ =	shalt  }
0x76: {  	_ =	shalt  }
0x77: {  	_ =	shalt  }
0x78: {  	_ =	shalt  }
0x79: {  	_ =	shalt  }
0x7a: {  	_ =	shalt  }
0x7b: {  	_ =	shalt  }
0x7c: {  	_ =	shalt  }
0x7d: {  	_ =	shalt  }
0x7e: {  	_ =	shalt  }
0x7f: {  	_ =	shalt  }
0x80: {  	_ =	shalt  }
0x81: {  	_ =	shalt  }
0x82: {  	_ =	shalt  }
0x83: {  	_ =	shalt  }
0x84: {  	_ =	shalt  }
0x85: {  	_ =	shalt  }
0x86: {  	_ =	shalt  }
0x87: {  	_ =	shalt  }
.Lfunc_end0:
.L_simem_size_0:
called_computation_lowered:
.L_overlay_start_0:
0x88: {  	s2 =	sld [smem:$0x3FD9]  }
0x89: {  	s3 =	sld [smem:$0x3FFE];
	_ =	sdelay $0x1  }
0x8a: {  	s1 =	srdreg.scid  }
0x8b: {  	s0 =	sand.u32 $0x1, s1  }
0x8c: {  	s16 =	sshll.u32 s0, $0xA;
	s2 =	sadd.s32 s3, s2  }
0x8d: {  	s2 =	sadd.s32 s2, s16  }
0x8e: {  	[smem:$0x3FC0] =	sst s2  }
0x8f: {  	_ = 	snop  }
0x90: {  	(tm) =	ssettm $0x1  }
0x91: {  	s17 =	sld [smem:$0x3FFB];
	_ =	sdelay $0x3  }
0x92: {  	_ =	strace s17  }
0x93: {  	s2 =	sld [smem:$0x3FFC];
	_ =	sdelay $0x3  }
0x94: {  	_ =	strace s2  }
0x95: {  	s2 =	sld [smem:$0x3FFD];
	_ =	sdelay $0x3  }
0x96: {  	_ =	strace s2  }
0x97: {  	_ =	strace $0x8FFFFFFF  }
0x98: {  	s18 =	sld [smem:$0x3FDB];
	_ =	sdelay $0x1  }
0x99: {  	s19 =	simm.s32 $_scs_section_size  }
0x9a: {  	s4 =	simm.s32 $_size__tile_overlayer_lowered;
	s5 =	simm.s32 $_tile_overlayer_lowered  }
0x9b: {  	s22 =	simm.s32 $0x1BFF;
	s21 =	sshll.u32 s5, $0x1;
	s2 =	sadd.s32 s19, s18  }
0x9c: {  	s6 =	simm.s32 $0x0;
	s20 =	sshll.u32 s4, $0x1;
	s4 =	sadd.s32 s21, s2  }
0x9d: {  	[timem:s6], [sflag:s22] =	dma.local [hbm:s4], s20  }
0x9e: {  	_ =	swait.ge [sflag:s22], s20  }
0x9f: {  	s3 =	ssub.s32 $0x0, s20;
	[sflag:s22] =	ssyncset.done $0x0  }
0xa0: {  	[sflag:s22] =	ssyncadd.s32 s3;
	_ =	sdelay $0x1  }
0xa1: {  	s23 =	simm.s32 $0x1B8B  }
0xa2: {  	_ =	swait.ge [sflag:s23], $0x1  }
0xa3: {  	[sflag:s23] =	ssyncset.done $0x0  }
0xa4: {  	s25 =	simm.s32 $0x1B8E;
	s24 =	sld [smem:$0x3FFE];
	[sflag:s23] =	ssyncadd.s32 $0xFFFFFFFF  }
0xa5: {  	s26 =	simm.s32 $execute0_lowered;
	[smem:$0x3FD2] =	sst s25  }
0xa6: {  	s4 =	sshll.u32 s26, $0x1;
	_ =	strace $0x80000046;
	[dreg:$0x1] =	wrdreg $0xFFFFFFFF  }
0xa7: {  	s28 =	simm.s32 $_size_execute0_lowered;
	s2 =	sadd.s32 s2, s4;
	[dreg:$0x0] =	wrdreg $0x0  }
0xa8: {  	s4 =	sshll.u32 s28, $0x1;
	[dreg:$0x2] =	wrdreg s2  }
0xa9: {  	[dreg:$0x3] =	wrdreg s4  }
0xaa: {  	[dreg:$0x4] =	wrdreg $0xC0  }
0xab: {  	_ =	task [dreg:s6], $0x5FFFF  }
0xac: {  	[dreg:$0x1] =	wrdreg $0xFFFFFFFF  }
0xad: {  	[dreg:$0x0] =	wrdreg $0x60  }
0xae: {  	[dreg:$0x2] =	wrdreg s24  }
0xaf: {  	[dreg:$0x3] =	wrdreg $0x9  }
0xb0: {  	_ =	task.clear_ibuf [dreg:s6], $0x4FFFF;
	_ =	strace $0x90000046  }
0xb1: {  	s29 =	simm.s32 $0x9;
	_ =	strace $0x80000048  }
0xb2: {  	_ =	swait.ge [sflag:s29], $0x1  }
0xb3: {  	[sflag:s29] =	ssyncadd.s32 $0xFFFFFFFF  }
0xb4: {  	_ =	strace $0x90000048  }
0xb5: {  	_ =	sfence  }
0xb6: {  	s30 =	sld [smem:$0x0];
	_ =	sdelay $0x2  }
0xb7: {  	s31 =	sshll.u32 s1, $0xD;
	s1 =	sshrl.u32 s1, $0x2  }
0xb8: {  	s3 =	sand.u32 $0x4000, s31;
	s1 =	sadd.s32 s1, s30  }
0xb9: {  	s0 =	sor.u32 s3, s0;
	s1 =	sshll.u32 s1, $0x11  }
0xba: {  	s0 =	sor.u32 s1, s0  }
0xbb: {  	s0 =	sadd.s32 $0x8F2B, s0  }
0xbc: {  	[sflag:s0] =	ssyncadd.remote.s32 $0x1  }
0xbd: {  	_ =	sfence.sel $0xFFFF  }
0xbe: {  	[dreg:$0x0] =	wrdreg $0xFFFFFFFF;
	(pc) =	sbr.abs _section_cstart, $3  }
0xbf: {  	[dreg:$0x1] =	wrdreg $0xFFFFFFFF  }
0xc0: {  	_ =	task.clear_ibuf [dreg:s6], $0x2FFFF;
	_ =	strace $0x9FFFFFFF  }
0xc1: {  	(tm) =	ssettm $0x7FFFFFFF  }
tec
execute0_lowered:
.L_overlay_start_1:
0x0: {  	(tag) =	ssettag $0x1  }
0x1: {  	s6 =	rddreg [dreg:$0x0]  }
0x2: {  	s0 =	rddreg [dreg:$0x1];
	s3 =	srdreg.scid  }
0x3: {  	s2 =	simm.s32 $0x0;
	s1 =	stileid.u32;
	s11 =	simm.s32 $0x3200  }
0x4: {  	s12 =	simm.s32 $0x6400;
	s13 =	simm.s32 $0x190;
	s14 =	simm.s32 $0x9600  }
0x5: {  	s15 =	simm.s32 $0xC800;
	s16 =	simm.s32 $0x1;
	s17 =	simm.s32 $0x2  }
0x6: {  	s18 =	simm.s32 $0x3;
	s19 =	simm.s32 $0x4;
	s20 =	simm.s32 $0xFA00  }
0x7: {  	s21 =	simm.s32 $0x0;
	s5 =	sand.u32 $0x1, s3;
	[smem:$0x7FF] =	sst s2  }
0x8: {  	s31 =	sshll.u32 s1, $0xA;
	s4 =	sshll.u32 s5, $0x9;
	_ =	strace $0x80000047  }
.Ltmp0:
0x9: {  	s7 =	ssub.s32 $0x2, s5;
	s3 =	sor.u32 s4, s31;
	(pc) =	sbr.rel .LBB2_1-.Ltmp0, $4  }
0xa: {  	s5 =	sadd.s32 $0xF43600, s6;
	s8 =	smul.u32 $0x19, s3;
	s9 =	sshll.u32 s3, $0x3  }
0xb: {  	s4 =	sadd.s32 $0x1200, s6;
	s10 =	sshrl.u32 s7, $0x1;
	s9 =	sadd.s32 s9, s6  }
0xc: {  	s10 =	ssub.s32 s7, s10;
	s6 =	sadd.s32 s4, s8;
	s7 =	sadd.s32 $0x65200, s9  }
0xd: {  	s8 =	smax.u32 s10, $0x1;
	s9 =	simm.s32 $0x5;
	s10 =	simm.s32 $0xC8  }
.LBB2_16:
0xe: {  	s21 =	sadd.s32 $0x1, s21  }
0xf: {  	p0 =	sne.s32 s21, s8  }
.Ltmp1:
0x10: {  	_ = 	snop;
	(pc) =	sbr.rel @!p0 .LBB2_17-.Ltmp1, $4  }
0x11: {  	[hbm4b:s7+s2] =	stream.linear.scatter [tilespmem:s20], [sflag:$0x5], $0x8000, $0x38;
	[tilespmem:$0x17A00] =	vst v63  }
0x12: {  	_ =	swait.ge [sflag:s9], $0x8000  }
0x13: {  	[sflag:s9] =	ssyncset.done $0x0  }
0x14: {  	[sflag:s9] =	ssyncadd.s32 $0xFFFF8000  }
.LBB2_1:
0x15: {  	[tilespmem:s2], [sflag:$0x5] =	stream.linear.gather [hbm4b:s6+s2], $0x1900, $0x38;
	[tilespmem:$0x17A00] =	vst v63  }
0x16: {  	_ =	swait.ge [sflag:s9], $0x1900  }
0x17: {  	[sflag:s9] =	ssyncset.done $0x0  }
0x18: {  	[sflag:s9] =	ssyncadd.s32 $0xFFFFE700  }
0x19: {  	[tilespmem:s11], [sflag:$0x1] =	stream.indirect.gather [hbm4b:s5+s10], $0x40, s2, s10, $0xb8;
	[tilespmem:$0x17A00] =	vst v63  }
0x1a: {  	_ = 	snop  }
0x1b: {  	[tilespmem:s12], [sflag:$0x2] =	stream.indirect.gather [hbm4b:s5+s10], $0x40, s10, s10, $0xb8;
	[tilespmem:$0x17A00] =	vst v63  }
0x1c: {  	s22 =	simm.s32 $0x0  }
0x1d: {  	[tilespmem:s14], [sflag:$0x3] =	stream.indirect.gather [hbm4b:s5+s10], $0x40, s13, s10, $0xb8;
	[tilespmem:$0x17A00] =	vst v63  }
.LBB2_2:
0x1e: {  	s23 =	sshllo.u32 s22, $0x2  }
0x1f: {  	s24 =	sand.u32 $0x1F, s23  }
0x20: {  	s25 =	sshll.u32 s22, $0x1C;
	s24 =	smul.u32 $0x320, s24  }
0x21: {  	s25 =	sshra.s32 s25, $0x1F  }
0x22: {  	s25 =	sand.u32 $0x1900, s25;
	s24 =	sshrl.u32 s24, $0x2  }
0x23: {  	s24 =	sadd.s32 s24, s25  }
0x24: {  	[tilespmem:s15], [sflag:$0x4] =	stream.indirect.gather [hbm4b:s5+s10], $0x40, s24, s10, $0xb8;
	[tilespmem:$0x17A00] =	vst v63  }
0x25: {  	_ =	swait.ge [sflag:s16], $0x3200  }
0x26: {  	[sflag:s16] =	ssyncset.done $0x0  }
0x27: {  	s26 =	simm.s32 $0x3300;
	[sflag:s16] =	ssyncadd.s32 $0xFFFFCE00  }
0x28: {  	v0 =	vld [tilespmem:s26+$0xC0]  }
0x29: {  	v1 =	vld [tilespmem:s26+$0xD0]  }
0x2a: {  	v2 =	vld [tilespmem:s26+$0x80]  }
0x2b: {  	v3 =	vld [tilespmem:s26+$0x90]  }
0x2c: {  	v9 =	vld [tilespmem:s26+$0x40]  }
0x2d: {  	v12 =	vld [tilespmem:s26+$0x50]  }
0x2e: {  	v5 =	vld [tilespmem:s26+$0x0]  }
0x2f: {  	v8 =	vld [tilespmem:s26+$0x10]  }
0x30: {  	v6 =	vld [tilespmem:s26+$0xFFFFFFC0]  }
0x31: {  	v7 =	vld [tilespmem:s26+$0xFFFFFFD0]  }
0x32: {  	v4 =	vld [tilespmem:s26+$0xFFFFFF80]  }
0x33: {  	v10 =	vld [tilespmem:s26+$0xFFFFFF90]  }
0x34: {  	v11 =	vld [tilespmem:s26+$0xFFFFFF40]  }
0x35: {  	v13 =	vld [tilespmem:s26+$0xFFFFFF50]  }
0x36: {  	v14 =	vld [tilespmem:s26+$0xFFFFFF00]  }
0x37: {  	v15 =	vld [tilespmem:s26+$0xFFFFFF10]  }
0x38: {  	v16 =	vld [tilespmem:s26+$0xFFFFFF20]  }
0x39: {  	v17 =	vld [tilespmem:s26+$0xFFFFFF30]  }
0x3a: {  	v18 =	vld [tilespmem:s26+$0xFFFFFF60]  }
0x3b: {  	v19 =	vld [tilespmem:s26+$0xFFFFFF70]  }
0x3c: {  	v20 =	vimm.f32 $0.0e+00;
	v21 =	vld [tilespmem:s26+$0xFFFFFFA0]  }
0x3d: {  	v22 =	vld [tilespmem:s26+$0xFFFFFFB0];
	v14 =	vadd.f32 v14, v20;
	v15 =	vadd.f32 v15, v20  }
0x3e: {  	v59 =	vld [tilespmem:s26+$0xFFFFFFE0];
	v16 =	vadd.f32 v16, v20;
	v17 =	vadd.f32 v17, v20  }
0x3f: {  	v11 =	vadd.f32 v11, v14;
	v13 =	vadd.f32 v13, v15;
	v14 =	vld [tilespmem:s26+$0xFFFFFFF0]  }
0x40: {  	v61 =	vld [tilespmem:s26+$0x20];
	v15 =	vadd.f32 v18, v16;
	v60 =	vadd.f32 v19, v17  }
0x41: {  	v11 =	vadd.f32 v4, v11;
	v10 =	vadd.f32 v10, v13;
	v13 =	vld [tilespmem:s26+$0x30]  }
0x42: {  	v15 =	vadd.f32 v21, v15;
	v16 =	vadd.f32 v22, v60;
	v4 =	vld [tilespmem:s26+$0x60]  }
0x43: {  	v11 =	vadd.f32 v6, v11;
	v10 =	vadd.f32 v7, v10;
	v7 =	vld [tilespmem:s26+$0x70]  }
0x44: {  	v15 =	vadd.f32 v59, v15;
	v6 =	vld [tilespmem:s26+$0xA0];
	v14 =	vadd.f32 v14, v16  }
0x45: {  	v62 =	vadd.f32 v5, v11;
	v63 =	vadd.f32 v8, v10;
	v8 =	vld [tilespmem:s26+$0xB0]  }
0x46: {  	v11 =	vadd.f32 v61, v15;
	v5 =	vld [tilespmem:s26+$0xE0];
	v10 =	vadd.f32 v13, v14  }
0x47: {  	s25 =	simm.s32 $0x0;
	s24 =	sshll.u32 s22, $0x2;
	v13 =	vadd.f32 v9, v62;
	v12 =	vadd.f32 v12, v63;
	v9 =	vld [tilespmem:s26+$0xF0];
	s26 =	simm.s32 $0x3500  }
.LBB2_3:
0x48: {  	v14 =	vld [tilespmem:s26+$0xC0];
	v4 =	vadd.f32 v4, v11;
	v7 =	vadd.f32 v7, v10  }
0x49: {  	v10 =	vld [tilespmem:s26+$0xD0];
	v11 =	vadd.f32 v2, v13;
	v12 =	vadd.f32 v3, v12  }
0x4a: {  	v2 =	vld [tilespmem:s26+$0x80];
	v4 =	vadd.f32 v6, v4;
	v6 =	vadd.f32 v8, v7  }
0x4b: {  	v3 =	vld [tilespmem:s26+$0x90];
	v7 =	vadd.f32 v0, v11;
	v8 =	vadd.f32 v1, v12  }
0x4c: {  	v12 =	vld [tilespmem:s26+$0x40];
	v4 =	vadd.f32 v5, v4;
	v5 =	vadd.f32 v9, v6  }
0x4d: {  	v9 =	vld [tilespmem:s26+$0x50];
	v0 =	vmov v14  }
0x4e: {  	v11 =	vld [tilespmem:s26+$0x0];
	v1 =	vmov v10  }
0x4f: {  	v10 =	vld [tilespmem:s26+$0x10]  }
0x50: {  	v6 =	vld [tilespmem:s26+$0xFFFFFFC0]  }
0x51: {  	v13 =	vld [tilespmem:s26+$0xFFFFFFD0]  }
0x52: {  	v14 =	vld [tilespmem:s26+$0xFFFFFF80]  }
0x53: {  	v15 =	vld [tilespmem:s26+$0xFFFFFF90]  }
0x54: {  	v16 =	vld [tilespmem:s26+$0xFFFFFF40]  }
0x55: {  	v17 =	vld [tilespmem:s26+$0xFFFFFF50]  }
0x56: {  	v18 =	vld [tilespmem:s26+$0xFFFFFF00]  }
0x57: {  	v19 =	vld [tilespmem:s26+$0xFFFFFF10]  }
0x58: {  	v20 =	vld [tilespmem:s26+$0xFFFFFF20]  }
0x59: {  	s25 =	sadd.s32 $0x8, s25;
	v21 =	vld [tilespmem:s26+$0xFFFFFF30]  }
0x5a: {  	p0 =	slt.u32 s25, $0xC0;
	v22 =	vld [tilespmem:s26+$0xFFFFFF60]  }
0x5b: {  	v23 =	vld [tilespmem:s26+$0xFFFFFF70]  }
0x5c: {  	v24 =	vld [tilespmem:s26+$0xFFFFFFA0]  }
0x5d: {  	v7 =	vadd.f32 v18, v7;
	v8 =	vadd.f32 v19, v8;
	v18 =	vld [tilespmem:s26+$0xFFFFFFB0]  }
0x5e: {  	v4 =	vadd.f32 v20, v4;
	v5 =	vadd.f32 v21, v5;
	v19 =	vld [tilespmem:s26+$0xFFFFFFE0]  }
0x5f: {  	v7 =	vadd.f32 v16, v7;
	v8 =	vadd.f32 v17, v8;
	v16 =	vld [tilespmem:s26+$0xFFFFFFF0]  }
0x60: {  	v4 =	vadd.f32 v22, v4;
	v5 =	vadd.f32 v23, v5;
	v17 =	vld [tilespmem:s26+$0x20]  }
0x61: {  	v7 =	vadd.f32 v14, v7;
	v8 =	vadd.f32 v15, v8;
	v14 =	vld [tilespmem:s26+$0x30]  }
0x62: {  	v15 =	vadd.f32 v24, v4;
	v5 =	vadd.f32 v18, v5;
	v4 =	vld [tilespmem:s26+$0x60]  }
.Ltmp2:
0x63: {  	v18 =	vadd.f32 v6, v7;
	v8 =	vadd.f32 v13, v8;
	v7 =	vld [tilespmem:s26+$0x70];
	(pc) =	sbr.rel @p0 .LBB2_3-.Ltmp2, $4  }
0x64: {  	v13 =	vadd.f32 v19, v15;
	v5 =	vadd.f32 v16, v5;
	v6 =	vld [tilespmem:s26+$0xA0]  }
0x65: {  	v15 =	vadd.f32 v11, v18;
	v16 =	vadd.f32 v10, v8;
	v8 =	vld [tilespmem:s26+$0xB0]  }
0x66: {  	v11 =	vadd.f32 v17, v13;
	v10 =	vadd.f32 v14, v5;
	v5 =	vld [tilespmem:s26+$0xE0]  }
0x67: {  	v13 =	vadd.f32 v12, v15;
	v12 =	vadd.f32 v9, v16;
	v9 =	vld [tilespmem:s26+$0xF0];
	s26 =	sadd.s32 $0x200, s26  }
0x68: {  	s28 =	sadd.s32 $0x4, s24  }
0x69: {  	v4 =	vadd.f32 v4, v11;
	p0 =	seq.s32 s22, $0x7F;
	v2 =	vadd.f32 v2, v13;
	s26 =	sand.u32 $0x1C, s28  }
0x6a: {  	v7 =	vadd.f32 v7, v10;
	v3 =	vadd.f32 v3, v12;
	p1 =	sne.s32 @!p0 s26, $0x0  }
0x6b: {  	s25 =	sshll.u32 s22, $0x8;
	v4 =	vadd.f32 v6, v4;
	v0 =	vadd.f32 v0, v2;
	p1 =	por p0, p1  }
.Ltmp3:
0x6c: {  	s25 =	sand.u32 $0x3FFFFF00, s25;
	v61 =	vadd.f32 v8, v7;
	v1 =	vadd.f32 v1, v3;
	(pc) =	sbr.rel @p1 .LBB2_6-.Ltmp3, $4  }
0x6d: {  	v62 =	vadd.f32 v5, v4;
	[tilespmem:s25+$0xFA00] =	vst v0  }
0x6e: {  	v63 =	vadd.f32 v9, v61;
	[tilespmem:s25+$0xFA10] =	vst v1  }
0x6f: {  	[tilespmem:s25+$0xFA20] =	vst v62  }
0x70: {  	[tilespmem:s25+$0xFA30] =	vst v63  }
0x71: {  	s29 =	sadd.s32 s3, s28  }
0x72: {  	s30 =	sshll.u32 s28, $0x1A;
	s29 =	smul.u32 $0x19, s29  }
0x73: {  	s30 =	sshra.s32 s30, $0x1F  }
0x74: {  	s30 =	sand.u32 $0x1900, s30;
	s29 =	sadd.s32 s4, s29  }
0x75: {  	[tilespmem:s30], [sflag:$0x5] =	stream.linear.gather [hbm4b:s29+s2], $0x1900, $0x38;
	[tilespmem:$0x17A00] =	vst v63  }
0x76: {  	_ =	swait.ge [sflag:s9], $0x1900  }
0x77: {  	[sflag:s9] =	ssyncset.done $0x0  }
0x78: {  	s28 =	sand.u32 $0x20, s28;
	[sflag:s9] =	ssyncadd.s32 $0xFFFFE700  }
.LBB2_8:
0x79: {  	s26 =	smul.u32 $0x320, s26  }
0x7a: {  	p1 =	seq.s32 s28, $0x0;
	s28 =	simm.s32 $0x0  }
0x7b: {  	s28 =	simm.s32 @!p1 $0x1900;
	s26 =	sshrl.u32 s26, $0x2  }
0x7c: {  	s26 =	sadd.s32 s26, s28  }
0x7d: {  	[tilespmem:s11], [sflag:$0x1] =	stream.indirect.gather [hbm4b:s5+s10], $0x40, s26, s10, $0xb8;
	[tilespmem:$0x17A00] =	vst v63  }
.LBB2_9:
0x7e: {  	_ =	swait.ge [sflag:s17], $0x3200  }
0x7f: {  	[sflag:s17] =	ssyncset.done $0x0  }
0x80: {  	s28 =	simm.s32 $0x65F0;
	[sflag:s17] =	ssyncadd.s32 $0xFFFFCE00  }
0x81: {  	v0 =	vld [tilespmem:s28+$0xFFFFFFD0]  }
0x82: {  	v1 =	vld [tilespmem:s28+$0xFFFFFFE0]  }
0x83: {  	v2 =	vld [tilespmem:s28+$0xFFFFFF90]  }
0x84: {  	v3 =	vld [tilespmem:s28+$0xFFFFFFA0]  }
0x85: {  	v9 =	vld [tilespmem:s28+$0xFFFFFF50]  }
0x86: {  	v12 =	vld [tilespmem:s28+$0xFFFFFF60]  }
0x87: {  	v6 =	vld [tilespmem:s28+$0xFFFFFF10]  }
0x88: {  	v8 =	vld [tilespmem:s28+$0xFFFFFF20]  }
0x89: {  	v5 =	vld [tilespmem:s28+$0xFFFFFED0]  }
0x8a: {  	v7 =	vld [tilespmem:s28+$0xFFFFFEE0]  }
0x8b: {  	v4 =	vld [tilespmem:s28+$0xFFFFFE90]  }
0x8c: {  	v10 =	vld [tilespmem:s28+$0xFFFFFEA0]  }
0x8d: {  	v11 =	vld [tilespmem:s28+$0xFFFFFE50]  }
0x8e: {  	v13 =	vld [tilespmem:s28+$0xFFFFFE60]  }
0x8f: {  	v14 =	vld [tilespmem:s28+$0xFFFFFE10]  }
0x90: {  	v15 =	vld [tilespmem:s28+$0xFFFFFE20]  }
0x91: {  	v16 =	vld [tilespmem:s28+$0xFFFFFE30]  }
0x92: {  	v17 =	vld [tilespmem:s28+$0xFFFFFE40]  }
0x93: {  	v18 =	vld [tilespmem:s28+$0xFFFFFE70]  }
0x94: {  	v19 =	vld [tilespmem:s28+$0xFFFFFE80]  }
0x95: {  	v20 =	vimm.f32 $0.0e+00;
	v21 =	vld [tilespmem:s28+$0xFFFFFEB0]  }
0x96: {  	v22 =	vld [tilespmem:s28+$0xFFFFFEC0];
	v14 =	vadd.f32 v14, v20;
	v15 =	vadd.f32 v15, v20  }
0x97: {  	v59 =	vld [tilespmem:s28+$0xFFFFFEF0];
	v16 =	vadd.f32 v16, v20;
	v17 =	vadd.f32 v17, v20  }
0x98: {  	v11 =	vadd.f32 v11, v14;
	v13 =	vadd.f32 v13, v15;
	v14 =	vld [tilespmem:s28+$0xFFFFFF00]  }
0x99: {  	v61 =	vld [tilespmem:s28+$0xFFFFFF30];
	v15 =	vadd.f32 v18, v16;
	v60 =	vadd.f32 v19, v17  }
0x9a: {  	v11 =	vadd.f32 v4, v11;
	v10 =	vadd.f32 v10, v13;
	v13 =	vld [tilespmem:s28+$0xFFFFFF40]  }
0x9b: {  	v15 =	vadd.f32 v21, v15;
	v16 =	vadd.f32 v22, v60;
	v4 =	vld [tilespmem:s28+$0xFFFFFF70]  }
0x9c: {  	v11 =	vadd.f32 v5, v11;
	v10 =	vadd.f32 v7, v10;
	v7 =	vld [tilespmem:s28+$0xFFFFFF80]  }
0x9d: {  	v15 =	vadd.f32 v59, v15;
	v5 =	vld [tilespmem:s28+$0xFFFFFFB0];
	v14 =	vadd.f32 v14, v16  }
0x9e: {  	v62 =	vadd.f32 v6, v11;
	v63 =	vadd.f32 v8, v10;
	v8 =	vld [tilespmem:s28+$0xFFFFFFC0]  }
0x9f: {  	v11 =	vadd.f32 v61, v15;
	v6 =	vld [tilespmem:s28+$0xFFFFFFF0];
	v10 =	vadd.f32 v13, v14  }
0xa0: {  	s26 =	simm.s32 $0x0;
	v13 =	vadd.f32 v9, v62;
	v12 =	vadd.f32 v12, v63;
	v9 =	vld [tilespmem:s28+$0x0];
	s28 =	simm.s32 $0x67F0  }
.LBB2_10:
0xa1: {  	v14 =	vld [tilespmem:s28+$0xFFFFFFD0];
	v4 =	vadd.f32 v4, v11;
	v7 =	vadd.f32 v7, v10  }
0xa2: {  	v10 =	vld [tilespmem:s28+$0xFFFFFFE0];
	v11 =	vadd.f32 v2, v13;
	v12 =	vadd.f32 v3, v12  }
0xa3: {  	v2 =	vld [tilespmem:s28+$0xFFFFFF90];
	v4 =	vadd.f32 v5, v4;
	v5 =	vadd.f32 v8, v7  }
0xa4: {  	v3 =	vld [tilespmem:s28+$0xFFFFFFA0];
	v7 =	vadd.f32 v0, v11;
	v8 =	vadd.f32 v1, v12  }
0xa5: {  	v12 =	vld [tilespmem:s28+$0xFFFFFF50];
	v4 =	vadd.f32 v6, v4;
	v5 =	vadd.f32 v9, v5  }
0xa6: {  	v9 =	vld [tilespmem:s28+$0xFFFFFF60];
	v0 =	vmov v14  }
0xa7: {  	v6 =	vld [tilespmem:s28+$0xFFFFFF10];
	v1 =	vmov v10  }
0xa8: {  	v10 =	vld [tilespmem:s28+$0xFFFFFF20]  }
0xa9: {  	v11 =	vld [tilespmem:s28+$0xFFFFFED0]  }
0xaa: {  	v13 =	vld [tilespmem:s28+$0xFFFFFEE0]  }
0xab: {  	v14 =	vld [tilespmem:s28+$0xFFFFFE90]  }
0xac: {  	v15 =	vld [tilespmem:s28+$0xFFFFFEA0]  }
0xad: {  	v16 =	vld [tilespmem:s28+$0xFFFFFE50]  }
0xae: {  	v17 =	vld [tilespmem:s28+$0xFFFFFE60]  }
0xaf: {  	v18 =	vld [tilespmem:s28+$0xFFFFFE10]  }
0xb0: {  	v19 =	vld [tilespmem:s28+$0xFFFFFE20]  }
0xb1: {  	v20 =	vld [tilespmem:s28+$0xFFFFFE30]  }
0xb2: {  	s26 =	sadd.s32 $0x8, s26;
	v21 =	vld [tilespmem:s28+$0xFFFFFE40]  }
0xb3: {  	p1 =	slt.u32 s26, $0xC0;
	v22 =	vld [tilespmem:s28+$0xFFFFFE70]  }
0xb4: {  	v23 =	vld [tilespmem:s28+$0xFFFFFE80]  }
0xb5: {  	v24 =	vld [tilespmem:s28+$0xFFFFFEB0]  }
0xb6: {  	v7 =	vadd.f32 v18, v7;
	v8 =	vadd.f32 v19, v8;
	v18 =	vld [tilespmem:s28+$0xFFFFFEC0]  }
0xb7: {  	v4 =	vadd.f32 v20, v4;
	v5 =	vadd.f32 v21, v5;
	v19 =	vld [tilespmem:s28+$0xFFFFFEF0]  }
0xb8: {  	v7 =	vadd.f32 v16, v7;
	v8 =	vadd.f32 v17, v8;
	v16 =	vld [tilespmem:s28+$0xFFFFFF00]  }
0xb9: {  	v4 =	vadd.f32 v22, v4;
	v5 =	vadd.f32 v23, v5;
	v17 =	vld [tilespmem:s28+$0xFFFFFF30]  }
0xba: {  	v7 =	vadd.f32 v14, v7;
	v8 =	vadd.f32 v15, v8;
	v14 =	vld [tilespmem:s28+$0xFFFFFF40]  }
0xbb: {  	v15 =	vadd.f32 v24, v4;
	v5 =	vadd.f32 v18, v5;
	v4 =	vld [tilespmem:s28+$0xFFFFFF70]  }
.Ltmp4:
0xbc: {  	v11 =	vadd.f32 v11, v7;
	v8 =	vadd.f32 v13, v8;
	v7 =	vld [tilespmem:s28+$0xFFFFFF80];
	(pc) =	sbr.rel @p1 .LBB2_10-.Ltmp4, $4  }
0xbd: {  	v13 =	vadd.f32 v19, v15;
	v15 =	vadd.f32 v16, v5;
	v5 =	vld [tilespmem:s28+$0xFFFFFFB0]  }
0xbe: {  	v16 =	vadd.f32 v6, v11;
	v18 =	vadd.f32 v10, v8;
	v8 =	vld [tilespmem:s28+$0xFFFFFFC0]  }
0xbf: {  	v11 =	vadd.f32 v17, v13;
	v10 =	vadd.f32 v14, v15;
	v6 =	vld [tilespmem:s28+$0xFFFFFFF0]  }
0xc0: {  	v13 =	vadd.f32 v12, v16;
	v12 =	vadd.f32 v9, v18;
	v9 =	vld [tilespmem:s28+$0x0];
	s28 =	sadd.s32 $0x200, s28  }
0xc1: {  	_ = 	snop  }
0xc2: {  	v4 =	vadd.f32 v4, v11;
	v2 =	vadd.f32 v2, v13  }
0xc3: {  	v7 =	vadd.f32 v7, v10;
	v3 =	vadd.f32 v3, v12  }
0xc4: {  	s26 =	sadd.s32 @!p0 $0x5, s24;
	v4 =	vadd.f32 v5, v4;
	v0 =	vadd.f32 v0, v2  }
0xc5: {  	s28 =	sand.u32 @!p0 $0x1D, s26;
	v2 =	vadd.f32 v8, v7;
	v1 =	vadd.f32 v1, v3  }
0xc6: {  	s26 =	sshll.u32 @!p0 s26, $0x1A;
	s28 =	smul.u32 @!p0 $0x320, s28;
	v3 =	vadd.f32 v6, v4;
	[tilespmem:s25+$0xFA40] =	vst v0  }
0xc7: {  	s26 =	sshra.s32 @!p0 s26, $0x1F;
	v0 =	vadd.f32 v9, v2;
	[tilespmem:s25+$0xFA50] =	vst v1  }
0xc8: {  	s26 =	sand.u32 @!p0 $0x1900, s26;
	s28 =	sshrl.u32 @!p0 s28, $0x2;
	[tilespmem:s25+$0xFA60] =	vst v3  }
0xc9: {  	s29 =	simm.s32 @!p0 $0x6400;
	s26 =	sadd.s32 @!p0 s28, s26;
	s28 =	simm.s32 @!p0 $0xC8;
	[tilespmem:s25+$0xFA70] =	vst v0  }
0xca: {  	[tilespmem:s29], [sflag:$0x2] =	stream.indirect.gather @!p0 [hbm4b:s5+s28], $0x40, s26, s28, $0xb8;
	[tilespmem:$0x17A00] =	vst v63  }
0xcb: {  	_ =	swait.ge [sflag:s18], $0x3200  }
0xcc: {  	[sflag:s18] =	ssyncset.done $0x0  }
0xcd: {  	s28 =	simm.s32 $0x9600;
	[sflag:s18] =	ssyncadd.s32 $0xFFFFCE00  }
0xce: {  	v0 =	vld [tilespmem:s28+$0x1C0]  }
0xcf: {  	v1 =	vld [tilespmem:s28+$0x1D0]  }
0xd0: {  	v2 =	vld [tilespmem:s28+$0x180]  }
0xd1: {  	v3 =	vld [tilespmem:s28+$0x190]  }
0xd2: {  	v9 =	vld [tilespmem:s28+$0x140]  }
0xd3: {  	v12 =	vld [tilespmem:s28+$0x150]  }
0xd4: {  	v6 =	vld [tilespmem:s28+$0x100]  }
0xd5: {  	v8 =	vld [tilespmem:s28+$0x110]  }
0xd6: {  	v5 =	vld [tilespmem:s28+$0xC0]  }
0xd7: {  	v7 =	vld [tilespmem:s28+$0xD0]  }
0xd8: {  	v4 =	vld [tilespmem:s28+$0x80]  }
0xd9: {  	v10 =	vld [tilespmem:s28+$0x90]  }
0xda: {  	v11 =	vld [tilespmem:s28+$0x40]  }
0xdb: {  	v13 =	vld [tilespmem:s28+$0x50]  }
0xdc: {  	v14 =	vld [tilespmem:s28+$0x0]  }
0xdd: {  	v15 =	vld [tilespmem:s28+$0x10]  }
0xde: {  	v16 =	vld [tilespmem:s28+$0x20]  }
0xdf: {  	v17 =	vld [tilespmem:s28+$0x30]  }
0xe0: {  	v18 =	vld [tilespmem:s28+$0x60]  }
0xe1: {  	v19 =	vld [tilespmem:s28+$0x70]  }
0xe2: {  	v20 =	vimm.f32 $0.0e+00;
	v21 =	vld [tilespmem:s28+$0xA0]  }
0xe3: {  	v22 =	vld [tilespmem:s28+$0xB0];
	v14 =	vadd.f32 v14, v20;
	v15 =	vadd.f32 v15, v20  }
0xe4: {  	v59 =	vld [tilespmem:s28+$0xE0];
	v16 =	vadd.f32 v16, v20;
	v17 =	vadd.f32 v17, v20  }
0xe5: {  	v11 =	vadd.f32 v11, v14;
	v13 =	vadd.f32 v13, v15;
	v14 =	vld [tilespmem:s28+$0xF0]  }
0xe6: {  	v61 =	vld [tilespmem:s28+$0x120];
	v15 =	vadd.f32 v18, v16;
	v60 =	vadd.f32 v19, v17  }
0xe7: {  	v11 =	vadd.f32 v4, v11;
	v10 =	vadd.f32 v10, v13;
	v13 =	vld [tilespmem:s28+$0x130]  }
0xe8: {  	v15 =	vadd.f32 v21, v15;
	v16 =	vadd.f32 v22, v60;
	v4 =	vld [tilespmem:s28+$0x160]  }
0xe9: {  	v11 =	vadd.f32 v5, v11;
	v10 =	vadd.f32 v7, v10;
	v7 =	vld [tilespmem:s28+$0x170]  }
0xea: {  	v15 =	vadd.f32 v59, v15;
	v5 =	vld [tilespmem:s28+$0x1A0];
	v14 =	vadd.f32 v14, v16  }
0xeb: {  	v62 =	vadd.f32 v6, v11;
	v63 =	vadd.f32 v8, v10;
	v8 =	vld [tilespmem:s28+$0x1B0]  }
0xec: {  	v11 =	vadd.f32 v61, v15;
	v6 =	vld [tilespmem:s28+$0x1E0];
	v10 =	vadd.f32 v13, v14  }
0xed: {  	s26 =	simm.s32 $0x0;
	v13 =	vadd.f32 v9, v62;
	v12 =	vadd.f32 v12, v63;
	v9 =	vld [tilespmem:s28+$0x1F0];
	s28 =	simm.s32 $0x9800  }
.LBB2_12:
0xee: {  	v14 =	vld [tilespmem:s28+$0x1C0];
	v4 =	vadd.f32 v4, v11;
	v7 =	vadd.f32 v7, v10  }
0xef: {  	v10 =	vld [tilespmem:s28+$0x1D0];
	v11 =	vadd.f32 v2, v13;
	v12 =	vadd.f32 v3, v12  }
0xf0: {  	v2 =	vld [tilespmem:s28+$0x180];
	v4 =	vadd.f32 v5, v4;
	v5 =	vadd.f32 v8, v7  }
0xf1: {  	v3 =	vld [tilespmem:s28+$0x190];
	v7 =	vadd.f32 v0, v11;
	v8 =	vadd.f32 v1, v12  }
0xf2: {  	v12 =	vld [tilespmem:s28+$0x140];
	v4 =	vadd.f32 v6, v4;
	v5 =	vadd.f32 v9, v5  }
0xf3: {  	v9 =	vld [tilespmem:s28+$0x150];
	v0 =	vmov v14  }
0xf4: {  	v6 =	vld [tilespmem:s28+$0x100];
	v1 =	vmov v10  }
0xf5: {  	v10 =	vld [tilespmem:s28+$0x110]  }
0xf6: {  	v11 =	vld [tilespmem:s28+$0xC0]  }
0xf7: {  	v13 =	vld [tilespmem:s28+$0xD0]  }
0xf8: {  	v14 =	vld [tilespmem:s28+$0x80]  }
0xf9: {  	v15 =	vld [tilespmem:s28+$0x90]  }
0xfa: {  	v16 =	vld [tilespmem:s28+$0x40]  }
0xfb: {  	v17 =	vld [tilespmem:s28+$0x50]  }
0xfc: {  	v18 =	vld [tilespmem:s28+$0x0]  }
0xfd: {  	v19 =	vld [tilespmem:s28+$0x10]  }
0xfe: {  	v20 =	vld [tilespmem:s28+$0x20]  }
0xff: {  	s26 =	sadd.s32 $0x8, s26;
	v21 =	vld [tilespmem:s28+$0x30]  }
0x100: {  	p1 =	slt.u32 s26, $0xC0;
	v22 =	vld [tilespmem:s28+$0x60]  }
0x101: {  	v23 =	vld [tilespmem:s28+$0x70]  }
0x102: {  	v24 =	vld [tilespmem:s28+$0xA0]  }
0x103: {  	v7 =	vadd.f32 v18, v7;
	v8 =	vadd.f32 v19, v8;
	v18 =	vld [tilespmem:s28+$0xB0]  }
0x104: {  	v4 =	vadd.f32 v20, v4;
	v5 =	vadd.f32 v21, v5;
	v19 =	vld [tilespmem:s28+$0xE0]  }
0x105: {  	v7 =	vadd.f32 v16, v7;
	v8 =	vadd.f32 v17, v8;
	v16 =	vld [tilespmem:s28+$0xF0]  }
0x106: {  	v4 =	vadd.f32 v22, v4;
	v5 =	vadd.f32 v23, v5;
	v17 =	vld [tilespmem:s28+$0x120]  }
0x107: {  	v7 =	vadd.f32 v14, v7;
	v8 =	vadd.f32 v15, v8;
	v14 =	vld [tilespmem:s28+$0x130]  }
0x108: {  	v15 =	vadd.f32 v24, v4;
	v5 =	vadd.f32 v18, v5;
	v4 =	vld [tilespmem:s28+$0x160]  }
.Ltmp5:
0x109: {  	v11 =	vadd.f32 v11, v7;
	v8 =	vadd.f32 v13, v8;
	v7 =	vld [tilespmem:s28+$0x170];
	(pc) =	sbr.rel @p1 .LBB2_12-.Ltmp5, $4  }
0x10a: {  	v13 =	vadd.f32 v19, v15;
	v15 =	vadd.f32 v16, v5;
	v5 =	vld [tilespmem:s28+$0x1A0]  }
0x10b: {  	v16 =	vadd.f32 v6, v11;
	v18 =	vadd.f32 v10, v8;
	v8 =	vld [tilespmem:s28+$0x1B0]  }
0x10c: {  	v11 =	vadd.f32 v17, v13;
	v10 =	vadd.f32 v14, v15;
	v6 =	vld [tilespmem:s28+$0x1E0]  }
0x10d: {  	v13 =	vadd.f32 v12, v16;
	v12 =	vadd.f32 v9, v18;
	v9 =	vld [tilespmem:s28+$0x1F0];
	s28 =	sadd.s32 $0x200, s28  }
0x10e: {  	_ = 	snop  }
0x10f: {  	v4 =	vadd.f32 v4, v11;
	v2 =	vadd.f32 v2, v13  }
0x110: {  	v7 =	vadd.f32 v7, v10;
	v3 =	vadd.f32 v3, v12  }
0x111: {  	s24 =	sadd.s32 @!p0 $0x6, s24;
	v4 =	vadd.f32 v5, v4;
	v0 =	vadd.f32 v0, v2  }
0x112: {  	s26 =	sand.u32 @!p0 $0x1E, s24;
	v2 =	vadd.f32 v8, v7;
	v1 =	vadd.f32 v1, v3  }
0x113: {  	s24 =	sshll.u32 @!p0 s24, $0x1A;
	s26 =	smul.u32 @!p0 $0x320, s26;
	v3 =	vadd.f32 v6, v4;
	[tilespmem:s25+$0xFA80] =	vst v0  }
0x114: {  	s24 =	sshra.s32 @!p0 s24, $0x1F;
	v0 =	vadd.f32 v9, v2;
	[tilespmem:s25+$0xFA90] =	vst v1  }
0x115: {  	s24 =	sand.u32 @!p0 $0x1900, s24;
	s26 =	sshrl.u32 @!p0 s26, $0x2;
	[tilespmem:s25+$0xFAA0] =	vst v3  }
0x116: {  	s24 =	sadd.s32 @!p0 s26, s24;
	s26 =	simm.s32 @!p0 $0x9600;
	[tilespmem:s25+$0xFAB0] =	vst v0;
	s25 =	simm.s32 @!p0 $0xC8  }
0x117: {  	[tilespmem:s26], [sflag:$0x3] =	stream.indirect.gather @!p0 [hbm4b:s5+s25], $0x40, s24, s25, $0xb8;
	[tilespmem:$0x17A00] =	vst v63  }
0x118: {  	_ =	swait.ge [sflag:s19], $0x3200  }
0x119: {  	[sflag:s19] =	ssyncset.done $0x0  }
0x11a: {  	s31 =	simm.s32 $0xC800;
	[sflag:s19] =	ssyncadd.s32 $0xFFFFCE00  }
0x11b: {  	v0 =	vld [tilespmem:s31+$0x1C0]  }
0x11c: {  	v1 =	vld [tilespmem:s31+$0x1D0]  }
0x11d: {  	v2 =	vld [tilespmem:s31+$0x180]  }
0x11e: {  	v3 =	vld [tilespmem:s31+$0x190]  }
0x11f: {  	v9 =	vld [tilespmem:s31+$0x140]  }
0x120: {  	v12 =	vld [tilespmem:s31+$0x150]  }
0x121: {  	v6 =	vld [tilespmem:s31+$0x100]  }
0x122: {  	v8 =	vld [tilespmem:s31+$0x110]  }
0x123: {  	v5 =	vld [tilespmem:s31+$0xC0]  }
0x124: {  	v7 =	vld [tilespmem:s31+$0xD0]  }
0x125: {  	v4 =	vld [tilespmem:s31+$0x80]  }
0x126: {  	v10 =	vld [tilespmem:s31+$0x90]  }
0x127: {  	v11 =	vld [tilespmem:s31+$0x40]  }
0x128: {  	v13 =	vld [tilespmem:s31+$0x50]  }
0x129: {  	v14 =	vld [tilespmem:s31+$0x0]  }
0x12a: {  	v15 =	vld [tilespmem:s31+$0x10]  }
0x12b: {  	v16 =	vld [tilespmem:s31+$0x20]  }
0x12c: {  	v17 =	vld [tilespmem:s31+$0x30]  }
0x12d: {  	v18 =	vld [tilespmem:s31+$0x60]  }
0x12e: {  	v19 =	vld [tilespmem:s31+$0x70]  }
0x12f: {  	v20 =	vimm.f32 $0.0e+00;
	v21 =	vld [tilespmem:s31+$0xA0]  }
0x130: {  	v22 =	vld [tilespmem:s31+$0xB0];
	v14 =	vadd.f32 v14, v20;
	v15 =	vadd.f32 v15, v20  }
0x131: {  	v59 =	vld [tilespmem:s31+$0xE0];
	v16 =	vadd.f32 v16, v20;
	v17 =	vadd.f32 v17, v20  }
0x132: {  	v11 =	vadd.f32 v11, v14;
	v13 =	vadd.f32 v13, v15;
	v14 =	vld [tilespmem:s31+$0xF0]  }
0x133: {  	v61 =	vld [tilespmem:s31+$0x120];
	v15 =	vadd.f32 v18, v16;
	v60 =	vadd.f32 v19, v17  }
0x134: {  	v11 =	vadd.f32 v4, v11;
	v10 =	vadd.f32 v10, v13;
	v13 =	vld [tilespmem:s31+$0x130]  }
0x135: {  	v15 =	vadd.f32 v21, v15;
	v16 =	vadd.f32 v22, v60;
	v4 =	vld [tilespmem:s31+$0x160]  }
0x136: {  	v11 =	vadd.f32 v5, v11;
	v10 =	vadd.f32 v7, v10;
	v7 =	vld [tilespmem:s31+$0x170]  }
0x137: {  	v15 =	vadd.f32 v59, v15;
	v5 =	vld [tilespmem:s31+$0x1A0];
	v14 =	vadd.f32 v14, v16  }
0x138: {  	v62 =	vadd.f32 v6, v11;
	v63 =	vadd.f32 v8, v10;
	v8 =	vld [tilespmem:s31+$0x1B0]  }
0x139: {  	v11 =	vadd.f32 v61, v15;
	v6 =	vld [tilespmem:s31+$0x1E0];
	v10 =	vadd.f32 v13, v14  }
0x13a: {  	s24 =	simm.s32 $0x0;
	s25 =	simm.s32 $0xCA00;
	v13 =	vadd.f32 v9, v62;
	v12 =	vadd.f32 v12, v63;
	v9 =	vld [tilespmem:s31+$0x1F0]  }
.LBB2_14:
0x13b: {  	v14 =	vld [tilespmem:s25+$0x1C0];
	v4 =	vadd.f32 v4, v11;
	v7 =	vadd.f32 v7, v10  }
0x13c: {  	v10 =	vld [tilespmem:s25+$0x1D0];
	v11 =	vadd.f32 v2, v13;
	v12 =	vadd.f32 v3, v12  }
0x13d: {  	v2 =	vld [tilespmem:s25+$0x180];
	v4 =	vadd.f32 v5, v4;
	v5 =	vadd.f32 v8, v7  }
0x13e: {  	v3 =	vld [tilespmem:s25+$0x190];
	v7 =	vadd.f32 v0, v11;
	v8 =	vadd.f32 v1, v12  }
0x13f: {  	v12 =	vld [tilespmem:s25+$0x140];
	v4 =	vadd.f32 v6, v4;
	v5 =	vadd.f32 v9, v5  }
0x140: {  	v9 =	vld [tilespmem:s25+$0x150];
	v0 =	vmov v14  }
0x141: {  	v6 =	vld [tilespmem:s25+$0x100];
	v1 =	vmov v10  }
0x142: {  	v10 =	vld [tilespmem:s25+$0x110]  }
0x143: {  	v11 =	vld [tilespmem:s25+$0xC0]  }
0x144: {  	v13 =	vld [tilespmem:s25+$0xD0]  }
0x145: {  	v14 =	vld [tilespmem:s25+$0x80]  }
0x146: {  	v15 =	vld [tilespmem:s25+$0x90]  }
0x147: {  	v16 =	vld [tilespmem:s25+$0x40]  }
0x148: {  	v17 =	vld [tilespmem:s25+$0x50]  }
0x149: {  	v18 =	vld [tilespmem:s25+$0x0]  }
0x14a: {  	v19 =	vld [tilespmem:s25+$0x10]  }
0x14b: {  	v20 =	vld [tilespmem:s25+$0x20]  }
0x14c: {  	s24 =	sadd.s32 $0x8, s24;
	v21 =	vld [tilespmem:s25+$0x30]  }
0x14d: {  	p0 =	slt.u32 s24, $0xC0;
	v22 =	vld [tilespmem:s25+$0x60]  }
0x14e: {  	v23 =	vld [tilespmem:s25+$0x70]  }
0x14f: {  	v24 =	vld [tilespmem:s25+$0xA0]  }
0x150: {  	v7 =	vadd.f32 v18, v7;
	v8 =	vadd.f32 v19, v8;
	v18 =	vld [tilespmem:s25+$0xB0]  }
0x151: {  	v4 =	vadd.f32 v20, v4;
	v5 =	vadd.f32 v21, v5;
	v19 =	vld [tilespmem:s25+$0xE0]  }
0x152: {  	v7 =	vadd.f32 v16, v7;
	v8 =	vadd.f32 v17, v8;
	v16 =	vld [tilespmem:s25+$0xF0]  }
0x153: {  	v4 =	vadd.f32 v22, v4;
	v5 =	vadd.f32 v23, v5;
	v17 =	vld [tilespmem:s25+$0x120]  }
0x154: {  	v7 =	vadd.f32 v14, v7;
	v8 =	vadd.f32 v15, v8;
	v14 =	vld [tilespmem:s25+$0x130]  }
0x155: {  	v15 =	vadd.f32 v24, v4;
	v5 =	vadd.f32 v18, v5;
	v4 =	vld [tilespmem:s25+$0x160]  }
.Ltmp6:
0x156: {  	v11 =	vadd.f32 v11, v7;
	v8 =	vadd.f32 v13, v8;
	v7 =	vld [tilespmem:s25+$0x170];
	(pc) =	sbr.rel @p0 .LBB2_14-.Ltmp6, $4  }
0x157: {  	v13 =	vadd.f32 v19, v15;
	v15 =	vadd.f32 v16, v5;
	v5 =	vld [tilespmem:s25+$0x1A0]  }
0x158: {  	v16 =	vadd.f32 v6, v11;
	v18 =	vadd.f32 v10, v8;
	v8 =	vld [tilespmem:s25+$0x1B0]  }
0x159: {  	v11 =	vadd.f32 v17, v13;
	v10 =	vadd.f32 v14, v15;
	v6 =	vld [tilespmem:s25+$0x1E0]  }
0x15a: {  	v13 =	vadd.f32 v12, v16;
	v12 =	vadd.f32 v9, v18;
	v9 =	vld [tilespmem:s25+$0x1F0];
	s25 =	sadd.s32 $0x200, s25  }
0x15b: {  	_ = 	snop  }
0x15c: {  	v4 =	vadd.f32 v4, v11;
	v2 =	vadd.f32 v2, v13  }
0x15d: {  	v7 =	vadd.f32 v7, v10;
	s22 =	sadd.s32 $0x1, s22;
	v3 =	vadd.f32 v3, v12  }
0x15e: {  	s23 =	sshll.u32 s23, $0x6;
	p0 =	sne.s32 s22, $0x80;
	v4 =	vadd.f32 v5, v4;
	v0 =	vadd.f32 v0, v2  }
.Ltmp7:
0x15f: {  	s23 =	sand.u32 $0x3FFFFFC0, s23;
	v61 =	vadd.f32 v8, v7;
	v1 =	vadd.f32 v1, v3;
	(pc) =	sbr.rel @p0 .LBB2_2-.Ltmp7, $4  }
.Ltmp8:
0x160: {  	v62 =	vadd.f32 v6, v4;
	[tilespmem:s23+$0xFA00] =	vst v0;
	(pc) =	sbr.rel @!p0 .LBB2_16-.Ltmp8, $4  }
0x161: {  	v63 =	vadd.f32 v9, v61;
	[tilespmem:s23+$0xFA10] =	vst v1  }
0x162: {  	[tilespmem:s23+$0xFA20] =	vst v62  }
0x163: {  	[tilespmem:s23+$0xFA30] =	vst v63  }
0x164: {  	_ = 	snop  }
.LBB2_6:
.Ltmp9:
0x165: {  	(pc) =	sbr.rel @p0 .LBB2_9-.Ltmp9, $1  }
0x166: {  	_ =	sdelay $0x3  }
.Ltmp10:
0x167: {  	(pc) =	sbr.rel .LBB2_8-.Ltmp10, $2  }
0x168: {  	_ =	sdelay $0x2  }
0x169: {  	s28 =	sand.u32 $0x20, s28  }
.LBB2_17:
0x16a: {  	_ =	sfence.sel $0x180000  }
0x16b: {  	[bflag:$0x0] =	sbarrier.arrive $0xFFFF  }
0x16c: {  	p0 =	sne.s32 s1, $0x0;
	_ =	strace $0x90000047  }
0x16d: {  	s0 =	sadd.s32 @!p0 $0x100000, s0;
	[bflag:$0x2] =	sbarrier.arrive $0xFFFF  }
0x16e: {  	[sflag:s0] =	ssyncadd.tile.s32 @!p0 $0x1;
	_ =	shalt  }
.Lfunc_end2:
_tile_overlayer_lowered:
.L_overlay_start_2:
0x16f: {  	(tag) =	ssettag $0x2  }
0x170: {  	s0 =	rddreg [dreg:$0x0];
	s2 =	stileid.u32  }
0x171: {  	s1 =	rddreg [dreg:$0x1];
	p0 =	sne.s32 s2, $0x0  }
0x172: {  	s3 =	rddreg [dreg:$0x2];
	[bflag:$0x3] =	sbarrier.arrive $0xFFFF;
	s2 =	simm.s32 @!p0 $0x1C05  }
0x173: {  	[timem:s3], [sflag:s2] =	dma.local @!p0 [hbm:s0], s1  }
0x174: {  	s0 =	simm.s32 @!p0 $0x5  }
0x175: {  	_ =	swait.ge @!p0 [sflag:s0], s1  }
0x176: {  	s1 =	ssub.s32 @!p0 $0x0, s1;
	[sflag:s0] =	ssyncset.done @!p0 $0x0  }
0x177: {  	[sflag:s0] =	ssyncadd.s32 @!p0 s1  }
0x178: {  	[bflag:$0x3] =	sbarrier.arrive $0xFFFF  }
0x179: {  	_ =	shalt  }

</sc_bundles>
